<compile_context>
chip_gen: v7x
topology: tpu7x:2x2x1
jax: 0.10.2.dev20260603
libtpu: 0.0.44.dev20260713+nightly
codegen_flags: <defaults>
</compile_context>

<pallas_src>
import functools

import jax
import jax.numpy as jnp
from jax import lax
from jax.experimental import pallas as pl
from jax.experimental.pallas import tpu as pltpu
from jax.experimental.pallas import tpu_sc as plsc

_EPS = 1e-05
_L = 16
_NW = 32
_RB = 64


def kernel(x_flat_nc, mask_flat, gamma, beta, moving_mean, moving_var):
    n, c = x_flat_nc.shape
    rpw = n // _NW
    g = rpw // _RB
    ngrp = c // _L
    m_i32 = mask_flat.astype(jnp.int32)

    mesh = plsc.VectorSubcoreMesh(core_axis_name="c", subcore_axis_name="s")

    @functools.partial(
        pl.kernel,
        out_type=jax.ShapeDtypeStruct((n, c), jnp.float32),
        mesh=mesh,
        scratch_types=[
            pltpu.VMEM((_RB, c), jnp.float32),
            pltpu.VMEM((_RB, c), jnp.float32),
            pltpu.VMEM((rpw + _L,), jnp.int32),
            pltpu.VMEM((c,), jnp.float32),
            pltpu.VMEM((c,), jnp.float32),
            pltpu.VMEM((c,), jnp.float32),
            pltpu.VMEM((c,), jnp.float32),
            pltpu.VMEM((c,), jnp.float32),
            pltpu.VMEM((c,), jnp.float32),
            pltpu.SemaphoreType.DMA,
            pltpu.SemaphoreType.DMA,
            pltpu.SemaphoreType.DMA,
            pltpu.SemaphoreType.DMA,
        ],
    )
    def run(x_hbm, m_hbm, g_hbm, bt_hbm, mu_hbm, var_hbm, o_hbm,
            buf0, buf1, m_v, g_v, bt_v, mu_v, var_v, s_v, b_v,
            si0, si1, so0, so1):
        wid = lax.axis_index("s") * 2 + lax.axis_index("c")
        base = wid * rpw

        pltpu.sync_copy(g_hbm, g_v)
        pltpu.sync_copy(bt_hbm, bt_v)
        pltpu.sync_copy(mu_hbm, mu_v)
        pltpu.sync_copy(var_hbm, var_v)
        pltpu.sync_copy(m_hbm.at[pl.ds(base, rpw)], m_v.at[pl.ds(0, rpw)])

        for j in range(ngrp):
            sl = pl.ds(j * _L, _L)
            v = var_v[sl] + _EPS
            y = v * 0.0 + 1.0
            for _ in range(6):
                y = 0.5 * (y + v / y)
            s = g_v[sl] / y
            s_v[sl] = s
            b_v[sl] = bt_v[sl] - mu_v[sl] * s

        bufs = (buf0, buf1)
        sin = (si0, si1)
        sout = (so0, so1)

        def in_cp(ch, b):
            return pltpu.make_async_copy(
                x_hbm.at[pl.ds(base + ch * _RB, _RB), :], bufs[b], sin[b])

        def out_cp(ch, b):
            return pltpu.make_async_copy(
                bufs[b], o_hbm.at[pl.ds(base + ch * _RB, _RB), :], sout[b])

        in_cp(0, 0).start()

        def chunk(ch, b):
            in_cp(ch, b).wait()

            @pl.when(ch >= 1)
            def _():
                out_cp(ch - 1, 1 - b).wait()

            @pl.when(ch + 1 < g)
            def _():
                in_cp(ch + 1, 1 - b).start()

            def row(r, carry):
                mvec = m_v[pl.ds(ch * _RB + r, _L)]

                @pl.when(mvec[0] != 0)
                def _():
                    def col(j, cc):
                        sl = pl.ds(j * _L, _L)
                        bufs[b][r, sl] = bufs[b][r, sl] * s_v[sl] + b_v[sl]
                        return cc

                    lax.fori_loop(0, ngrp, col, 0, unroll=8)
                return carry

            if True:
                pass
            else:
                lax.fori_loop(0, _RB, row, 0)
            out_cp(ch, b).start()

        def grp(g2, carry):
            chunk(2 * g2, 0)
            chunk(2 * g2 + 1, 1)
            return carry

        lax.fori_loop(0, g // 2, grp, 0)
        out_cp(g - 1, 1).wait()

    return run(x_flat_nc, m_i32, gamma, beta, moving_mean, moving_var)

# --- scband reference (transcript-rebuilt; emitter-appended) ---
"""Pipeline reference for scband-masked-batch-norm1-d-27144193311257 (READ-ONLY COPY).

The authoritative reference and input builder live on the scoring server;
editing this copy changes nothing except your own understanding.
"""

import jax, jax.numpy as jnp
import numpy as np

EPS = 1e-05

def setup_inputs(seed: int = 0) -> dict:
    key = jax.random.key(seed)
    k1, k2, k3, k4, k5, k6 = jax.random.split(key, 6)
    N, C = 65536, 512
    x = jax.random.normal(k1, (N, C), dtype=jnp.float32)
    mask = jax.random.randint(k2, (N,), 0, 2) > 0  # bool mask, ~50% valid
    # BatchNormalization parameters (inference mode uses moving statistics)
    gamma = jax.random.normal(k3, (C,), dtype=jnp.float32) * 0.1 + 1.0
    beta = jax.random.normal(k4, (C,), dtype=jnp.float32) * 0.1
    moving_mean = jax.random.normal(k5, (C,), dtype=jnp.float32) * 0.1
    moving_var = jax.random.uniform(k6, (C,), dtype=jnp.float32, minval=0.5, maxval=1.5)
    return {
        "x_flat_nc": x,
        "mask_flat": mask,
        "gamma": gamma,
        "beta": beta,
        "moving_mean": moving_mean,
        "moving_var": moving_var,
    }

def reference(x_flat_nc, mask_flat, gamma, beta, moving_mean, moving_var):
    # BatchNormalization in inference mode: (x - moving_mean) / sqrt(moving_var + eps) * gamma + beta
    inv = jax.lax.rsqrt(moving_var + EPS)
    normed = (x_flat_nc - moving_mean) * inv * gamma + beta
    # Overwrite the masked rows with normalized values (fixed-shape masked select)
    x_out = jnp.where(mask_flat[:, None], normed, x_flat_nc)
    return x_out

if __name__ == "__main__":
    import jax
    _d = setup_inputs()
    print(jax.jit(kernel)(*tuple(_d.values())))

</pallas_src>

<mosaic_0001>
#map = affine_map<(d0, d1) -> (0, 0)>
#map1 = affine_map<(d0, d1) -> (0)>
module attributes {stable_mosaic.version = 14 : i64} {
  func.func @run(%arg0: i32, %arg1: i32, %arg2: memref<65536x512xf32, #tpu.memory_space<hbm>>, %arg3: memref<65536xi32, #tpu.memory_space<hbm>>, %arg4: memref<512xf32, #tpu.memory_space<hbm>>, %arg5: memref<512xf32, #tpu.memory_space<hbm>>, %arg6: memref<512xf32, #tpu.memory_space<hbm>>, %arg7: memref<512xf32, #tpu.memory_space<hbm>>, %arg8: memref<65536x512xf32, #tpu.memory_space<hbm>>, %arg9: memref<64x512xf32, #tpu.memory_space<vmem>>, %arg10: memref<64x512xf32, #tpu.memory_space<vmem>>, %arg11: memref<2064xi32, #tpu.memory_space<vmem>>, %arg12: memref<512xf32, #tpu.memory_space<vmem>>, %arg13: memref<512xf32, #tpu.memory_space<vmem>>, %arg14: memref<512xf32, #tpu.memory_space<vmem>>, %arg15: memref<512xf32, #tpu.memory_space<vmem>>, %arg16: memref<512xf32, #tpu.memory_space<vmem>>, %arg17: memref<512xf32, #tpu.memory_space<vmem>>, %arg18: memref<!tpu.dma_semaphore, #tpu.memory_space<semaphore_mem>>, %arg19: memref<!tpu.dma_semaphore, #tpu.memory_space<semaphore_mem>>, %arg20: memref<!tpu.dma_semaphore, #tpu.memory_space<semaphore_mem>>, %arg21: memref<!tpu.dma_semaphore, #tpu.memory_space<semaphore_mem>>) attributes {dimension_semantics = [#tpu.dimension_semantics<core_parallel>, #tpu.dimension_semantics<subcore_parallel>], iteration_bounds = array<i64: 2, 16>, scalar_prefetch = 0 : i64, scratch_operands = 13 : i64, tpu.core_type = #tpu.core_type<sc_vector_subcore>, window_params = [{transform_indices = #map}, {transform_indices = #map1}, {transform_indices = #map1}, {transform_indices = #map1}, {transform_indices = #map1}, {transform_indices = #map1}, {transform_indices = #map}]} {
    %mul3A = arith.constant 2 : i32
    %mul3A_0 = arith.muli %arg1, %mul3A : i32
    %add3A = arith.addi %mul3A_0, %arg0 : i32
    %mul3A_1 = arith.constant 2048 : i32
    %mul3A_2 = arith.muli %add3A, %mul3A_1 : i32
    "tpu.region"() ({
      %run_scoped3A = tpu.sem_alloc : memref<!tpu.dma_semaphore, #tpu.memory_space<semaphore_mem>>
      tpu.enqueue_dma source(%arg4 : memref<512xf32, #tpu.memory_space<hbm>>) target(%arg12 : memref<512xf32, #tpu.memory_space<vmem>>) target_semaphore(%run_scoped3A : memref<!tpu.dma_semaphore, #tpu.memory_space<semaphore_mem>>)
      tpu.wait_dma2 semaphore(%run_scoped3A : memref<!tpu.dma_semaphore, #tpu.memory_space<semaphore_mem>>) src(%arg4 : memref<512xf32, #tpu.memory_space<hbm>>) dst(%arg12 : memref<512xf32, #tpu.memory_space<vmem>>)
      tpu.yield
    }) : () -> ()
    "tpu.region"() ({
      %run_scoped3A = tpu.sem_alloc : memref<!tpu.dma_semaphore, #tpu.memory_space<semaphore_mem>>
      tpu.enqueue_dma source(%arg5 : memref<512xf32, #tpu.memory_space<hbm>>) target(%arg13 : memref<512xf32, #tpu.memory_space<vmem>>) target_semaphore(%run_scoped3A : memref<!tpu.dma_semaphore, #tpu.memory_space<semaphore_mem>>)
      tpu.wait_dma2 semaphore(%run_scoped3A : memref<!tpu.dma_semaphore, #tpu.memory_space<semaphore_mem>>) src(%arg5 : memref<512xf32, #tpu.memory_space<hbm>>) dst(%arg13 : memref<512xf32, #tpu.memory_space<vmem>>)
      tpu.yield
    }) : () -> ()
    "tpu.region"() ({
      %run_scoped3A = tpu.sem_alloc : memref<!tpu.dma_semaphore, #tpu.memory_space<semaphore_mem>>
      tpu.enqueue_dma source(%arg6 : memref<512xf32, #tpu.memory_space<hbm>>) target(%arg14 : memref<512xf32, #tpu.memory_space<vmem>>) target_semaphore(%run_scoped3A : memref<!tpu.dma_semaphore, #tpu.memory_space<semaphore_mem>>)
      tpu.wait_dma2 semaphore(%run_scoped3A : memref<!tpu.dma_semaphore, #tpu.memory_space<semaphore_mem>>) src(%arg6 : memref<512xf32, #tpu.memory_space<hbm>>) dst(%arg14 : memref<512xf32, #tpu.memory_space<vmem>>)
      tpu.yield
    }) : () -> ()
    "tpu.region"() ({
      %run_scoped3A = tpu.sem_alloc : memref<!tpu.dma_semaphore, #tpu.memory_space<semaphore_mem>>
      tpu.enqueue_dma source(%arg7 : memref<512xf32, #tpu.memory_space<hbm>>) target(%arg15 : memref<512xf32, #tpu.memory_space<vmem>>) target_semaphore(%run_scoped3A : memref<!tpu.dma_semaphore, #tpu.memory_space<semaphore_mem>>)
      tpu.wait_dma2 semaphore(%run_scoped3A : memref<!tpu.dma_semaphore, #tpu.memory_space<semaphore_mem>>) src(%arg7 : memref<512xf32, #tpu.memory_space<hbm>>) dst(%arg15 : memref<512xf32, #tpu.memory_space<vmem>>)
      tpu.yield
    }) : () -> ()
    "tpu.region"() ({
      %run_scoped3A = tpu.sem_alloc : memref<!tpu.dma_semaphore, #tpu.memory_space<semaphore_mem>>
      %dma_start3A_1998 = arith.constant 0 : i32
      %dma_start3A_1999 = tpu.memref_slice %arg11[%dma_start3A_1998] : memref<2064xi32, #tpu.memory_space<vmem>> -> memref<2048xi32, #tpu.memory_space<vmem>>
      %dma_start3A_2000 = tpu.memref_slice %arg3[%mul3A_2] : memref<65536xi32, #tpu.memory_space<hbm>> -> memref<2048xi32, #tpu.memory_space<hbm>>
      %dma_start3A_2001 = arith.constant 0 : i32
      %dma_start3A_2002 = tpu.memref_slice %arg11[%dma_start3A_2001] : memref<2064xi32, #tpu.memory_space<vmem>> -> memref<2048xi32, #tpu.memory_space<vmem>>
      %dma_start3A_2003 = tpu.memref_slice %arg3[%mul3A_2] : memref<65536xi32, #tpu.memory_space<hbm>> -> memref<2048xi32, #tpu.memory_space<hbm>>
      tpu.enqueue_dma source(%dma_start3A_2003 : memref<2048xi32, #tpu.memory_space<hbm>>) target(%dma_start3A_2002 : memref<2048xi32, #tpu.memory_space<vmem>>) target_semaphore(%run_scoped3A : memref<!tpu.dma_semaphore, #tpu.memory_space<semaphore_mem>>)
      %dma_wait3A_2004 = arith.constant 0 : i32
      %dma_wait3A_2005 = tpu.memref_slice %arg11[%dma_wait3A_2004] : memref<2064xi32, #tpu.memory_space<vmem>> -> memref<2048xi32, #tpu.memory_space<vmem>>
      %dma_wait3A_2006 = tpu.memref_slice %arg3[%mul3A_2] : memref<65536xi32, #tpu.memory_space<hbm>> -> memref<2048xi32, #tpu.memory_space<hbm>>
      %dma_wait3A_2007 = arith.constant 0 : i32
      %dma_wait3A_2008 = tpu.memref_slice %arg11[%dma_wait3A_2007] : memref<2064xi32, #tpu.memory_space<vmem>> -> memref<2048xi32, #tpu.memory_space<vmem>>
      %dma_wait3A_2009 = tpu.memref_slice %arg3[%mul3A_2] : memref<65536xi32, #tpu.memory_space<hbm>> -> memref<2048xi32, #tpu.memory_space<hbm>>
      tpu.wait_dma2 semaphore(%run_scoped3A : memref<!tpu.dma_semaphore, #tpu.memory_space<semaphore_mem>>) src(%dma_wait3A_2009 : memref<2048xi32, #tpu.memory_space<hbm>>) dst(%dma_wait3A_2008 : memref<2048xi32, #tpu.memory_space<vmem>>)
      tpu.yield
    }) : () -> ()
    %get3A = arith.constant 0 : index
    %get3A_3 = tpu.vector_load %arg15[%get3A] {strides = array<i32>} : memref<512xf32, #tpu.memory_space<vmem>>, vector<16xf32>,
    %get3A_4 = vector.shape_cast %get3A_3 : vector<16xf32> to vector<16xf32>
    %add3A_5 = arith.constant 9.99999974E-6 : f32
    %add3A_6 = vector.broadcast %add3A_5 : f32 to vector<16xf32>
    %add3A_7 = arith.addf %get3A_4, %add3A_6 : vector<16xf32>
    %mul3A_8 = arith.constant 0.000000e+00 : f32
    %mul3A_9 = vector.broadcast %mul3A_8 : f32 to vector<16xf32>
    %mul3A_10 = arith.mulf %add3A_7, %mul3A_9 : vector<16xf32>
    %add3A_11 = arith.constant 1.000000e+00 : f32
    %add3A_12 = vector.broadcast %add3A_11 : f32 to vector<16xf32>
    %add3A_13 = arith.addf %mul3A_10, %add3A_12 : vector<16xf32>
    %div3A = arith.divf %add3A_7, %add3A_13 : vector<16xf32>
    %add3A_14 = arith.addf %add3A_13, %div3A : vector<16xf32>
    %mul3A_15 = arith.constant 5.000000e-01 : f32
    %mul3A_16 = vector.broadcast %mul3A_15 : f32 to vector<16xf32>
    %mul3A_17 = arith.mulf %mul3A_16, %add3A_14 : vector<16xf32>
    %div3A_18 = arith.divf %add3A_7, %mul3A_17 : vector<16xf32>
    %add3A_19 = arith.addf %mul3A_17, %div3A_18 : vector<16xf32>
    %mul3A_20 = arith.constant 5.000000e-01 : f32
    %mul3A_21 = vector.broadcast %mul3A_20 : f32 to vector<16xf32>
    %mul3A_22 = arith.mulf %mul3A_21, %add3A_19 : vector<16xf32>
    %div3A_23 = arith.divf %add3A_7, %mul3A_22 : vector<16xf32>
    %add3A_24 = arith.addf %mul3A_22, %div3A_23 : vector<16xf32>
    %mul3A_25 = arith.constant 5.000000e-01 : f32
    %mul3A_26 = vector.broadcast %mul3A_25 : f32 to vector<16xf32>
    %mul3A_27 = arith.mulf %mul3A_26, %add3A_24 : vector<16xf32>
    %div3A_28 = arith.divf %add3A_7, %mul3A_27 : vector<16xf32>
    %add3A_29 = arith.addf %mul3A_27, %div3A_28 : vector<16xf32>
    %mul3A_30 = arith.constant 5.000000e-01 : f32
    %mul3A_31 = vector.broadcast %mul3A_30 : f32 to vector<16xf32>
    %mul3A_32 = arith.mulf %mul3A_31, %add3A_29 : vector<16xf32>
    %div3A_33 = arith.divf %add3A_7, %mul3A_32 : vector<16xf32>
    %add3A_34 = arith.addf %mul3A_32, %div3A_33 : vector<16xf32>
    %mul3A_35 = arith.constant 5.000000e-01 : f32
    %mul3A_36 = vector.broadcast %mul3A_35 : f32 to vector<16xf32>
    %mul3A_37 = arith.mulf %mul3A_36, %add3A_34 : vector<16xf32>
    %div3A_38 = arith.divf %add3A_7, %mul3A_37 : vector<16xf32>
    %add3A_39 = arith.addf %mul3A_37, %div3A_38 : vector<16xf32>
    %mul3A_40 = arith.constant 5.000000e-01 : f32
    %mul3A_41 = vector.broadcast %mul3A_40 : f32 to vector<16xf32>
    %mul3A_42 = arith.mulf %mul3A_41, %add3A_39 : vector<16xf32>
    %get3A_43 = arith.constant 0 : index
    %get3A_44 = tpu.vector_load %arg12[%get3A_43] {strides = array<i32>} : memref<512xf32, #tpu.memory_space<vmem>>, vector<16xf32>,
    %get3A_45 = vector.shape_cast %get3A_44 : vector<16xf32> to vector<16xf32>
    %div3A_46 = arith.divf %get3A_45, %mul3A_42 : vector<16xf32>
    %swap3A = arith.constant 0 : index
    %swap3A_47 = tpu.vector_load %arg16[%swap3A] {strides = array<i32>} : memref<512xf32, #tpu.memory_space<vmem>>, vector<16xf32>,
    %swap3A_48 = vector.shape_cast %swap3A_47 : vector<16xf32> to vector<16xf32>
    %swap3A_49 = vector.shape_cast %div3A_46 : vector<16xf32> to vector<16xf32>
    tpu.vector_store %arg16[%swap3A], %swap3A_49 {strides = array<i32>} : memref<512xf32, #tpu.memory_space<vmem>>, vector<16xf32>,
    %get3A_50 = arith.constant 0 : index
    %get3A_51 = tpu.vector_load %arg13[%get3A_50] {strides = array<i32>} : memref<512xf32, #tpu.memory_space<vmem>>, vector<16xf32>,
    %get3A_52 = vector.shape_cast %get3A_51 : vector<16xf32> to vector<16xf32>
    %get3A_53 = arith.constant 0 : index
    %get3A_54 = tpu.vector_load %arg14[%get3A_53] {strides = array<i32>} : memref<512xf32, #tpu.memory_space<vmem>>, vector<16xf32>,
    %get3A_55 = vector.shape_cast %get3A_54 : vector<16xf32> to vector<16xf32>
    %mul3A_56 = arith.mulf %get3A_55, %div3A_46 : vector<16xf32>
    %sub3A = arith.subf %get3A_52, %mul3A_56 : vector<16xf32>
    %swap3A_57 = arith.constant 0 : index
    %swap3A_58 = tpu.vector_load %arg17[%swap3A_57] {strides = array<i32>} : memref<512xf32, #tpu.memory_space<vmem>>, vector<16xf32>,
    %swap3A_59 = vector.shape_cast %swap3A_58 : vector<16xf32> to vector<16xf32>
    %swap3A_60 = vector.shape_cast %sub3A : vector<16xf32> to vector<16xf32>
    tpu.vector_store %arg17[%swap3A_57], %swap3A_60 {strides = array<i32>} : memref<512xf32, #tpu.memory_space<vmem>>, vector<16xf32>,
    %get3A_61 = arith.constant 16 : index
    %get3A_62 = tpu.vector_load %arg15[%get3A_61] {strides = array<i32>} : memref<512xf32, #tpu.memory_space<vmem>>, vector<16xf32>,
    %get3A_63 = vector.shape_cast %get3A_62 : vector<16xf32> to vector<16xf32>
    %add3A_64 = arith.constant 9.99999974E-6 : f32
    %add3A_65 = vector.broadcast %add3A_64 : f32 to vector<16xf32>
    %add3A_66 = arith.addf %get3A_63, %add3A_65 : vector<16xf32>
    %mul3A_67 = arith.constant 0.000000e+00 : f32
    %mul3A_68 = vector.broadcast %mul3A_67 : f32 to vector<16xf32>
    %mul3A_69 = arith.mulf %add3A_66, %mul3A_68 : vector<16xf32>
    %add3A_70 = arith.constant 1.000000e+00 : f32
    %add3A_71 = vector.broadcast %add3A_70 : f32 to vector<16xf32>
    %add3A_72 = arith.addf %mul3A_69, %add3A_71 : vector<16xf32>
    %div3A_73 = arith.divf %add3A_66, %add3A_72 : vector<16xf32>
    %add3A_74 = arith.addf %add3A_72, %div3A_73 : vector<16xf32>
    %mul3A_75 = arith.constant 5.000000e-01 : f32
    %mul3A_76 = vector.broadcast %mul3A_75 : f32 to vector<16xf32>
    %mul3A_77 = arith.mulf %mul3A_76, %add3A_74 : vector<16xf32>
    %div3A_78 = arith.divf %add3A_66, %mul3A_77 : vector<16xf32>
    %add3A_79 = arith.addf %mul3A_77, %div3A_78 : vector<16xf32>
    %mul3A_80 = arith.constant 5.000000e-01 : f32
    %mul3A_81 = vector.broadcast %mul3A_80 : f32 to vector<16xf32>
    %mul3A_82 = arith.mulf %mul3A_81, %add3A_79 : vector<16xf32>
    %div3A_83 = arith.divf %add3A_66, %mul3A_82 : vector<16xf32>
    %add3A_84 = arith.addf %mul3A_82, %div3A_83 : vector<16xf32>
    %mul3A_85 = arith.constant 5.000000e-01 : f32
    %mul3A_86 = vector.broadcast %mul3A_85 : f32 to vector<16xf32>
    %mul3A_87 = arith.mulf %mul3A_86, %add3A_84 : vector<16xf32>
    %div3A_88 = arith.divf %add3A_66, %mul3A_87 : vector<16xf32>
    %add3A_89 = arith.addf %mul3A_87, %div3A_88 : vector<16xf32>
    %mul3A_90 = arith.constant 5.000000e-01 : f32
    %mul3A_91 = vector.broadcast %mul3A_90 : f32 to vector<16xf32>
    %mul3A_92 = arith.mulf %mul3A_91, %add3A_89 : vector<16xf32>
    %div3A_93 = arith.divf %add3A_66, %mul3A_92 : vector<16xf32>
    %add3A_94 = arith.addf %mul3A_92, %div3A_93 : vector<16xf32>
    %mul3A_95 = arith.constant 5.000000e-01 : f32
    %mul3A_96 = vector.broadcast %mul3A_95 : f32 to vector<16xf32>
    %mul3A_97 = arith.mulf %mul3A_96, %add3A_94 : vector<16xf32>
    %div3A_98 = arith.divf %add3A_66, %mul3A_97 : vector<16xf32>
    %add3A_99 = arith.addf %mul3A_97, %div3A_98 : vector<16xf32>
    %mul3A_100 = arith.constant 5.000000e-01 : f32
    %mul3A_101 = vector.broadcast %mul3A_100 : f32 to vector<16xf32>
    %mul3A_102 = arith.mulf %mul3A_101, %add3A_99 : vector<16xf32>
    %get3A_103 = arith.constant 16 : index
    %get3A_104 = tpu.vector_load %arg12[%get3A_103] {strides = array<i32>} : memref<512xf32, #tpu.memory_space<vmem>>, vector<16xf32>,
    %get3A_105 = vector.shape_cast %get3A_104 : vector<16xf32> to vector<16xf32>
    %div3A_106 = arith.divf %get3A_105, %mul3A_102 : vector<16xf32>
    %swap3A_107 = arith.constant 16 : index
    %swap3A_108 = tpu.vector_load %arg16[%swap3A_107] {strides = array<i32>} : memref<512xf32, #tpu.memory_space<vmem>>, vector<16xf32>,
    %swap3A_109 = vector.shape_cast %swap3A_108 : vector<16xf32> to vector<16xf32>
    %swap3A_110 = vector.shape_cast %div3A_106 : vector<16xf32> to vector<16xf32>
    tpu.vector_store %arg16[%swap3A_107], %swap3A_110 {strides = array<i32>} : memref<512xf32, #tpu.memory_space<vmem>>, vector<16xf32>,
    %get3A_111 = arith.constant 16 : index
    %get3A_112 = tpu.vector_load %arg13[%get3A_111] {strides = array<i32>} : memref<512xf32, #tpu.memory_space<vmem>>, vector<16xf32>,
    %get3A_113 = vector.shape_cast %get3A_112 : vector<16xf32> to vector<16xf32>
    %get3A_114 = arith.constant 16 : index
    %get3A_115 = tpu.vector_load %arg14[%get3A_114] {strides = array<i32>} : memref<512xf32, #tpu.memory_space<vmem>>, vector<16xf32>,
    %get3A_116 = vector.shape_cast %get3A_115 : vector<16xf32> to vector<16xf32>
    %mul3A_117 = arith.mulf %get3A_116, %div3A_106 : vector<16xf32>
    %sub3A_118 = arith.subf %get3A_113, %mul3A_117 : vector<16xf32>
    %swap3A_119 = arith.constant 16 : index
    %swap3A_120 = tpu.vector_load %arg17[%swap3A_119] {strides = array<i32>} : memref<512xf32, #tpu.memory_space<vmem>>, vector<16xf32>,
    %swap3A_121 = vector.shape_cast %swap3A_120 : vector<16xf32> to vector<16xf32>
    %swap3A_122 = vector.shape_cast %sub3A_118 : vector<16xf32> to vector<16xf32>
    tpu.vector_store %arg17[%swap3A_119], %swap3A_122 {strides = array<i32>} : memref<512xf32, #tpu.memory_space<vmem>>, vector<16xf32>,
    %get3A_123 = arith.constant 32 : index
    %get3A_124 = tpu.vector_load %arg15[%get3A_123] {strides = array<i32>} : memref<512xf32, #tpu.memory_space<vmem>>, vector<16xf32>,
    %get3A_125 = vector.shape_cast %get3A_124 : vector<16xf32> to vector<16xf32>
    %add3A_126 = arith.constant 9.99999974E-6 : f32
    %add3A_127 = vector.broadcast %add3A_126 : f32 to vector<16xf32>
    %add3A_128 = arith.addf %get3A_125, %add3A_127 : vector<16xf32>
    %mul3A_129 = arith.constant 0.000000e+00 : f32
    %mul3A_130 = vector.broadcast %mul3A_129 : f32 to vector<16xf32>
    %mul3A_131 = arith.mulf %add3A_128, %mul3A_130 : vector<16xf32>
    %add3A_132 = arith.constant 1.000000e+00 : f32
    %add3A_133 = vector.broadcast %add3A_132 : f32 to vector<16xf32>
    %add3A_134 = arith.addf %mul3A_131, %add3A_133 : vector<16xf32>
    %div3A_135 = arith.divf %add3A_128, %add3A_134 : vector<16xf32>
    %add3A_136 = arith.addf %add3A_134, %div3A_135 : vector<16xf32>
    %mul3A_137 = arith.constant 5.000000e-01 : f32
    %mul3A_138 = vector.broadcast %mul3A_137 : f32 to vector<16xf32>
    %mul3A_139 = arith.mulf %mul3A_138, %add3A_136 : vector<16xf32>
    %div3A_140 = arith.divf %add3A_128, %mul3A_139 : vector<16xf32>
    %add3A_141 = arith.addf %mul3A_139, %div3A_140 : vector<16xf32>
    %mul3A_142 = arith.constant 5.000000e-01 : f32
    %mul3A_143 = vector.broadcast %mul3A_142 : f32 to vector<16xf32>
    %mul3A_144 = arith.mulf %mul3A_143, %add3A_141 : vector<16xf32>
    %div3A_145 = arith.divf %add3A_128, %mul3A_144 : vector<16xf32>
    %add3A_146 = arith.addf %mul3A_144, %div3A_145 : vector<16xf32>
    %mul3A_147 = arith.constant 5.000000e-01 : f32
    %mul3A_148 = vector.broadcast %mul3A_147 : f32 to vector<16xf32>
    %mul3A_149 = arith.mulf %mul3A_148, %add3A_146 : vector<16xf32>
    %div3A_150 = arith.divf %add3A_128, %mul3A_149 : vector<16xf32>
    %add3A_151 = arith.addf %mul3A_149, %div3A_150 : vector<16xf32>
    %mul3A_152 = arith.constant 5.000000e-01 : f32
    %mul3A_153 = vector.broadcast %mul3A_152 : f32 to vector<16xf32>
    %mul3A_154 = arith.mulf %mul3A_153, %add3A_151 : vector<16xf32>
    %div3A_155 = arith.divf %add3A_128, %mul3A_154 : vector<16xf32>
    %add3A_156 = arith.addf %mul3A_154, %div3A_155 : vector<16xf32>
    %mul3A_157 = arith.constant 5.000000e-01 : f32
    %mul3A_158 = vector.broadcast %mul3A_157 : f32 to vector<16xf32>
    %mul3A_159 = arith.mulf %mul3A_158, %add3A_156 : vector<16xf32>
    %div3A_160 = arith.divf %add3A_128, %mul3A_159 : vector<16xf32>
    %add3A_161 = arith.addf %mul3A_159, %div3A_160 : vector<16xf32>
    %mul3A_162 = arith.constant 5.000000e-01 : f32
    %mul3A_163 = vector.broadcast %mul3A_162 : f32 to vector<16xf32>
    %mul3A_164 = arith.mulf %mul3A_163, %add3A_161 : vector<16xf32>
    %get3A_165 = arith.constant 32 : index
    %get3A_166 = tpu.vector_load %arg12[%get3A_165] {strides = array<i32>} : memref<512xf32, #tpu.memory_space<vmem>>, vector<16xf32>,
    %get3A_167 = vector.shape_cast %get3A_166 : vector<16xf32> to vector<16xf32>
    %div3A_168 = arith.divf %get3A_167, %mul3A_164 : vector<16xf32>
    %swap3A_169 = arith.constant 32 : index
    %swap3A_170 = tpu.vector_load %arg16[%swap3A_169] {strides = array<i32>} : memref<512xf32, #tpu.memory_space<vmem>>, vector<16xf32>,
    %swap3A_171 = vector.shape_cast %swap3A_170 : vector<16xf32> to vector<16xf32>
    %swap3A_172 = vector.shape_cast %div3A_168 : vector<16xf32> to vector<16xf32>
    tpu.vector_store %arg16[%swap3A_169], %swap3A_172 {strides = array<i32>} : memref<512xf32, #tpu.memory_space<vmem>>, vector<16xf32>,
    %get3A_173 = arith.constant 32 : index
    %get3A_174 = tpu.vector_load %arg13[%get3A_173] {strides = array<i32>} : memref<512xf32, #tpu.memory_space<vmem>>, vector<16xf32>,
    %get3A_175 = vector.shape_cast %get3A_174 : vector<16xf32> to vector<16xf32>
    %get3A_176 = arith.constant 32 : index
    %get3A_177 = tpu.vector_load %arg14[%get3A_176] {strides = array<i32>} : memref<512xf32, #tpu.memory_space<vmem>>, vector<16xf32>,
    %get3A_178 = vector.shape_cast %get3A_177 : vector<16xf32> to vector<16xf32>
    %mul3A_179 = arith.mulf %get3A_178, %div3A_168 : vector<16xf32>
    %sub3A_180 = arith.subf %get3A_175, %mul3A_179 : vector<16xf32>
    %swap3A_181 = arith.constant 32 : index
    %swap3A_182 = tpu.vector_load %arg17[%swap3A_181] {strides = array<i32>} : memref<512xf32, #tpu.memory_space<vmem>>, vector<16xf32>,
    %swap3A_183 = vector.shape_cast %swap3A_182 : vector<16xf32> to vector<16xf32>
    %swap3A_184 = vector.shape_cast %sub3A_180 : vector<16xf32> to vector<16xf32>
    tpu.vector_store %arg17[%swap3A_181], %swap3A_184 {strides = array<i32>} : memref<512xf32, #tpu.memory_space<vmem>>, vector<16xf32>,
    %get3A_185 = arith.constant 48 : index
    %get3A_186 = tpu.vector_load %arg15[%get3A_185] {strides = array<i32>} : memref<512xf32, #tpu.memory_space<vmem>>, vector<16xf32>,
    %get3A_187 = vector.shape_cast %get3A_186 : vector<16xf32> to vector<16xf32>
    %add3A_188 = arith.constant 9.99999974E-6 : f32
    %add3A_189 = vector.broadcast %add3A_188 : f32 to vector<16xf32>
    %add3A_190 = arith.addf %get3A_187, %add3A_189 : vector<16xf32>
    %mul3A_191 = arith.constant 0.000000e+00 : f32
    %mul3A_192 = vector.broadcast %mul3A_191 : f32 to vector<16xf32>
    %mul3A_193 = arith.mulf %add3A_190, %mul3A_192 : vector<16xf32>
    %add3A_194 = arith.constant 1.000000e+00 : f32
    %add3A_195 = vector.broadcast %add3A_194 : f32 to vector<16xf32>
    %add3A_196 = arith.addf %mul3A_193, %add3A_195 : vector<16xf32>
    %div3A_197 = arith.divf %add3A_190, %add3A_196 : vector<16xf32>
    %add3A_198 = arith.addf %add3A_196, %div3A_197 : vector<16xf32>
    %mul3A_199 = arith.constant 5.000000e-01 : f32
    %mul3A_200 = vector.broadcast %mul3A_199 : f32 to vector<16xf32>
    %mul3A_201 = arith.mulf %mul3A_200, %add3A_198 : vector<16xf32>
    %div3A_202 = arith.divf %add3A_190, %mul3A_201 : vector<16xf32>
    %add3A_203 = arith.addf %mul3A_201, %div3A_202 : vector<16xf32>
    %mul3A_204 = arith.constant 5.000000e-01 : f32
    %mul3A_205 = vector.broadcast %mul3A_204 : f32 to vector<16xf32>
    %mul3A_206 = arith.mulf %mul3A_205, %add3A_203 : vector<16xf32>
    %div3A_207 = arith.divf %add3A_190, %mul3A_206 : vector<16xf32>
    %add3A_208 = arith.addf %mul3A_206, %div3A_207 : vector<16xf32>
    %mul3A_209 = arith.constant 5.000000e-01 : f32
    %mul3A_210 = vector.broadcast %mul3A_209 : f32 to vector<16xf32>
    %mul3A_211 = arith.mulf %mul3A_210, %add3A_208 : vector<16xf32>
    %div3A_212 = arith.divf %add3A_190, %mul3A_211 : vector<16xf32>
    %add3A_213 = arith.addf %mul3A_211, %div3A_212 : vector<16xf32>
    %mul3A_214 = arith.constant 5.000000e-01 : f32
    %mul3A_215 = vector.broadcast %mul3A_214 : f32 to vector<16xf32>
    %mul3A_216 = arith.mulf %mul3A_215, %add3A_213 : vector<16xf32>
    %div3A_217 = arith.divf %add3A_190, %mul3A_216 : vector<16xf32>
    %add3A_218 = arith.addf %mul3A_216, %div3A_217 : vector<16xf32>
    %mul3A_219 = arith.constant 5.000000e-01 : f32
    %mul3A_220 = vector.broadcast %mul3A_219 : f32 to vector<16xf32>
    %mul3A_221 = arith.mulf %mul3A_220, %add3A_218 : vector<16xf32>
    %div3A_222 = arith.divf %add3A_190, %mul3A_221 : vector<16xf32>
    %add3A_223 = arith.addf %mul3A_221, %div3A_222 : vector<16xf32>
    %mul3A_224 = arith.constant 5.000000e-01 : f32
    %mul3A_225 = vector.broadcast %mul3A_224 : f32 to vector<16xf32>
    %mul3A_226 = arith.mulf %mul3A_225, %add3A_223 : vector<16xf32>
    %get3A_227 = arith.constant 48 : index
    %get3A_228 = tpu.vector_load %arg12[%get3A_227] {strides = array<i32>} : memref<512xf32, #tpu.memory_space<vmem>>, vector<16xf32>,
    %get3A_229 = vector.shape_cast %get3A_228 : vector<16xf32> to vector<16xf32>
    %div3A_230 = arith.divf %get3A_229, %mul3A_226 : vector<16xf32>
    %swap3A_231 = arith.constant 48 : index
    %swap3A_232 = tpu.vector_load %arg16[%swap3A_231] {strides = array<i32>} : memref<512xf32, #tpu.memory_space<vmem>>, vector<16xf32>,
    %swap3A_233 = vector.shape_cast %swap3A_232 : vector<16xf32> to vector<16xf32>
    %swap3A_234 = vector.shape_cast %div3A_230 : vector<16xf32> to vector<16xf32>
    tpu.vector_store %arg16[%swap3A_231], %swap3A_234 {strides = array<i32>} : memref<512xf32, #tpu.memory_space<vmem>>, vector<16xf32>,
    %get3A_235 = arith.constant 48 : index
    %get3A_236 = tpu.vector_load %arg13[%get3A_235] {strides = array<i32>} : memref<512xf32, #tpu.memory_space<vmem>>, vector<16xf32>,
    %get3A_237 = vector.shape_cast %get3A_236 : vector<16xf32> to vector<16xf32>
    %get3A_238 = arith.constant 48 : index
    %get3A_239 = tpu.vector_load %arg14[%get3A_238] {strides = array<i32>} : memref<512xf32, #tpu.memory_space<vmem>>, vector<16xf32>,
    %get3A_240 = vector.shape_cast %get3A_239 : vector<16xf32> to vector<16xf32>
    %mul3A_241 = arith.mulf %get3A_240, %div3A_230 : vector<16xf32>
    %sub3A_242 = arith.subf %get3A_237, %mul3A_241 : vector<16xf32>
    %swap3A_243 = arith.constant 48 : index
    %swap3A_244 = tpu.vector_load %arg17[%swap3A_243] {strides = array<i32>} : memref<512xf32, #tpu.memory_space<vmem>>, vector<16xf32>,
    %swap3A_245 = vector.shape_cast %swap3A_244 : vector<16xf32> to vector<16xf32>
    %swap3A_246 = vector.shape_cast %sub3A_242 : vector<16xf32> to vector<16xf32>
    tpu.vector_store %arg17[%swap3A_243], %swap3A_246 {strides = array<i32>} : memref<512xf32, #tpu.memory_space<vmem>>, vector<16xf32>,
    %get3A_247 = arith.constant 64 : index
    %get3A_248 = tpu.vector_load %arg15[%get3A_247] {strides = array<i32>} : memref<512xf32, #tpu.memory_space<vmem>>, vector<16xf32>,
    %get3A_249 = vector.shape_cast %get3A_248 : vector<16xf32> to vector<16xf32>
    %add3A_250 = arith.constant 9.99999974E-6 : f32
    %add3A_251 = vector.broadcast %add3A_250 : f32 to vector<16xf32>
    %add3A_252 = arith.addf %get3A_249, %add3A_251 : vector<16xf32>
    %mul3A_253 = arith.constant 0.000000e+00 : f32
    %mul3A_254 = vector.broadcast %mul3A_253 : f32 to vector<16xf32>
    %mul3A_255 = arith.mulf %add3A_252, %mul3A_254 : vector<16xf32>
    %add3A_256 = arith.constant 1.000000e+00 : f32
    %add3A_257 = vector.broadcast %add3A_256 : f32 to vector<16xf32>
    %add3A_258 = arith.addf %mul3A_255, %add3A_257 : vector<16xf32>
    %div3A_259 = arith.divf %add3A_252, %add3A_258 : vector<16xf32>
    %add3A_260 = arith.addf %add3A_258, %div3A_259 : vector<16xf32>
    %mul3A_261 = arith.constant 5.000000e-01 : f32
    %mul3A_262 = vector.broadcast %mul3A_261 : f32 to vector<16xf32>
    %mul3A_263 = arith.mulf %mul3A_262, %add3A_260 : vector<16xf32>
    %div3A_264 = arith.divf %add3A_252, %mul3A_263 : vector<16xf32>
    %add3A_265 = arith.addf %mul3A_263, %div3A_264 : vector<16xf32>
    %mul3A_266 = arith.constant 5.000000e-01 : f32
    %mul3A_267 = vector.broadcast %mul3A_266 : f32 to vector<16xf32>
    %mul3A_268 = arith.mulf %mul3A_267, %add3A_265 : vector<16xf32>
    %div3A_269 = arith.divf %add3A_252, %mul3A_268 : vector<16xf32>
    %add3A_270 = arith.addf %mul3A_268, %div3A_269 : vector<16xf32>
    %mul3A_271 = arith.constant 5.000000e-01 : f32
    %mul3A_272 = vector.broadcast %mul3A_271 : f32 to vector<16xf32>
    %mul3A_273 = arith.mulf %mul3A_272, %add3A_270 : vector<16xf32>
    %div3A_274 = arith.divf %add3A_252, %mul3A_273 : vector<16xf32>
    %add3A_275 = arith.addf %mul3A_273, %div3A_274 : vector<16xf32>
    %mul3A_276 = arith.constant 5.000000e-01 : f32
    %mul3A_277 = vector.broadcast %mul3A_276 : f32 to vector<16xf32>
    %mul3A_278 = arith.mulf %mul3A_277, %add3A_275 : vector<16xf32>
    %div3A_279 = arith.divf %add3A_252, %mul3A_278 : vector<16xf32>
    %add3A_280 = arith.addf %mul3A_278, %div3A_279 : vector<16xf32>
    %mul3A_281 = arith.constant 5.000000e-01 : f32
    %mul3A_282 = vector.broadcast %mul3A_281 : f32 to vector<16xf32>
    %mul3A_283 = arith.mulf %mul3A_282, %add3A_280 : vector<16xf32>
    %div3A_284 = arith.divf %add3A_252, %mul3A_283 : vector<16xf32>
    %add3A_285 = arith.addf %mul3A_283, %div3A_284 : vector<16xf32>
    %mul3A_286 = arith.constant 5.000000e-01 : f32
    %mul3A_287 = vector.broadcast %mul3A_286 : f32 to vector<16xf32>
    %mul3A_288 = arith.mulf %mul3A_287, %add3A_285 : vector<16xf32>
    %get3A_289 = arith.constant 64 : index
    %get3A_290 = tpu.vector_load %arg12[%get3A_289] {strides = array<i32>} : memref<512xf32, #tpu.memory_space<vmem>>, vector<16xf32>,
    %get3A_291 = vector.shape_cast %get3A_290 : vector<16xf32> to vector<16xf32>
    %div3A_292 = arith.divf %get3A_291, %mul3A_288 : vector<16xf32>
    %swap3A_293 = arith.constant 64 : index
    %swap3A_294 = tpu.vector_load %arg16[%swap3A_293] {strides = array<i32>} : memref<512xf32, #tpu.memory_space<vmem>>, vector<16xf32>,
    %swap3A_295 = vector.shape_cast %swap3A_294 : vector<16xf32> to vector<16xf32>
    %swap3A_296 = vector.shape_cast %div3A_292 : vector<16xf32> to vector<16xf32>
    tpu.vector_store %arg16[%swap3A_293], %swap3A_296 {strides = array<i32>} : memref<512xf32, #tpu.memory_space<vmem>>, vector<16xf32>,
    %get3A_297 = arith.constant 64 : index
    %get3A_298 = tpu.vector_load %arg13[%get3A_297] {strides = array<i32>} : memref<512xf32, #tpu.memory_space<vmem>>, vector<16xf32>,
    %get3A_299 = vector.shape_cast %get3A_298 : vector<16xf32> to vector<16xf32>
    %get3A_300 = arith.constant 64 : index
    %get3A_301 = tpu.vector_load %arg14[%get3A_300] {strides = array<i32>} : memref<512xf32, #tpu.memory_space<vmem>>, vector<16xf32>,
    %get3A_302 = vector.shape_cast %get3A_301 : vector<16xf32> to vector<16xf32>
    %mul3A_303 = arith.mulf %get3A_302, %div3A_292 : vector<16xf32>
    %sub3A_304 = arith.subf %get3A_299, %mul3A_303 : vector<16xf32>
    %swap3A_305 = arith.constant 64 : index
    %swap3A_306 = tpu.vector_load %arg17[%swap3A_305] {strides = array<i32>} : memref<512xf32, #tpu.memory_space<vmem>>, vector<16xf32>,
    %swap3A_307 = vector.shape_cast %swap3A_306 : vector<16xf32> to vector<16xf32>
    %swap3A_308 = vector.shape_cast %sub3A_304 : vector<16xf32> to vector<16xf32>
    tpu.vector_store %arg17[%swap3A_305], %swap3A_308 {strides = array<i32>} : memref<512xf32, #tpu.memory_space<vmem>>, vector<16xf32>,
    %get3A_309 = arith.constant 80 : index
    %get3A_310 = tpu.vector_load %arg15[%get3A_309] {strides = array<i32>} : memref<512xf32, #tpu.memory_space<vmem>>, vector<16xf32>,
    %get3A_311 = vector.shape_cast %get3A_310 : vector<16xf32> to vector<16xf32>
    %add3A_312 = arith.constant 9.99999974E-6 : f32
    %add3A_313 = vector.broadcast %add3A_312 : f32 to vector<16xf32>
    %add3A_314 = arith.addf %get3A_311, %add3A_313 : vector<16xf32>
    %mul3A_315 = arith.constant 0.000000e+00 : f32
    %mul3A_316 = vector.broadcast %mul3A_315 : f32 to vector<16xf32>
    %mul3A_317 = arith.mulf %add3A_314, %mul3A_316 : vector<16xf32>
    %add3A_318 = arith.constant 1.000000e+00 : f32
    %add3A_319 = vector.broadcast %add3A_318 : f32 to vector<16xf32>
    %add3A_320 = arith.addf %mul3A_317, %add3A_319 : vector<16xf32>
    %div3A_321 = arith.divf %add3A_314, %add3A_320 : vector<16xf32>
    %add3A_322 = arith.addf %add3A_320, %div3A_321 : vector<16xf32>
    %mul3A_323 = arith.constant 5.000000e-01 : f32
    %mul3A_324 = vector.broadcast %mul3A_323 : f32 to vector<16xf32>
    %mul3A_325 = arith.mulf %mul3A_324, %add3A_322 : vector<16xf32>
    %div3A_326 = arith.divf %add3A_314, %mul3A_325 : vector<16xf32>
    %add3A_327 = arith.addf %mul3A_325, %div3A_326 : vector<16xf32>
    %mul3A_328 = arith.constant 5.000000e-01 : f32
    %mul3A_329 = vector.broadcast %mul3A_328 : f32 to vector<16xf32>
    %mul3A_330 = arith.mulf %mul3A_329, %add3A_327 : vector<16xf32>
    %div3A_331 = arith.divf %add3A_314, %mul3A_330 : vector<16xf32>
    %add3A_332 = arith.addf %mul3A_330, %div3A_331 : vector<16xf32>
    %mul3A_333 = arith.constant 5.000000e-01 : f32
    %mul3A_334 = vector.broadcast %mul3A_333 : f32 to vector<16xf32>
    %mul3A_335 = arith.mulf %mul3A_334, %add3A_332 : vector<16xf32>
    %div3A_336 = arith.divf %add3A_314, %mul3A_335 : vector<16xf32>
    %add3A_337 = arith.addf %mul3A_335, %div3A_336 : vector<16xf32>
    %mul3A_338 = arith.constant 5.000000e-01 : f32
    %mul3A_339 = vector.broadcast %mul3A_338 : f32 to vector<16xf32>
    %mul3A_340 = arith.mulf %mul3A_339, %add3A_337 : vector<16xf32>
    %div3A_341 = arith.divf %add3A_314, %mul3A_340 : vector<16xf32>
    %add3A_342 = arith.addf %mul3A_340, %div3A_341 : vector<16xf32>
    %mul3A_343 = arith.constant 5.000000e-01 : f32
    %mul3A_344 = vector.broadcast %mul3A_343 : f32 to vector<16xf32>
    %mul3A_345 = arith.mulf %mul3A_344, %add3A_342 : vector<16xf32>
    %div3A_346 = arith.divf %add3A_314, %mul3A_345 : vector<16xf32>
    %add3A_347 = arith.addf %mul3A_345, %div3A_346 : vector<16xf32>
    %mul3A_348 = arith.constant 5.000000e-01 : f32
    %mul3A_349 = vector.broadcast %mul3A_348 : f32 to vector<16xf32>
    %mul3A_350 = arith.mulf %mul3A_349, %add3A_347 : vector<16xf32>
    %get3A_351 = arith.constant 80 : index
    %get3A_352 = tpu.vector_load %arg12[%get3A_351] {strides = array<i32>} : memref<512xf32, #tpu.memory_space<vmem>>, vector<16xf32>,
    %get3A_353 = vector.shape_cast %get3A_352 : vector<16xf32> to vector<16xf32>
    %div3A_354 = arith.divf %get3A_353, %mul3A_350 : vector<16xf32>
    %swap3A_355 = arith.constant 80 : index
    %swap3A_356 = tpu.vector_load %arg16[%swap3A_355] {strides = array<i32>} : memref<512xf32, #tpu.memory_space<vmem>>, vector<16xf32>,
    %swap3A_357 = vector.shape_cast %swap3A_356 : vector<16xf32> to vector<16xf32>
    %swap3A_358 = vector.shape_cast %div3A_354 : vector<16xf32> to vector<16xf32>
    tpu.vector_store %arg16[%swap3A_355], %swap3A_358 {strides = array<i32>} : memref<512xf32, #tpu.memory_space<vmem>>, vector<16xf32>,
    %get3A_359 = arith.constant 80 : index
    %get3A_360 = tpu.vector_load %arg13[%get3A_359] {strides = array<i32>} : memref<512xf32, #tpu.memory_space<vmem>>, vector<16xf32>,
    %get3A_361 = vector.shape_cast %get3A_360 : vector<16xf32> to vector<16xf32>
    %get3A_362 = arith.constant 80 : index
    %get3A_363 = tpu.vector_load %arg14[%get3A_362] {strides = array<i32>} : memref<512xf32, #tpu.memory_space<vmem>>, vector<16xf32>,
    %get3A_364 = vector.shape_cast %get3A_363 : vector<16xf32> to vector<16xf32>
    %mul3A_365 = arith.mulf %get3A_364, %div3A_354 : vector<16xf32>
    %sub3A_366 = arith.subf %get3A_361, %mul3A_365 : vector<16xf32>
    %swap3A_367 = arith.constant 80 : index
    %swap3A_368 = tpu.vector_load %arg17[%swap3A_367] {strides = array<i32>} : memref<512xf32, #tpu.memory_space<vmem>>, vector<16xf32>,
    %swap3A_369 = vector.shape_cast %swap3A_368 : vector<16xf32> to vector<16xf32>
    %swap3A_370 = vector.shape_cast %sub3A_366 : vector<16xf32> to vector<16xf32>
    tpu.vector_store %arg17[%swap3A_367], %swap3A_370 {strides = array<i32>} : memref<512xf32, #tpu.memory_space<vmem>>, vector<16xf32>,
    %get3A_371 = arith.constant 96 : index
    %get3A_372 = tpu.vector_load %arg15[%get3A_371] {strides = array<i32>} : memref<512xf32, #tpu.memory_space<vmem>>, vector<16xf32>,
    %get3A_373 = vector.shape_cast %get3A_372 : vector<16xf32> to vector<16xf32>
    %add3A_374 = arith.constant 9.99999974E-6 : f32
    %add3A_375 = vector.broadcast %add3A_374 : f32 to vector<16xf32>
    %add3A_376 = arith.addf %get3A_373, %add3A_375 : vector<16xf32>
    %mul3A_377 = arith.constant 0.000000e+00 : f32
    %mul3A_378 = vector.broadcast %mul3A_377 : f32 to vector<16xf32>
    %mul3A_379 = arith.mulf %add3A_376, %mul3A_378 : vector<16xf32>
    %add3A_380 = arith.constant 1.000000e+00 : f32
    %add3A_381 = vector.broadcast %add3A_380 : f32 to vector<16xf32>
    %add3A_382 = arith.addf %mul3A_379, %add3A_381 : vector<16xf32>
    %div3A_383 = arith.divf %add3A_376, %add3A_382 : vector<16xf32>
    %add3A_384 = arith.addf %add3A_382, %div3A_383 : vector<16xf32>
    %mul3A_385 = arith.constant 5.000000e-01 : f32
    %mul3A_386 = vector.broadcast %mul3A_385 : f32 to vector<16xf32>
    %mul3A_387 = arith.mulf %mul3A_386, %add3A_384 : vector<16xf32>
    %div3A_388 = arith.divf %add3A_376, %mul3A_387 : vector<16xf32>
    %add3A_389 = arith.addf %mul3A_387, %div3A_388 : vector<16xf32>
    %mul3A_390 = arith.constant 5.000000e-01 : f32
    %mul3A_391 = vector.broadcast %mul3A_390 : f32 to vector<16xf32>
    %mul3A_392 = arith.mulf %mul3A_391, %add3A_389 : vector<16xf32>
    %div3A_393 = arith.divf %add3A_376, %mul3A_392 : vector<16xf32>
    %add3A_394 = arith.addf %mul3A_392, %div3A_393 : vector<16xf32>
    %mul3A_395 = arith.constant 5.000000e-01 : f32
    %mul3A_396 = vector.broadcast %mul3A_395 : f32 to vector<16xf32>
    %mul3A_397 = arith.mulf %mul3A_396, %add3A_394 : vector<16xf32>
    %div3A_398 = arith.divf %add3A_376, %mul3A_397 : vector<16xf32>
    %add3A_399 = arith.addf %mul3A_397, %div3A_398 : vector<16xf32>
    %mul3A_400 = arith.constant 5.000000e-01 : f32
    %mul3A_401 = vector.broadcast %mul3A_400 : f32 to vector<16xf32>
    %mul3A_402 = arith.mulf %mul3A_401, %add3A_399 : vector<16xf32>
    %div3A_403 = arith.divf %add3A_376, %mul3A_402 : vector<16xf32>
    %add3A_404 = arith.addf %mul3A_402, %div3A_403 : vector<16xf32>
    %mul3A_405 = arith.constant 5.000000e-01 : f32
    %mul3A_406 = vector.broadcast %mul3A_405 : f32 to vector<16xf32>
    %mul3A_407 = arith.mulf %mul3A_406, %add3A_404 : vector<16xf32>
    %div3A_408 = arith.divf %add3A_376, %mul3A_407 : vector<16xf32>
    %add3A_409 = arith.addf %mul3A_407, %div3A_408 : vector<16xf32>
    %mul3A_410 = arith.constant 5.000000e-01 : f32
    %mul3A_411 = vector.broadcast %mul3A_410 : f32 to vector<16xf32>
    %mul3A_412 = arith.mulf %mul3A_411, %add3A_409 : vector<16xf32>
    %get3A_413 = arith.constant 96 : index
    %get3A_414 = tpu.vector_load %arg12[%get3A_413] {strides = array<i32>} : memref<512xf32, #tpu.memory_space<vmem>>, vector<16xf32>,
    %get3A_415 = vector.shape_cast %get3A_414 : vector<16xf32> to vector<16xf32>
    %div3A_416 = arith.divf %get3A_415, %mul3A_412 : vector<16xf32>
    %swap3A_417 = arith.constant 96 : index
    %swap3A_418 = tpu.vector_load %arg16[%swap3A_417] {strides = array<i32>} : memref<512xf32, #tpu.memory_space<vmem>>, vector<16xf32>,
    %swap3A_419 = vector.shape_cast %swap3A_418 : vector<16xf32> to vector<16xf32>
    %swap3A_420 = vector.shape_cast %div3A_416 : vector<16xf32> to vector<16xf32>
    tpu.vector_store %arg16[%swap3A_417], %swap3A_420 {strides = array<i32>} : memref<512xf32, #tpu.memory_space<vmem>>, vector<16xf32>,
    %get3A_421 = arith.constant 96 : index
    %get3A_422 = tpu.vector_load %arg13[%get3A_421] {strides = array<i32>} : memref<512xf32, #tpu.memory_space<vmem>>, vector<16xf32>,
    %get3A_423 = vector.shape_cast %get3A_422 : vector<16xf32> to vector<16xf32>
    %get3A_424 = arith.constant 96 : index
    %get3A_425 = tpu.vector_load %arg14[%get3A_424] {strides = array<i32>} : memref<512xf32, #tpu.memory_space<vmem>>, vector<16xf32>,
    %get3A_426 = vector.shape_cast %get3A_425 : vector<16xf32> to vector<16xf32>
    %mul3A_427 = arith.mulf %get3A_426, %div3A_416 : vector<16xf32>
    %sub3A_428 = arith.subf %get3A_423, %mul3A_427 : vector<16xf32>
    %swap3A_429 = arith.constant 96 : index
    %swap3A_430 = tpu.vector_load %arg17[%swap3A_429] {strides = array<i32>} : memref<512xf32, #tpu.memory_space<vmem>>, vector<16xf32>,
    %swap3A_431 = vector.shape_cast %swap3A_430 : vector<16xf32> to vector<16xf32>
    %swap3A_432 = vector.shape_cast %sub3A_428 : vector<16xf32> to vector<16xf32>
    tpu.vector_store %arg17[%swap3A_429], %swap3A_432 {strides = array<i32>} : memref<512xf32, #tpu.memory_space<vmem>>, vector<16xf32>,
    %get3A_433 = arith.constant 112 : index
    %get3A_434 = tpu.vector_load %arg15[%get3A_433] {strides = array<i32>} : memref<512xf32, #tpu.memory_space<vmem>>, vector<16xf32>,
    %get3A_435 = vector.shape_cast %get3A_434 : vector<16xf32> to vector<16xf32>
    %add3A_436 = arith.constant 9.99999974E-6 : f32
    %add3A_437 = vector.broadcast %add3A_436 : f32 to vector<16xf32>
    %add3A_438 = arith.addf %get3A_435, %add3A_437 : vector<16xf32>
    %mul3A_439 = arith.constant 0.000000e+00 : f32
    %mul3A_440 = vector.broadcast %mul3A_439 : f32 to vector<16xf32>
    %mul3A_441 = arith.mulf %add3A_438, %mul3A_440 : vector<16xf32>
    %add3A_442 = arith.constant 1.000000e+00 : f32
    %add3A_443 = vector.broadcast %add3A_442 : f32 to vector<16xf32>
    %add3A_444 = arith.addf %mul3A_441, %add3A_443 : vector<16xf32>
    %div3A_445 = arith.divf %add3A_438, %add3A_444 : vector<16xf32>
    %add3A_446 = arith.addf %add3A_444, %div3A_445 : vector<16xf32>
    %mul3A_447 = arith.constant 5.000000e-01 : f32
    %mul3A_448 = vector.broadcast %mul3A_447 : f32 to vector<16xf32>
    %mul3A_449 = arith.mulf %mul3A_448, %add3A_446 : vector<16xf32>
    %div3A_450 = arith.divf %add3A_438, %mul3A_449 : vector<16xf32>
    %add3A_451 = arith.addf %mul3A_449, %div3A_450 : vector<16xf32>
    %mul3A_452 = arith.constant 5.000000e-01 : f32
    %mul3A_453 = vector.broadcast %mul3A_452 : f32 to vector<16xf32>
    %mul3A_454 = arith.mulf %mul3A_453, %add3A_451 : vector<16xf32>
    %div3A_455 = arith.divf %add3A_438, %mul3A_454 : vector<16xf32>
    %add3A_456 = arith.addf %mul3A_454, %div3A_455 : vector<16xf32>
    %mul3A_457 = arith.constant 5.000000e-01 : f32
    %mul3A_458 = vector.broadcast %mul3A_457 : f32 to vector<16xf32>
    %mul3A_459 = arith.mulf %mul3A_458, %add3A_456 : vector<16xf32>
    %div3A_460 = arith.divf %add3A_438, %mul3A_459 : vector<16xf32>
    %add3A_461 = arith.addf %mul3A_459, %div3A_460 : vector<16xf32>
    %mul3A_462 = arith.constant 5.000000e-01 : f32
    %mul3A_463 = vector.broadcast %mul3A_462 : f32 to vector<16xf32>
    %mul3A_464 = arith.mulf %mul3A_463, %add3A_461 : vector<16xf32>
    %div3A_465 = arith.divf %add3A_438, %mul3A_464 : vector<16xf32>
    %add3A_466 = arith.addf %mul3A_464, %div3A_465 : vector<16xf32>
    %mul3A_467 = arith.constant 5.000000e-01 : f32
    %mul3A_468 = vector.broadcast %mul3A_467 : f32 to vector<16xf32>
    %mul3A_469 = arith.mulf %mul3A_468, %add3A_466 : vector<16xf32>
    %div3A_470 = arith.divf %add3A_438, %mul3A_469 : vector<16xf32>
    %add3A_471 = arith.addf %mul3A_469, %div3A_470 : vector<16xf32>
    %mul3A_472 = arith.constant 5.000000e-01 : f32
    %mul3A_473 = vector.broadcast %mul3A_472 : f32 to vector<16xf32>
    %mul3A_474 = arith.mulf %mul3A_473, %add3A_471 : vector<16xf32>
    %get3A_475 = arith.constant 112 : index
    %get3A_476 = tpu.vector_load %arg12[%get3A_475] {strides = array<i32>} : memref<512xf32, #tpu.memory_space<vmem>>, vector<16xf32>,
    %get3A_477 = vector.shape_cast %get3A_476 : vector<16xf32> to vector<16xf32>
    %div3A_478 = arith.divf %get3A_477, %mul3A_474 : vector<16xf32>
    %swap3A_479 = arith.constant 112 : index
    %swap3A_480 = tpu.vector_load %arg16[%swap3A_479] {strides = array<i32>} : memref<512xf32, #tpu.memory_space<vmem>>, vector<16xf32>,
    %swap3A_481 = vector.shape_cast %swap3A_480 : vector<16xf32> to vector<16xf32>
    %swap3A_482 = vector.shape_cast %div3A_478 : vector<16xf32> to vector<16xf32>
    tpu.vector_store %arg16[%swap3A_479], %swap3A_482 {strides = array<i32>} : memref<512xf32, #tpu.memory_space<vmem>>, vector<16xf32>,
    %get3A_483 = arith.constant 112 : index
    %get3A_484 = tpu.vector_load %arg13[%get3A_483] {strides = array<i32>} : memref<512xf32, #tpu.memory_space<vmem>>, vector<16xf32>,
    %get3A_485 = vector.shape_cast %get3A_484 : vector<16xf32> to vector<16xf32>
    %get3A_486 = arith.constant 112 : index
    %get3A_487 = tpu.vector_load %arg14[%get3A_486] {strides = array<i32>} : memref<512xf32, #tpu.memory_space<vmem>>, vector<16xf32>,
    %get3A_488 = vector.shape_cast %get3A_487 : vector<16xf32> to vector<16xf32>
    %mul3A_489 = arith.mulf %get3A_488, %div3A_478 : vector<16xf32>
    %sub3A_490 = arith.subf %get3A_485, %mul3A_489 : vector<16xf32>
    %swap3A_491 = arith.constant 112 : index
    %swap3A_492 = tpu.vector_load %arg17[%swap3A_491] {strides = array<i32>} : memref<512xf32, #tpu.memory_space<vmem>>, vector<16xf32>,
    %swap3A_493 = vector.shape_cast %swap3A_492 : vector<16xf32> to vector<16xf32>
    %swap3A_494 = vector.shape_cast %sub3A_490 : vector<16xf32> to vector<16xf32>
    tpu.vector_store %arg17[%swap3A_491], %swap3A_494 {strides = array<i32>} : memref<512xf32, #tpu.memory_space<vmem>>, vector<16xf32>,
    %get3A_495 = arith.constant 128 : index
    %get3A_496 = tpu.vector_load %arg15[%get3A_495] {strides = array<i32>} : memref<512xf32, #tpu.memory_space<vmem>>, vector<16xf32>,
    %get3A_497 = vector.shape_cast %get3A_496 : vector<16xf32> to vector<16xf32>
    %add3A_498 = arith.constant 9.99999974E-6 : f32
    %add3A_499 = vector.broadcast %add3A_498 : f32 to vector<16xf32>
    %add3A_500 = arith.addf %get3A_497, %add3A_499 : vector<16xf32>
    %mul3A_501 = arith.constant 0.000000e+00 : f32
    %mul3A_502 = vector.broadcast %mul3A_501 : f32 to vector<16xf32>
    %mul3A_503 = arith.mulf %add3A_500, %mul3A_502 : vector<16xf32>
    %add3A_504 = arith.constant 1.000000e+00 : f32
    %add3A_505 = vector.broadcast %add3A_504 : f32 to vector<16xf32>
    %add3A_506 = arith.addf %mul3A_503, %add3A_505 : vector<16xf32>
    %div3A_507 = arith.divf %add3A_500, %add3A_506 : vector<16xf32>
    %add3A_508 = arith.addf %add3A_506, %div3A_507 : vector<16xf32>
    %mul3A_509 = arith.constant 5.000000e-01 : f32
    %mul3A_510 = vector.broadcast %mul3A_509 : f32 to vector<16xf32>
    %mul3A_511 = arith.mulf %mul3A_510, %add3A_508 : vector<16xf32>
    %div3A_512 = arith.divf %add3A_500, %mul3A_511 : vector<16xf32>
    %add3A_513 = arith.addf %mul3A_511, %div3A_512 : vector<16xf32>
    %mul3A_514 = arith.constant 5.000000e-01 : f32
    %mul3A_515 = vector.broadcast %mul3A_514 : f32 to vector<16xf32>
    %mul3A_516 = arith.mulf %mul3A_515, %add3A_513 : vector<16xf32>
    %div3A_517 = arith.divf %add3A_500, %mul3A_516 : vector<16xf32>
    %add3A_518 = arith.addf %mul3A_516, %div3A_517 : vector<16xf32>
    %mul3A_519 = arith.constant 5.000000e-01 : f32
    %mul3A_520 = vector.broadcast %mul3A_519 : f32 to vector<16xf32>
    %mul3A_521 = arith.mulf %mul3A_520, %add3A_518 : vector<16xf32>
    %div3A_522 = arith.divf %add3A_500, %mul3A_521 : vector<16xf32>
    %add3A_523 = arith.addf %mul3A_521, %div3A_522 : vector<16xf32>
    %mul3A_524 = arith.constant 5.000000e-01 : f32
    %mul3A_525 = vector.broadcast %mul3A_524 : f32 to vector<16xf32>
    %mul3A_526 = arith.mulf %mul3A_525, %add3A_523 : vector<16xf32>
    %div3A_527 = arith.divf %add3A_500, %mul3A_526 : vector<16xf32>
    %add3A_528 = arith.addf %mul3A_526, %div3A_527 : vector<16xf32>
    %mul3A_529 = arith.constant 5.000000e-01 : f32
    %mul3A_530 = vector.broadcast %mul3A_529 : f32 to vector<16xf32>
    %mul3A_531 = arith.mulf %mul3A_530, %add3A_528 : vector<16xf32>
    %div3A_532 = arith.divf %add3A_500, %mul3A_531 : vector<16xf32>
    %add3A_533 = arith.addf %mul3A_531, %div3A_532 : vector<16xf32>
    %mul3A_534 = arith.constant 5.000000e-01 : f32
    %mul3A_535 = vector.broadcast %mul3A_534 : f32 to vector<16xf32>
    %mul3A_536 = arith.mulf %mul3A_535, %add3A_533 : vector<16xf32>
    %get3A_537 = arith.constant 128 : index
    %get3A_538 = tpu.vector_load %arg12[%get3A_537] {strides = array<i32>} : memref<512xf32, #tpu.memory_space<vmem>>, vector<16xf32>,
    %get3A_539 = vector.shape_cast %get3A_538 : vector<16xf32> to vector<16xf32>
    %div3A_540 = arith.divf %get3A_539, %mul3A_536 : vector<16xf32>
    %swap3A_541 = arith.constant 128 : index
    %swap3A_542 = tpu.vector_load %arg16[%swap3A_541] {strides = array<i32>} : memref<512xf32, #tpu.memory_space<vmem>>, vector<16xf32>,
    %swap3A_543 = vector.shape_cast %swap3A_542 : vector<16xf32> to vector<16xf32>
    %swap3A_544 = vector.shape_cast %div3A_540 : vector<16xf32> to vector<16xf32>
    tpu.vector_store %arg16[%swap3A_541], %swap3A_544 {strides = array<i32>} : memref<512xf32, #tpu.memory_space<vmem>>, vector<16xf32>,
    %get3A_545 = arith.constant 128 : index
    %get3A_546 = tpu.vector_load %arg13[%get3A_545] {strides = array<i32>} : memref<512xf32, #tpu.memory_space<vmem>>, vector<16xf32>,
    %get3A_547 = vector.shape_cast %get3A_546 : vector<16xf32> to vector<16xf32>
    %get3A_548 = arith.constant 128 : index
    %get3A_549 = tpu.vector_load %arg14[%get3A_548] {strides = array<i32>} : memref<512xf32, #tpu.memory_space<vmem>>, vector<16xf32>,
    %get3A_550 = vector.shape_cast %get3A_549 : vector<16xf32> to vector<16xf32>
    %mul3A_551 = arith.mulf %get3A_550, %div3A_540 : vector<16xf32>
    %sub3A_552 = arith.subf %get3A_547, %mul3A_551 : vector<16xf32>
    %swap3A_553 = arith.constant 128 : index
    %swap3A_554 = tpu.vector_load %arg17[%swap3A_553] {strides = array<i32>} : memref<512xf32, #tpu.memory_space<vmem>>, vector<16xf32>,
    %swap3A_555 = vector.shape_cast %swap3A_554 : vector<16xf32> to vector<16xf32>
    %swap3A_556 = vector.shape_cast %sub3A_552 : vector<16xf32> to vector<16xf32>
    tpu.vector_store %arg17[%swap3A_553], %swap3A_556 {strides = array<i32>} : memref<512xf32, #tpu.memory_space<vmem>>, vector<16xf32>,
    %get3A_557 = arith.constant 144 : index
    %get3A_558 = tpu.vector_load %arg15[%get3A_557] {strides = array<i32>} : memref<512xf32, #tpu.memory_space<vmem>>, vector<16xf32>,
    %get3A_559 = vector.shape_cast %get3A_558 : vector<16xf32> to vector<16xf32>
    %add3A_560 = arith.constant 9.99999974E-6 : f32
    %add3A_561 = vector.broadcast %add3A_560 : f32 to vector<16xf32>
    %add3A_562 = arith.addf %get3A_559, %add3A_561 : vector<16xf32>
    %mul3A_563 = arith.constant 0.000000e+00 : f32
    %mul3A_564 = vector.broadcast %mul3A_563 : f32 to vector<16xf32>
    %mul3A_565 = arith.mulf %add3A_562, %mul3A_564 : vector<16xf32>
    %add3A_566 = arith.constant 1.000000e+00 : f32
    %add3A_567 = vector.broadcast %add3A_566 : f32 to vector<16xf32>
    %add3A_568 = arith.addf %mul3A_565, %add3A_567 : vector<16xf32>
    %div3A_569 = arith.divf %add3A_562, %add3A_568 : vector<16xf32>
    %add3A_570 = arith.addf %add3A_568, %div3A_569 : vector<16xf32>
    %mul3A_571 = arith.constant 5.000000e-01 : f32
    %mul3A_572 = vector.broadcast %mul3A_571 : f32 to vector<16xf32>
    %mul3A_573 = arith.mulf %mul3A_572, %add3A_570 : vector<16xf32>
    %div3A_574 = arith.divf %add3A_562, %mul3A_573 : vector<16xf32>
    %add3A_575 = arith.addf %mul3A_573, %div3A_574 : vector<16xf32>
    %mul3A_576 = arith.constant 5.000000e-01 : f32
    %mul3A_577 = vector.broadcast %mul3A_576 : f32 to vector<16xf32>
    %mul3A_578 = arith.mulf %mul3A_577, %add3A_575 : vector<16xf32>
    %div3A_579 = arith.divf %add3A_562, %mul3A_578 : vector<16xf32>
    %add3A_580 = arith.addf %mul3A_578, %div3A_579 : vector<16xf32>
    %mul3A_581 = arith.constant 5.000000e-01 : f32
    %mul3A_582 = vector.broadcast %mul3A_581 : f32 to vector<16xf32>
    %mul3A_583 = arith.mulf %mul3A_582, %add3A_580 : vector<16xf32>
    %div3A_584 = arith.divf %add3A_562, %mul3A_583 : vector<16xf32>
    %add3A_585 = arith.addf %mul3A_583, %div3A_584 : vector<16xf32>
    %mul3A_586 = arith.constant 5.000000e-01 : f32
    %mul3A_587 = vector.broadcast %mul3A_586 : f32 to vector<16xf32>
    %mul3A_588 = arith.mulf %mul3A_587, %add3A_585 : vector<16xf32>
    %div3A_589 = arith.divf %add3A_562, %mul3A_588 : vector<16xf32>
    %add3A_590 = arith.addf %mul3A_588, %div3A_589 : vector<16xf32>
    %mul3A_591 = arith.constant 5.000000e-01 : f32
    %mul3A_592 = vector.broadcast %mul3A_591 : f32 to vector<16xf32>
    %mul3A_593 = arith.mulf %mul3A_592, %add3A_590 : vector<16xf32>
    %div3A_594 = arith.divf %add3A_562, %mul3A_593 : vector<16xf32>
    %add3A_595 = arith.addf %mul3A_593, %div3A_594 : vector<16xf32>
    %mul3A_596 = arith.constant 5.000000e-01 : f32
    %mul3A_597 = vector.broadcast %mul3A_596 : f32 to vector<16xf32>
    %mul3A_598 = arith.mulf %mul3A_597, %add3A_595 : vector<16xf32>
    %get3A_599 = arith.constant 144 : index
    %get3A_600 = tpu.vector_load %arg12[%get3A_599] {strides = array<i32>} : memref<512xf32, #tpu.memory_space<vmem>>, vector<16xf32>,
    %get3A_601 = vector.shape_cast %get3A_600 : vector<16xf32> to vector<16xf32>
    %div3A_602 = arith.divf %get3A_601, %mul3A_598 : vector<16xf32>
    %swap3A_603 = arith.constant 144 : index
    %swap3A_604 = tpu.vector_load %arg16[%swap3A_603] {strides = array<i32>} : memref<512xf32, #tpu.memory_space<vmem>>, vector<16xf32>,
    %swap3A_605 = vector.shape_cast %swap3A_604 : vector<16xf32> to vector<16xf32>
    %swap3A_606 = vector.shape_cast %div3A_602 : vector<16xf32> to vector<16xf32>
    tpu.vector_store %arg16[%swap3A_603], %swap3A_606 {strides = array<i32>} : memref<512xf32, #tpu.memory_space<vmem>>, vector<16xf32>,
    %get3A_607 = arith.constant 144 : index
    %get3A_608 = tpu.vector_load %arg13[%get3A_607] {strides = array<i32>} : memref<512xf32, #tpu.memory_space<vmem>>, vector<16xf32>,
    %get3A_609 = vector.shape_cast %get3A_608 : vector<16xf32> to vector<16xf32>
    %get3A_610 = arith.constant 144 : index
    %get3A_611 = tpu.vector_load %arg14[%get3A_610] {strides = array<i32>} : memref<512xf32, #tpu.memory_space<vmem>>, vector<16xf32>,
    %get3A_612 = vector.shape_cast %get3A_611 : vector<16xf32> to vector<16xf32>
    %mul3A_613 = arith.mulf %get3A_612, %div3A_602 : vector<16xf32>
    %sub3A_614 = arith.subf %get3A_609, %mul3A_613 : vector<16xf32>
    %swap3A_615 = arith.constant 144 : index
    %swap3A_616 = tpu.vector_load %arg17[%swap3A_615] {strides = array<i32>} : memref<512xf32, #tpu.memory_space<vmem>>, vector<16xf32>,
    %swap3A_617 = vector.shape_cast %swap3A_616 : vector<16xf32> to vector<16xf32>
    %swap3A_618 = vector.shape_cast %sub3A_614 : vector<16xf32> to vector<16xf32>
    tpu.vector_store %arg17[%swap3A_615], %swap3A_618 {strides = array<i32>} : memref<512xf32, #tpu.memory_space<vmem>>, vector<16xf32>,
    %get3A_619 = arith.constant 160 : index
    %get3A_620 = tpu.vector_load %arg15[%get3A_619] {strides = array<i32>} : memref<512xf32, #tpu.memory_space<vmem>>, vector<16xf32>,
    %get3A_621 = vector.shape_cast %get3A_620 : vector<16xf32> to vector<16xf32>
    %add3A_622 = arith.constant 9.99999974E-6 : f32
    %add3A_623 = vector.broadcast %add3A_622 : f32 to vector<16xf32>
    %add3A_624 = arith.addf %get3A_621, %add3A_623 : vector<16xf32>
    %mul3A_625 = arith.constant 0.000000e+00 : f32
    %mul3A_626 = vector.broadcast %mul3A_625 : f32 to vector<16xf32>
    %mul3A_627 = arith.mulf %add3A_624, %mul3A_626 : vector<16xf32>
    %add3A_628 = arith.constant 1.000000e+00 : f32
    %add3A_629 = vector.broadcast %add3A_628 : f32 to vector<16xf32>
    %add3A_630 = arith.addf %mul3A_627, %add3A_629 : vector<16xf32>
    %div3A_631 = arith.divf %add3A_624, %add3A_630 : vector<16xf32>
    %add3A_632 = arith.addf %add3A_630, %div3A_631 : vector<16xf32>
    %mul3A_633 = arith.constant 5.000000e-01 : f32
    %mul3A_634 = vector.broadcast %mul3A_633 : f32 to vector<16xf32>
    %mul3A_635 = arith.mulf %mul3A_634, %add3A_632 : vector<16xf32>
    %div3A_636 = arith.divf %add3A_624, %mul3A_635 : vector<16xf32>
    %add3A_637 = arith.addf %mul3A_635, %div3A_636 : vector<16xf32>
    %mul3A_638 = arith.constant 5.000000e-01 : f32
    %mul3A_639 = vector.broadcast %mul3A_638 : f32 to vector<16xf32>
    %mul3A_640 = arith.mulf %mul3A_639, %add3A_637 : vector<16xf32>
    %div3A_641 = arith.divf %add3A_624, %mul3A_640 : vector<16xf32>
    %add3A_642 = arith.addf %mul3A_640, %div3A_641 : vector<16xf32>
    %mul3A_643 = arith.constant 5.000000e-01 : f32
    %mul3A_644 = vector.broadcast %mul3A_643 : f32 to vector<16xf32>
    %mul3A_645 = arith.mulf %mul3A_644, %add3A_642 : vector<16xf32>
    %div3A_646 = arith.divf %add3A_624, %mul3A_645 : vector<16xf32>
    %add3A_647 = arith.addf %mul3A_645, %div3A_646 : vector<16xf32>
    %mul3A_648 = arith.constant 5.000000e-01 : f32
    %mul3A_649 = vector.broadcast %mul3A_648 : f32 to vector<16xf32>
    %mul3A_650 = arith.mulf %mul3A_649, %add3A_647 : vector<16xf32>
    %div3A_651 = arith.divf %add3A_624, %mul3A_650 : vector<16xf32>
    %add3A_652 = arith.addf %mul3A_650, %div3A_651 : vector<16xf32>
    %mul3A_653 = arith.constant 5.000000e-01 : f32
    %mul3A_654 = vector.broadcast %mul3A_653 : f32 to vector<16xf32>
    %mul3A_655 = arith.mulf %mul3A_654, %add3A_652 : vector<16xf32>
    %div3A_656 = arith.divf %add3A_624, %mul3A_655 : vector<16xf32>
    %add3A_657 = arith.addf %mul3A_655, %div3A_656 : vector<16xf32>
    %mul3A_658 = arith.constant 5.000000e-01 : f32
    %mul3A_659 = vector.broadcast %mul3A_658 : f32 to vector<16xf32>
    %mul3A_660 = arith.mulf %mul3A_659, %add3A_657 : vector<16xf32>
    %get3A_661 = arith.constant 160 : index
    %get3A_662 = tpu.vector_load %arg12[%get3A_661] {strides = array<i32>} : memref<512xf32, #tpu.memory_space<vmem>>, vector<16xf32>,
    %get3A_663 = vector.shape_cast %get3A_662 : vector<16xf32> to vector<16xf32>
    %div3A_664 = arith.divf %get3A_663, %mul3A_660 : vector<16xf32>
    %swap3A_665 = arith.constant 160 : index
    %swap3A_666 = tpu.vector_load %arg16[%swap3A_665] {strides = array<i32>} : memref<512xf32, #tpu.memory_space<vmem>>, vector<16xf32>,
    %swap3A_667 = vector.shape_cast %swap3A_666 : vector<16xf32> to vector<16xf32>
    %swap3A_668 = vector.shape_cast %div3A_664 : vector<16xf32> to vector<16xf32>
    tpu.vector_store %arg16[%swap3A_665], %swap3A_668 {strides = array<i32>} : memref<512xf32, #tpu.memory_space<vmem>>, vector<16xf32>,
    %get3A_669 = arith.constant 160 : index
    %get3A_670 = tpu.vector_load %arg13[%get3A_669] {strides = array<i32>} : memref<512xf32, #tpu.memory_space<vmem>>, vector<16xf32>,
    %get3A_671 = vector.shape_cast %get3A_670 : vector<16xf32> to vector<16xf32>
    %get3A_672 = arith.constant 160 : index
    %get3A_673 = tpu.vector_load %arg14[%get3A_672] {strides = array<i32>} : memref<512xf32, #tpu.memory_space<vmem>>, vector<16xf32>,
    %get3A_674 = vector.shape_cast %get3A_673 : vector<16xf32> to vector<16xf32>
    %mul3A_675 = arith.mulf %get3A_674, %div3A_664 : vector<16xf32>
    %sub3A_676 = arith.subf %get3A_671, %mul3A_675 : vector<16xf32>
    %swap3A_677 = arith.constant 160 : index
    %swap3A_678 = tpu.vector_load %arg17[%swap3A_677] {strides = array<i32>} : memref<512xf32, #tpu.memory_space<vmem>>, vector<16xf32>,
    %swap3A_679 = vector.shape_cast %swap3A_678 : vector<16xf32> to vector<16xf32>
    %swap3A_680 = vector.shape_cast %sub3A_676 : vector<16xf32> to vector<16xf32>
    tpu.vector_store %arg17[%swap3A_677], %swap3A_680 {strides = array<i32>} : memref<512xf32, #tpu.memory_space<vmem>>, vector<16xf32>,
    %get3A_681 = arith.constant 176 : index
    %get3A_682 = tpu.vector_load %arg15[%get3A_681] {strides = array<i32>} : memref<512xf32, #tpu.memory_space<vmem>>, vector<16xf32>,
    %get3A_683 = vector.shape_cast %get3A_682 : vector<16xf32> to vector<16xf32>
    %add3A_684 = arith.constant 9.99999974E-6 : f32
    %add3A_685 = vector.broadcast %add3A_684 : f32 to vector<16xf32>
    %add3A_686 = arith.addf %get3A_683, %add3A_685 : vector<16xf32>
    %mul3A_687 = arith.constant 0.000000e+00 : f32
    %mul3A_688 = vector.broadcast %mul3A_687 : f32 to vector<16xf32>
    %mul3A_689 = arith.mulf %add3A_686, %mul3A_688 : vector<16xf32>
    %add3A_690 = arith.constant 1.000000e+00 : f32
    %add3A_691 = vector.broadcast %add3A_690 : f32 to vector<16xf32>
    %add3A_692 = arith.addf %mul3A_689, %add3A_691 : vector<16xf32>
    %div3A_693 = arith.divf %add3A_686, %add3A_692 : vector<16xf32>
    %add3A_694 = arith.addf %add3A_692, %div3A_693 : vector<16xf32>
    %mul3A_695 = arith.constant 5.000000e-01 : f32
    %mul3A_696 = vector.broadcast %mul3A_695 : f32 to vector<16xf32>
    %mul3A_697 = arith.mulf %mul3A_696, %add3A_694 : vector<16xf32>
    %div3A_698 = arith.divf %add3A_686, %mul3A_697 : vector<16xf32>
    %add3A_699 = arith.addf %mul3A_697, %div3A_698 : vector<16xf32>
    %mul3A_700 = arith.constant 5.000000e-01 : f32
    %mul3A_701 = vector.broadcast %mul3A_700 : f32 to vector<16xf32>
    %mul3A_702 = arith.mulf %mul3A_701, %add3A_699 : vector<16xf32>
    %div3A_703 = arith.divf %add3A_686, %mul3A_702 : vector<16xf32>
    %add3A_704 = arith.addf %mul3A_702, %div3A_703 : vector<16xf32>
    %mul3A_705 = arith.constant 5.000000e-01 : f32
    %mul3A_706 = vector.broadcast %mul3A_705 : f32 to vector<16xf32>
    %mul3A_707 = arith.mulf %mul3A_706, %add3A_704 : vector<16xf32>
    %div3A_708 = arith.divf %add3A_686, %mul3A_707 : vector<16xf32>
    %add3A_709 = arith.addf %mul3A_707, %div3A_708 : vector<16xf32>
    %mul3A_710 = arith.constant 5.000000e-01 : f32
    %mul3A_711 = vector.broadcast %mul3A_710 : f32 to vector<16xf32>
    %mul3A_712 = arith.mulf %mul3A_711, %add3A_709 : vector<16xf32>
    %div3A_713 = arith.divf %add3A_686, %mul3A_712 : vector<16xf32>
    %add3A_714 = arith.addf %mul3A_712, %div3A_713 : vector<16xf32>
    %mul3A_715 = arith.constant 5.000000e-01 : f32
    %mul3A_716 = vector.broadcast %mul3A_715 : f32 to vector<16xf32>
    %mul3A_717 = arith.mulf %mul3A_716, %add3A_714 : vector<16xf32>
    %div3A_718 = arith.divf %add3A_686, %mul3A_717 : vector<16xf32>
    %add3A_719 = arith.addf %mul3A_717, %div3A_718 : vector<16xf32>
    %mul3A_720 = arith.constant 5.000000e-01 : f32
    %mul3A_721 = vector.broadcast %mul3A_720 : f32 to vector<16xf32>
    %mul3A_722 = arith.mulf %mul3A_721, %add3A_719 : vector<16xf32>
    %get3A_723 = arith.constant 176 : index
    %get3A_724 = tpu.vector_load %arg12[%get3A_723] {strides = array<i32>} : memref<512xf32, #tpu.memory_space<vmem>>, vector<16xf32>,
    %get3A_725 = vector.shape_cast %get3A_724 : vector<16xf32> to vector<16xf32>
    %div3A_726 = arith.divf %get3A_725, %mul3A_722 : vector<16xf32>
    %swap3A_727 = arith.constant 176 : index
    %swap3A_728 = tpu.vector_load %arg16[%swap3A_727] {strides = array<i32>} : memref<512xf32, #tpu.memory_space<vmem>>, vector<16xf32>,
    %swap3A_729 = vector.shape_cast %swap3A_728 : vector<16xf32> to vector<16xf32>
    %swap3A_730 = vector.shape_cast %div3A_726 : vector<16xf32> to vector<16xf32>
    tpu.vector_store %arg16[%swap3A_727], %swap3A_730 {strides = array<i32>} : memref<512xf32, #tpu.memory_space<vmem>>, vector<16xf32>,
    %get3A_731 = arith.constant 176 : index
    %get3A_732 = tpu.vector_load %arg13[%get3A_731] {strides = array<i32>} : memref<512xf32, #tpu.memory_space<vmem>>, vector<16xf32>,
    %get3A_733 = vector.shape_cast %get3A_732 : vector<16xf32> to vector<16xf32>
    %get3A_734 = arith.constant 176 : index
    %get3A_735 = tpu.vector_load %arg14[%get3A_734] {strides = array<i32>} : memref<512xf32, #tpu.memory_space<vmem>>, vector<16xf32>,
    %get3A_736 = vector.shape_cast %get3A_735 : vector<16xf32> to vector<16xf32>
    %mul3A_737 = arith.mulf %get3A_736, %div3A_726 : vector<16xf32>
    %sub3A_738 = arith.subf %get3A_733, %mul3A_737 : vector<16xf32>
    %swap3A_739 = arith.constant 176 : index
    %swap3A_740 = tpu.vector_load %arg17[%swap3A_739] {strides = array<i32>} : memref<512xf32, #tpu.memory_space<vmem>>, vector<16xf32>,
    %swap3A_741 = vector.shape_cast %swap3A_740 : vector<16xf32> to vector<16xf32>
    %swap3A_742 = vector.shape_cast %sub3A_738 : vector<16xf32> to vector<16xf32>
    tpu.vector_store %arg17[%swap3A_739], %swap3A_742 {strides = array<i32>} : memref<512xf32, #tpu.memory_space<vmem>>, vector<16xf32>,
    %get3A_743 = arith.constant 192 : index
    %get3A_744 = tpu.vector_load %arg15[%get3A_743] {strides = array<i32>} : memref<512xf32, #tpu.memory_space<vmem>>, vector<16xf32>,
    %get3A_745 = vector.shape_cast %get3A_744 : vector<16xf32> to vector<16xf32>
    %add3A_746 = arith.constant 9.99999974E-6 : f32
    %add3A_747 = vector.broadcast %add3A_746 : f32 to vector<16xf32>
    %add3A_748 = arith.addf %get3A_745, %add3A_747 : vector<16xf32>
    %mul3A_749 = arith.constant 0.000000e+00 : f32
    %mul3A_750 = vector.broadcast %mul3A_749 : f32 to vector<16xf32>
    %mul3A_751 = arith.mulf %add3A_748, %mul3A_750 : vector<16xf32>
    %add3A_752 = arith.constant 1.000000e+00 : f32
    %add3A_753 = vector.broadcast %add3A_752 : f32 to vector<16xf32>
    %add3A_754 = arith.addf %mul3A_751, %add3A_753 : vector<16xf32>
    %div3A_755 = arith.divf %add3A_748, %add3A_754 : vector<16xf32>
    %add3A_756 = arith.addf %add3A_754, %div3A_755 : vector<16xf32>
    %mul3A_757 = arith.constant 5.000000e-01 : f32
    %mul3A_758 = vector.broadcast %mul3A_757 : f32 to vector<16xf32>
    %mul3A_759 = arith.mulf %mul3A_758, %add3A_756 : vector<16xf32>
    %div3A_760 = arith.divf %add3A_748, %mul3A_759 : vector<16xf32>
    %add3A_761 = arith.addf %mul3A_759, %div3A_760 : vector<16xf32>
    %mul3A_762 = arith.constant 5.000000e-01 : f32
    %mul3A_763 = vector.broadcast %mul3A_762 : f32 to vector<16xf32>
    %mul3A_764 = arith.mulf %mul3A_763, %add3A_761 : vector<16xf32>
    %div3A_765 = arith.divf %add3A_748, %mul3A_764 : vector<16xf32>
    %add3A_766 = arith.addf %mul3A_764, %div3A_765 : vector<16xf32>
    %mul3A_767 = arith.constant 5.000000e-01 : f32
    %mul3A_768 = vector.broadcast %mul3A_767 : f32 to vector<16xf32>
    %mul3A_769 = arith.mulf %mul3A_768, %add3A_766 : vector<16xf32>
    %div3A_770 = arith.divf %add3A_748, %mul3A_769 : vector<16xf32>
    %add3A_771 = arith.addf %mul3A_769, %div3A_770 : vector<16xf32>
    %mul3A_772 = arith.constant 5.000000e-01 : f32
    %mul3A_773 = vector.broadcast %mul3A_772 : f32 to vector<16xf32>
    %mul3A_774 = arith.mulf %mul3A_773, %add3A_771 : vector<16xf32>
    %div3A_775 = arith.divf %add3A_748, %mul3A_774 : vector<16xf32>
    %add3A_776 = arith.addf %mul3A_774, %div3A_775 : vector<16xf32>
    %mul3A_777 = arith.constant 5.000000e-01 : f32
    %mul3A_778 = vector.broadcast %mul3A_777 : f32 to vector<16xf32>
    %mul3A_779 = arith.mulf %mul3A_778, %add3A_776 : vector<16xf32>
    %div3A_780 = arith.divf %add3A_748, %mul3A_779 : vector<16xf32>
    %add3A_781 = arith.addf %mul3A_779, %div3A_780 : vector<16xf32>
    %mul3A_782 = arith.constant 5.000000e-01 : f32
    %mul3A_783 = vector.broadcast %mul3A_782 : f32 to vector<16xf32>
    %mul3A_784 = arith.mulf %mul3A_783, %add3A_781 : vector<16xf32>
    %get3A_785 = arith.constant 192 : index
    %get3A_786 = tpu.vector_load %arg12[%get3A_785] {strides = array<i32>} : memref<512xf32, #tpu.memory_space<vmem>>, vector<16xf32>,
    %get3A_787 = vector.shape_cast %get3A_786 : vector<16xf32> to vector<16xf32>
    %div3A_788 = arith.divf %get3A_787, %mul3A_784 : vector<16xf32>
    %swap3A_789 = arith.constant 192 : index
    %swap3A_790 = tpu.vector_load %arg16[%swap3A_789] {strides = array<i32>} : memref<512xf32, #tpu.memory_space<vmem>>, vector<16xf32>,
    %swap3A_791 = vector.shape_cast %swap3A_790 : vector<16xf32> to vector<16xf32>
    %swap3A_792 = vector.shape_cast %div3A_788 : vector<16xf32> to vector<16xf32>
    tpu.vector_store %arg16[%swap3A_789], %swap3A_792 {strides = array<i32>} : memref<512xf32, #tpu.memory_space<vmem>>, vector<16xf32>,
    %get3A_793 = arith.constant 192 : index
    %get3A_794 = tpu.vector_load %arg13[%get3A_793] {strides = array<i32>} : memref<512xf32, #tpu.memory_space<vmem>>, vector<16xf32>,
    %get3A_795 = vector.shape_cast %get3A_794 : vector<16xf32> to vector<16xf32>
    %get3A_796 = arith.constant 192 : index
    %get3A_797 = tpu.vector_load %arg14[%get3A_796] {strides = array<i32>} : memref<512xf32, #tpu.memory_space<vmem>>, vector<16xf32>,
    %get3A_798 = vector.shape_cast %get3A_797 : vector<16xf32> to vector<16xf32>
    %mul3A_799 = arith.mulf %get3A_798, %div3A_788 : vector<16xf32>
    %sub3A_800 = arith.subf %get3A_795, %mul3A_799 : vector<16xf32>
    %swap3A_801 = arith.constant 192 : index
    %swap3A_802 = tpu.vector_load %arg17[%swap3A_801] {strides = array<i32>} : memref<512xf32, #tpu.memory_space<vmem>>, vector<16xf32>,
    %swap3A_803 = vector.shape_cast %swap3A_802 : vector<16xf32> to vector<16xf32>
    %swap3A_804 = vector.shape_cast %sub3A_800 : vector<16xf32> to vector<16xf32>
    tpu.vector_store %arg17[%swap3A_801], %swap3A_804 {strides = array<i32>} : memref<512xf32, #tpu.memory_space<vmem>>, vector<16xf32>,
    %get3A_805 = arith.constant 208 : index
    %get3A_806 = tpu.vector_load %arg15[%get3A_805] {strides = array<i32>} : memref<512xf32, #tpu.memory_space<vmem>>, vector<16xf32>,
    %get3A_807 = vector.shape_cast %get3A_806 : vector<16xf32> to vector<16xf32>
    %add3A_808 = arith.constant 9.99999974E-6 : f32
    %add3A_809 = vector.broadcast %add3A_808 : f32 to vector<16xf32>
    %add3A_810 = arith.addf %get3A_807, %add3A_809 : vector<16xf32>
    %mul3A_811 = arith.constant 0.000000e+00 : f32
    %mul3A_812 = vector.broadcast %mul3A_811 : f32 to vector<16xf32>
    %mul3A_813 = arith.mulf %add3A_810, %mul3A_812 : vector<16xf32>
    %add3A_814 = arith.constant 1.000000e+00 : f32
    %add3A_815 = vector.broadcast %add3A_814 : f32 to vector<16xf32>
    %add3A_816 = arith.addf %mul3A_813, %add3A_815 : vector<16xf32>
    %div3A_817 = arith.divf %add3A_810, %add3A_816 : vector<16xf32>
    %add3A_818 = arith.addf %add3A_816, %div3A_817 : vector<16xf32>
    %mul3A_819 = arith.constant 5.000000e-01 : f32
    %mul3A_820 = vector.broadcast %mul3A_819 : f32 to vector<16xf32>
    %mul3A_821 = arith.mulf %mul3A_820, %add3A_818 : vector<16xf32>
    %div3A_822 = arith.divf %add3A_810, %mul3A_821 : vector<16xf32>
    %add3A_823 = arith.addf %mul3A_821, %div3A_822 : vector<16xf32>
    %mul3A_824 = arith.constant 5.000000e-01 : f32
    %mul3A_825 = vector.broadcast %mul3A_824 : f32 to vector<16xf32>
    %mul3A_826 = arith.mulf %mul3A_825, %add3A_823 : vector<16xf32>
    %div3A_827 = arith.divf %add3A_810, %mul3A_826 : vector<16xf32>
    %add3A_828 = arith.addf %mul3A_826, %div3A_827 : vector<16xf32>
    %mul3A_829 = arith.constant 5.000000e-01 : f32
    %mul3A_830 = vector.broadcast %mul3A_829 : f32 to vector<16xf32>
    %mul3A_831 = arith.mulf %mul3A_830, %add3A_828 : vector<16xf32>
    %div3A_832 = arith.divf %add3A_810, %mul3A_831 : vector<16xf32>
    %add3A_833 = arith.addf %mul3A_831, %div3A_832 : vector<16xf32>
    %mul3A_834 = arith.constant 5.000000e-01 : f32
    %mul3A_835 = vector.broadcast %mul3A_834 : f32 to vector<16xf32>
    %mul3A_836 = arith.mulf %mul3A_835, %add3A_833 : vector<16xf32>
    %div3A_837 = arith.divf %add3A_810, %mul3A_836 : vector<16xf32>
    %add3A_838 = arith.addf %mul3A_836, %div3A_837 : vector<16xf32>
    %mul3A_839 = arith.constant 5.000000e-01 : f32
    %mul3A_840 = vector.broadcast %mul3A_839 : f32 to vector<16xf32>
    %mul3A_841 = arith.mulf %mul3A_840, %add3A_838 : vector<16xf32>
    %div3A_842 = arith.divf %add3A_810, %mul3A_841 : vector<16xf32>
    %add3A_843 = arith.addf %mul3A_841, %div3A_842 : vector<16xf32>
    %mul3A_844 = arith.constant 5.000000e-01 : f32
    %mul3A_845 = vector.broadcast %mul3A_844 : f32 to vector<16xf32>
    %mul3A_846 = arith.mulf %mul3A_845, %add3A_843 : vector<16xf32>
    %get3A_847 = arith.constant 208 : index
    %get3A_848 = tpu.vector_load %arg12[%get3A_847] {strides = array<i32>} : memref<512xf32, #tpu.memory_space<vmem>>, vector<16xf32>,
    %get3A_849 = vector.shape_cast %get3A_848 : vector<16xf32> to vector<16xf32>
    %div3A_850 = arith.divf %get3A_849, %mul3A_846 : vector<16xf32>
    %swap3A_851 = arith.constant 208 : index
    %swap3A_852 = tpu.vector_load %arg16[%swap3A_851] {strides = array<i32>} : memref<512xf32, #tpu.memory_space<vmem>>, vector<16xf32>,
    %swap3A_853 = vector.shape_cast %swap3A_852 : vector<16xf32> to vector<16xf32>
    %swap3A_854 = vector.shape_cast %div3A_850 : vector<16xf32> to vector<16xf32>
    tpu.vector_store %arg16[%swap3A_851], %swap3A_854 {strides = array<i32>} : memref<512xf32, #tpu.memory_space<vmem>>, vector<16xf32>,
    %get3A_855 = arith.constant 208 : index
    %get3A_856 = tpu.vector_load %arg13[%get3A_855] {strides = array<i32>} : memref<512xf32, #tpu.memory_space<vmem>>, vector<16xf32>,
    %get3A_857 = vector.shape_cast %get3A_856 : vector<16xf32> to vector<16xf32>
    %get3A_858 = arith.constant 208 : index
    %get3A_859 = tpu.vector_load %arg14[%get3A_858] {strides = array<i32>} : memref<512xf32, #tpu.memory_space<vmem>>, vector<16xf32>,
    %get3A_860 = vector.shape_cast %get3A_859 : vector<16xf32> to vector<16xf32>
    %mul3A_861 = arith.mulf %get3A_860, %div3A_850 : vector<16xf32>
    %sub3A_862 = arith.subf %get3A_857, %mul3A_861 : vector<16xf32>
    %swap3A_863 = arith.constant 208 : index
    %swap3A_864 = tpu.vector_load %arg17[%swap3A_863] {strides = array<i32>} : memref<512xf32, #tpu.memory_space<vmem>>, vector<16xf32>,
    %swap3A_865 = vector.shape_cast %swap3A_864 : vector<16xf32> to vector<16xf32>
    %swap3A_866 = vector.shape_cast %sub3A_862 : vector<16xf32> to vector<16xf32>
    tpu.vector_store %arg17[%swap3A_863], %swap3A_866 {strides = array<i32>} : memref<512xf32, #tpu.memory_space<vmem>>, vector<16xf32>,
    %get3A_867 = arith.constant 224 : index
    %get3A_868 = tpu.vector_load %arg15[%get3A_867] {strides = array<i32>} : memref<512xf32, #tpu.memory_space<vmem>>, vector<16xf32>,
    %get3A_869 = vector.shape_cast %get3A_868 : vector<16xf32> to vector<16xf32>
    %add3A_870 = arith.constant 9.99999974E-6 : f32
    %add3A_871 = vector.broadcast %add3A_870 : f32 to vector<16xf32>
    %add3A_872 = arith.addf %get3A_869, %add3A_871 : vector<16xf32>
    %mul3A_873 = arith.constant 0.000000e+00 : f32
    %mul3A_874 = vector.broadcast %mul3A_873 : f32 to vector<16xf32>
    %mul3A_875 = arith.mulf %add3A_872, %mul3A_874 : vector<16xf32>
    %add3A_876 = arith.constant 1.000000e+00 : f32
    %add3A_877 = vector.broadcast %add3A_876 : f32 to vector<16xf32>
    %add3A_878 = arith.addf %mul3A_875, %add3A_877 : vector<16xf32>
    %div3A_879 = arith.divf %add3A_872, %add3A_878 : vector<16xf32>
    %add3A_880 = arith.addf %add3A_878, %div3A_879 : vector<16xf32>
    %mul3A_881 = arith.constant 5.000000e-01 : f32
    %mul3A_882 = vector.broadcast %mul3A_881 : f32 to vector<16xf32>
    %mul3A_883 = arith.mulf %mul3A_882, %add3A_880 : vector<16xf32>
    %div3A_884 = arith.divf %add3A_872, %mul3A_883 : vector<16xf32>
    %add3A_885 = arith.addf %mul3A_883, %div3A_884 : vector<16xf32>
    %mul3A_886 = arith.constant 5.000000e-01 : f32
    %mul3A_887 = vector.broadcast %mul3A_886 : f32 to vector<16xf32>
    %mul3A_888 = arith.mulf %mul3A_887, %add3A_885 : vector<16xf32>
    %div3A_889 = arith.divf %add3A_872, %mul3A_888 : vector<16xf32>
    %add3A_890 = arith.addf %mul3A_888, %div3A_889 : vector<16xf32>
    %mul3A_891 = arith.constant 5.000000e-01 : f32
    %mul3A_892 = vector.broadcast %mul3A_891 : f32 to vector<16xf32>
    %mul3A_893 = arith.mulf %mul3A_892, %add3A_890 : vector<16xf32>
    %div3A_894 = arith.divf %add3A_872, %mul3A_893 : vector<16xf32>
    %add3A_895 = arith.addf %mul3A_893, %div3A_894 : vector<16xf32>
    %mul3A_896 = arith.constant 5.000000e-01 : f32
    %mul3A_897 = vector.broadcast %mul3A_896 : f32 to vector<16xf32>
    %mul3A_898 = arith.mulf %mul3A_897, %add3A_895 : vector<16xf32>
    %div3A_899 = arith.divf %add3A_872, %mul3A_898 : vector<16xf32>
    %add3A_900 = arith.addf %mul3A_898, %div3A_899 : vector<16xf32>
    %mul3A_901 = arith.constant 5.000000e-01 : f32
    %mul3A_902 = vector.broadcast %mul3A_901 : f32 to vector<16xf32>
    %mul3A_903 = arith.mulf %mul3A_902, %add3A_900 : vector<16xf32>
    %div3A_904 = arith.divf %add3A_872, %mul3A_903 : vector<16xf32>
    %add3A_905 = arith.addf %mul3A_903, %div3A_904 : vector<16xf32>
    %mul3A_906 = arith.constant 5.000000e-01 : f32
    %mul3A_907 = vector.broadcast %mul3A_906 : f32 to vector<16xf32>
    %mul3A_908 = arith.mulf %mul3A_907, %add3A_905 : vector<16xf32>
    %get3A_909 = arith.constant 224 : index
    %get3A_910 = tpu.vector_load %arg12[%get3A_909] {strides = array<i32>} : memref<512xf32, #tpu.memory_space<vmem>>, vector<16xf32>,
    %get3A_911 = vector.shape_cast %get3A_910 : vector<16xf32> to vector<16xf32>
    %div3A_912 = arith.divf %get3A_911, %mul3A_908 : vector<16xf32>
    %swap3A_913 = arith.constant 224 : index
    %swap3A_914 = tpu.vector_load %arg16[%swap3A_913] {strides = array<i32>} : memref<512xf32, #tpu.memory_space<vmem>>, vector<16xf32>,
    %swap3A_915 = vector.shape_cast %swap3A_914 : vector<16xf32> to vector<16xf32>
    %swap3A_916 = vector.shape_cast %div3A_912 : vector<16xf32> to vector<16xf32>
    tpu.vector_store %arg16[%swap3A_913], %swap3A_916 {strides = array<i32>} : memref<512xf32, #tpu.memory_space<vmem>>, vector<16xf32>,
    %get3A_917 = arith.constant 224 : index
    %get3A_918 = tpu.vector_load %arg13[%get3A_917] {strides = array<i32>} : memref<512xf32, #tpu.memory_space<vmem>>, vector<16xf32>,
    %get3A_919 = vector.shape_cast %get3A_918 : vector<16xf32> to vector<16xf32>
    %get3A_920 = arith.constant 224 : index
    %get3A_921 = tpu.vector_load %arg14[%get3A_920] {strides = array<i32>} : memref<512xf32, #tpu.memory_space<vmem>>, vector<16xf32>,
    %get3A_922 = vector.shape_cast %get3A_921 : vector<16xf32> to vector<16xf32>
    %mul3A_923 = arith.mulf %get3A_922, %div3A_912 : vector<16xf32>
    %sub3A_924 = arith.subf %get3A_919, %mul3A_923 : vector<16xf32>
    %swap3A_925 = arith.constant 224 : index
    %swap3A_926 = tpu.vector_load %arg17[%swap3A_925] {strides = array<i32>} : memref<512xf32, #tpu.memory_space<vmem>>, vector<16xf32>,
    %swap3A_927 = vector.shape_cast %swap3A_926 : vector<16xf32> to vector<16xf32>
    %swap3A_928 = vector.shape_cast %sub3A_924 : vector<16xf32> to vector<16xf32>
    tpu.vector_store %arg17[%swap3A_925], %swap3A_928 {strides = array<i32>} : memref<512xf32, #tpu.memory_space<vmem>>, vector<16xf32>,
    %get3A_929 = arith.constant 240 : index
    %get3A_930 = tpu.vector_load %arg15[%get3A_929] {strides = array<i32>} : memref<512xf32, #tpu.memory_space<vmem>>, vector<16xf32>,
    %get3A_931 = vector.shape_cast %get3A_930 : vector<16xf32> to vector<16xf32>
    %add3A_932 = arith.constant 9.99999974E-6 : f32
    %add3A_933 = vector.broadcast %add3A_932 : f32 to vector<16xf32>
    %add3A_934 = arith.addf %get3A_931, %add3A_933 : vector<16xf32>
    %mul3A_935 = arith.constant 0.000000e+00 : f32
    %mul3A_936 = vector.broadcast %mul3A_935 : f32 to vector<16xf32>
    %mul3A_937 = arith.mulf %add3A_934, %mul3A_936 : vector<16xf32>
    %add3A_938 = arith.constant 1.000000e+00 : f32
    %add3A_939 = vector.broadcast %add3A_938 : f32 to vector<16xf32>
    %add3A_940 = arith.addf %mul3A_937, %add3A_939 : vector<16xf32>
    %div3A_941 = arith.divf %add3A_934, %add3A_940 : vector<16xf32>
    %add3A_942 = arith.addf %add3A_940, %div3A_941 : vector<16xf32>
    %mul3A_943 = arith.constant 5.000000e-01 : f32
    %mul3A_944 = vector.broadcast %mul3A_943 : f32 to vector<16xf32>
    %mul3A_945 = arith.mulf %mul3A_944, %add3A_942 : vector<16xf32>
    %div3A_946 = arith.divf %add3A_934, %mul3A_945 : vector<16xf32>
    %add3A_947 = arith.addf %mul3A_945, %div3A_946 : vector<16xf32>
    %mul3A_948 = arith.constant 5.000000e-01 : f32
    %mul3A_949 = vector.broadcast %mul3A_948 : f32 to vector<16xf32>
    %mul3A_950 = arith.mulf %mul3A_949, %add3A_947 : vector<16xf32>
    %div3A_951 = arith.divf %add3A_934, %mul3A_950 : vector<16xf32>
    %add3A_952 = arith.addf %mul3A_950, %div3A_951 : vector<16xf32>
    %mul3A_953 = arith.constant 5.000000e-01 : f32
    %mul3A_954 = vector.broadcast %mul3A_953 : f32 to vector<16xf32>
    %mul3A_955 = arith.mulf %mul3A_954, %add3A_952 : vector<16xf32>
    %div3A_956 = arith.divf %add3A_934, %mul3A_955 : vector<16xf32>
    %add3A_957 = arith.addf %mul3A_955, %div3A_956 : vector<16xf32>
    %mul3A_958 = arith.constant 5.000000e-01 : f32
    %mul3A_959 = vector.broadcast %mul3A_958 : f32 to vector<16xf32>
    %mul3A_960 = arith.mulf %mul3A_959, %add3A_957 : vector<16xf32>
    %div3A_961 = arith.divf %add3A_934, %mul3A_960 : vector<16xf32>
    %add3A_962 = arith.addf %mul3A_960, %div3A_961 : vector<16xf32>
    %mul3A_963 = arith.constant 5.000000e-01 : f32
    %mul3A_964 = vector.broadcast %mul3A_963 : f32 to vector<16xf32>
    %mul3A_965 = arith.mulf %mul3A_964, %add3A_962 : vector<16xf32>
    %div3A_966 = arith.divf %add3A_934, %mul3A_965 : vector<16xf32>
    %add3A_967 = arith.addf %mul3A_965, %div3A_966 : vector<16xf32>
    %mul3A_968 = arith.constant 5.000000e-01 : f32
    %mul3A_969 = vector.broadcast %mul3A_968 : f32 to vector<16xf32>
    %mul3A_970 = arith.mulf %mul3A_969, %add3A_967 : vector<16xf32>
    %get3A_971 = arith.constant 240 : index
    %get3A_972 = tpu.vector_load %arg12[%get3A_971] {strides = array<i32>} : memref<512xf32, #tpu.memory_space<vmem>>, vector<16xf32>,
    %get3A_973 = vector.shape_cast %get3A_972 : vector<16xf32> to vector<16xf32>
    %div3A_974 = arith.divf %get3A_973, %mul3A_970 : vector<16xf32>
    %swap3A_975 = arith.constant 240 : index
    %swap3A_976 = tpu.vector_load %arg16[%swap3A_975] {strides = array<i32>} : memref<512xf32, #tpu.memory_space<vmem>>, vector<16xf32>,
    %swap3A_977 = vector.shape_cast %swap3A_976 : vector<16xf32> to vector<16xf32>
    %swap3A_978 = vector.shape_cast %div3A_974 : vector<16xf32> to vector<16xf32>
    tpu.vector_store %arg16[%swap3A_975], %swap3A_978 {strides = array<i32>} : memref<512xf32, #tpu.memory_space<vmem>>, vector<16xf32>,
    %get3A_979 = arith.constant 240 : index
    %get3A_980 = tpu.vector_load %arg13[%get3A_979] {strides = array<i32>} : memref<512xf32, #tpu.memory_space<vmem>>, vector<16xf32>,
    %get3A_981 = vector.shape_cast %get3A_980 : vector<16xf32> to vector<16xf32>
    %get3A_982 = arith.constant 240 : index
    %get3A_983 = tpu.vector_load %arg14[%get3A_982] {strides = array<i32>} : memref<512xf32, #tpu.memory_space<vmem>>, vector<16xf32>,
    %get3A_984 = vector.shape_cast %get3A_983 : vector<16xf32> to vector<16xf32>
    %mul3A_985 = arith.mulf %get3A_984, %div3A_974 : vector<16xf32>
    %sub3A_986 = arith.subf %get3A_981, %mul3A_985 : vector<16xf32>
    %swap3A_987 = arith.constant 240 : index
    %swap3A_988 = tpu.vector_load %arg17[%swap3A_987] {strides = array<i32>} : memref<512xf32, #tpu.memory_space<vmem>>, vector<16xf32>,
    %swap3A_989 = vector.shape_cast %swap3A_988 : vector<16xf32> to vector<16xf32>
    %swap3A_990 = vector.shape_cast %sub3A_986 : vector<16xf32> to vector<16xf32>
    tpu.vector_store %arg17[%swap3A_987], %swap3A_990 {strides = array<i32>} : memref<512xf32, #tpu.memory_space<vmem>>, vector<16xf32>,
    %get3A_991 = arith.constant 256 : index
    %get3A_992 = tpu.vector_load %arg15[%get3A_991] {strides = array<i32>} : memref<512xf32, #tpu.memory_space<vmem>>, vector<16xf32>,
    %get3A_993 = vector.shape_cast %get3A_992 : vector<16xf32> to vector<16xf32>
    %add3A_994 = arith.constant 9.99999974E-6 : f32
    %add3A_995 = vector.broadcast %add3A_994 : f32 to vector<16xf32>
    %add3A_996 = arith.addf %get3A_993, %add3A_995 : vector<16xf32>
    %mul3A_997 = arith.constant 0.000000e+00 : f32
    %mul3A_998 = vector.broadcast %mul3A_997 : f32 to vector<16xf32>
    %mul3A_999 = arith.mulf %add3A_996, %mul3A_998 : vector<16xf32>
    %add3A_1000 = arith.constant 1.000000e+00 : f32
    %add3A_1001 = vector.broadcast %add3A_1000 : f32 to vector<16xf32>
    %add3A_1002 = arith.addf %mul3A_999, %add3A_1001 : vector<16xf32>
    %div3A_1003 = arith.divf %add3A_996, %add3A_1002 : vector<16xf32>
    %add3A_1004 = arith.addf %add3A_1002, %div3A_1003 : vector<16xf32>
    %mul3A_1005 = arith.constant 5.000000e-01 : f32
    %mul3A_1006 = vector.broadcast %mul3A_1005 : f32 to vector<16xf32>
    %mul3A_1007 = arith.mulf %mul3A_1006, %add3A_1004 : vector<16xf32>
    %div3A_1008 = arith.divf %add3A_996, %mul3A_1007 : vector<16xf32>
    %add3A_1009 = arith.addf %mul3A_1007, %div3A_1008 : vector<16xf32>
    %mul3A_1010 = arith.constant 5.000000e-01 : f32
    %mul3A_1011 = vector.broadcast %mul3A_1010 : f32 to vector<16xf32>
    %mul3A_1012 = arith.mulf %mul3A_1011, %add3A_1009 : vector<16xf32>
    %div3A_1013 = arith.divf %add3A_996, %mul3A_1012 : vector<16xf32>
    %add3A_1014 = arith.addf %mul3A_1012, %div3A_1013 : vector<16xf32>
    %mul3A_1015 = arith.constant 5.000000e-01 : f32
    %mul3A_1016 = vector.broadcast %mul3A_1015 : f32 to vector<16xf32>
    %mul3A_1017 = arith.mulf %mul3A_1016, %add3A_1014 : vector<16xf32>
    %div3A_1018 = arith.divf %add3A_996, %mul3A_1017 : vector<16xf32>
    %add3A_1019 = arith.addf %mul3A_1017, %div3A_1018 : vector<16xf32>
    %mul3A_1020 = arith.constant 5.000000e-01 : f32
    %mul3A_1021 = vector.broadcast %mul3A_1020 : f32 to vector<16xf32>
    %mul3A_1022 = arith.mulf %mul3A_1021, %add3A_1019 : vector<16xf32>
    %div3A_1023 = arith.divf %add3A_996, %mul3A_1022 : vector<16xf32>
    %add3A_1024 = arith.addf %mul3A_1022, %div3A_1023 : vector<16xf32>
    %mul3A_1025 = arith.constant 5.000000e-01 : f32
    %mul3A_1026 = vector.broadcast %mul3A_1025 : f32 to vector<16xf32>
    %mul3A_1027 = arith.mulf %mul3A_1026, %add3A_1024 : vector<16xf32>
    %div3A_1028 = arith.divf %add3A_996, %mul3A_1027 : vector<16xf32>
    %add3A_1029 = arith.addf %mul3A_1027, %div3A_1028 : vector<16xf32>
    %mul3A_1030 = arith.constant 5.000000e-01 : f32
    %mul3A_1031 = vector.broadcast %mul3A_1030 : f32 to vector<16xf32>
    %mul3A_1032 = arith.mulf %mul3A_1031, %add3A_1029 : vector<16xf32>
    %get3A_1033 = arith.constant 256 : index
    %get3A_1034 = tpu.vector_load %arg12[%get3A_1033] {strides = array<i32>} : memref<512xf32, #tpu.memory_space<vmem>>, vector<16xf32>,
    %get3A_1035 = vector.shape_cast %get3A_1034 : vector<16xf32> to vector<16xf32>
    %div3A_1036 = arith.divf %get3A_1035, %mul3A_1032 : vector<16xf32>
    %swap3A_1037 = arith.constant 256 : index
    %swap3A_1038 = tpu.vector_load %arg16[%swap3A_1037] {strides = array<i32>} : memref<512xf32, #tpu.memory_space<vmem>>, vector<16xf32>,
    %swap3A_1039 = vector.shape_cast %swap3A_1038 : vector<16xf32> to vector<16xf32>
    %swap3A_1040 = vector.shape_cast %div3A_1036 : vector<16xf32> to vector<16xf32>
    tpu.vector_store %arg16[%swap3A_1037], %swap3A_1040 {strides = array<i32>} : memref<512xf32, #tpu.memory_space<vmem>>, vector<16xf32>,
    %get3A_1041 = arith.constant 256 : index
    %get3A_1042 = tpu.vector_load %arg13[%get3A_1041] {strides = array<i32>} : memref<512xf32, #tpu.memory_space<vmem>>, vector<16xf32>,
    %get3A_1043 = vector.shape_cast %get3A_1042 : vector<16xf32> to vector<16xf32>
    %get3A_1044 = arith.constant 256 : index
    %get3A_1045 = tpu.vector_load %arg14[%get3A_1044] {strides = array<i32>} : memref<512xf32, #tpu.memory_space<vmem>>, vector<16xf32>,
    %get3A_1046 = vector.shape_cast %get3A_1045 : vector<16xf32> to vector<16xf32>
    %mul3A_1047 = arith.mulf %get3A_1046, %div3A_1036 : vector<16xf32>
    %sub3A_1048 = arith.subf %get3A_1043, %mul3A_1047 : vector<16xf32>
    %swap3A_1049 = arith.constant 256 : index
    %swap3A_1050 = tpu.vector_load %arg17[%swap3A_1049] {strides = array<i32>} : memref<512xf32, #tpu.memory_space<vmem>>, vector<16xf32>,
    %swap3A_1051 = vector.shape_cast %swap3A_1050 : vector<16xf32> to vector<16xf32>
    %swap3A_1052 = vector.shape_cast %sub3A_1048 : vector<16xf32> to vector<16xf32>
    tpu.vector_store %arg17[%swap3A_1049], %swap3A_1052 {strides = array<i32>} : memref<512xf32, #tpu.memory_space<vmem>>, vector<16xf32>,
    %get3A_1053 = arith.constant 272 : index
    %get3A_1054 = tpu.vector_load %arg15[%get3A_1053] {strides = array<i32>} : memref<512xf32, #tpu.memory_space<vmem>>, vector<16xf32>,
    %get3A_1055 = vector.shape_cast %get3A_1054 : vector<16xf32> to vector<16xf32>
    %add3A_1056 = arith.constant 9.99999974E-6 : f32
    %add3A_1057 = vector.broadcast %add3A_1056 : f32 to vector<16xf32>
    %add3A_1058 = arith.addf %get3A_1055, %add3A_1057 : vector<16xf32>
    %mul3A_1059 = arith.constant 0.000000e+00 : f32
    %mul3A_1060 = vector.broadcast %mul3A_1059 : f32 to vector<16xf32>
    %mul3A_1061 = arith.mulf %add3A_1058, %mul3A_1060 : vector<16xf32>
    %add3A_1062 = arith.constant 1.000000e+00 : f32
    %add3A_1063 = vector.broadcast %add3A_1062 : f32 to vector<16xf32>
    %add3A_1064 = arith.addf %mul3A_1061, %add3A_1063 : vector<16xf32>
    %div3A_1065 = arith.divf %add3A_1058, %add3A_1064 : vector<16xf32>
    %add3A_1066 = arith.addf %add3A_1064, %div3A_1065 : vector<16xf32>
    %mul3A_1067 = arith.constant 5.000000e-01 : f32
    %mul3A_1068 = vector.broadcast %mul3A_1067 : f32 to vector<16xf32>
    %mul3A_1069 = arith.mulf %mul3A_1068, %add3A_1066 : vector<16xf32>
    %div3A_1070 = arith.divf %add3A_1058, %mul3A_1069 : vector<16xf32>
    %add3A_1071 = arith.addf %mul3A_1069, %div3A_1070 : vector<16xf32>
    %mul3A_1072 = arith.constant 5.000000e-01 : f32
    %mul3A_1073 = vector.broadcast %mul3A_1072 : f32 to vector<16xf32>
    %mul3A_1074 = arith.mulf %mul3A_1073, %add3A_1071 : vector<16xf32>
    %div3A_1075 = arith.divf %add3A_1058, %mul3A_1074 : vector<16xf32>
    %add3A_1076 = arith.addf %mul3A_1074, %div3A_1075 : vector<16xf32>
    %mul3A_1077 = arith.constant 5.000000e-01 : f32
    %mul3A_1078 = vector.broadcast %mul3A_1077 : f32 to vector<16xf32>
    %mul3A_1079 = arith.mulf %mul3A_1078, %add3A_1076 : vector<16xf32>
    %div3A_1080 = arith.divf %add3A_1058, %mul3A_1079 : vector<16xf32>
    %add3A_1081 = arith.addf %mul3A_1079, %div3A_1080 : vector<16xf32>
    %mul3A_1082 = arith.constant 5.000000e-01 : f32
    %mul3A_1083 = vector.broadcast %mul3A_1082 : f32 to vector<16xf32>
    %mul3A_1084 = arith.mulf %mul3A_1083, %add3A_1081 : vector<16xf32>
    %div3A_1085 = arith.divf %add3A_1058, %mul3A_1084 : vector<16xf32>
    %add3A_1086 = arith.addf %mul3A_1084, %div3A_1085 : vector<16xf32>
    %mul3A_1087 = arith.constant 5.000000e-01 : f32
    %mul3A_1088 = vector.broadcast %mul3A_1087 : f32 to vector<16xf32>
    %mul3A_1089 = arith.mulf %mul3A_1088, %add3A_1086 : vector<16xf32>
    %div3A_1090 = arith.divf %add3A_1058, %mul3A_1089 : vector<16xf32>
    %add3A_1091 = arith.addf %mul3A_1089, %div3A_1090 : vector<16xf32>
    %mul3A_1092 = arith.constant 5.000000e-01 : f32
    %mul3A_1093 = vector.broadcast %mul3A_1092 : f32 to vector<16xf32>
    %mul3A_1094 = arith.mulf %mul3A_1093, %add3A_1091 : vector<16xf32>
    %get3A_1095 = arith.constant 272 : index
    %get3A_1096 = tpu.vector_load %arg12[%get3A_1095] {strides = array<i32>} : memref<512xf32, #tpu.memory_space<vmem>>, vector<16xf32>,
    %get3A_1097 = vector.shape_cast %get3A_1096 : vector<16xf32> to vector<16xf32>
    %div3A_1098 = arith.divf %get3A_1097, %mul3A_1094 : vector<16xf32>
    %swap3A_1099 = arith.constant 272 : index
    %swap3A_1100 = tpu.vector_load %arg16[%swap3A_1099] {strides = array<i32>} : memref<512xf32, #tpu.memory_space<vmem>>, vector<16xf32>,
    %swap3A_1101 = vector.shape_cast %swap3A_1100 : vector<16xf32> to vector<16xf32>
    %swap3A_1102 = vector.shape_cast %div3A_1098 : vector<16xf32> to vector<16xf32>
    tpu.vector_store %arg16[%swap3A_1099], %swap3A_1102 {strides = array<i32>} : memref<512xf32, #tpu.memory_space<vmem>>, vector<16xf32>,
    %get3A_1103 = arith.constant 272 : index
    %get3A_1104 = tpu.vector_load %arg13[%get3A_1103] {strides = array<i32>} : memref<512xf32, #tpu.memory_space<vmem>>, vector<16xf32>,
    %get3A_1105 = vector.shape_cast %get3A_1104 : vector<16xf32> to vector<16xf32>
    %get3A_1106 = arith.constant 272 : index
    %get3A_1107 = tpu.vector_load %arg14[%get3A_1106] {strides = array<i32>} : memref<512xf32, #tpu.memory_space<vmem>>, vector<16xf32>,
    %get3A_1108 = vector.shape_cast %get3A_1107 : vector<16xf32> to vector<16xf32>
    %mul3A_1109 = arith.mulf %get3A_1108, %div3A_1098 : vector<16xf32>
    %sub3A_1110 = arith.subf %get3A_1105, %mul3A_1109 : vector<16xf32>
    %swap3A_1111 = arith.constant 272 : index
    %swap3A_1112 = tpu.vector_load %arg17[%swap3A_1111] {strides = array<i32>} : memref<512xf32, #tpu.memory_space<vmem>>, vector<16xf32>,
    %swap3A_1113 = vector.shape_cast %swap3A_1112 : vector<16xf32> to vector<16xf32>
    %swap3A_1114 = vector.shape_cast %sub3A_1110 : vector<16xf32> to vector<16xf32>
    tpu.vector_store %arg17[%swap3A_1111], %swap3A_1114 {strides = array<i32>} : memref<512xf32, #tpu.memory_space<vmem>>, vector<16xf32>,
    %get3A_1115 = arith.constant 288 : index
    %get3A_1116 = tpu.vector_load %arg15[%get3A_1115] {strides = array<i32>} : memref<512xf32, #tpu.memory_space<vmem>>, vector<16xf32>,
    %get3A_1117 = vector.shape_cast %get3A_1116 : vector<16xf32> to vector<16xf32>
    %add3A_1118 = arith.constant 9.99999974E-6 : f32
    %add3A_1119 = vector.broadcast %add3A_1118 : f32 to vector<16xf32>
    %add3A_1120 = arith.addf %get3A_1117, %add3A_1119 : vector<16xf32>
    %mul3A_1121 = arith.constant 0.000000e+00 : f32
    %mul3A_1122 = vector.broadcast %mul3A_1121 : f32 to vector<16xf32>
    %mul3A_1123 = arith.mulf %add3A_1120, %mul3A_1122 : vector<16xf32>
    %add3A_1124 = arith.constant 1.000000e+00 : f32
    %add3A_1125 = vector.broadcast %add3A_1124 : f32 to vector<16xf32>
    %add3A_1126 = arith.addf %mul3A_1123, %add3A_1125 : vector<16xf32>
    %div3A_1127 = arith.divf %add3A_1120, %add3A_1126 : vector<16xf32>
    %add3A_1128 = arith.addf %add3A_1126, %div3A_1127 : vector<16xf32>
    %mul3A_1129 = arith.constant 5.000000e-01 : f32
    %mul3A_1130 = vector.broadcast %mul3A_1129 : f32 to vector<16xf32>
    %mul3A_1131 = arith.mulf %mul3A_1130, %add3A_1128 : vector<16xf32>
    %div3A_1132 = arith.divf %add3A_1120, %mul3A_1131 : vector<16xf32>
    %add3A_1133 = arith.addf %mul3A_1131, %div3A_1132 : vector<16xf32>
    %mul3A_1134 = arith.constant 5.000000e-01 : f32
    %mul3A_1135 = vector.broadcast %mul3A_1134 : f32 to vector<16xf32>
    %mul3A_1136 = arith.mulf %mul3A_1135, %add3A_1133 : vector<16xf32>
    %div3A_1137 = arith.divf %add3A_1120, %mul3A_1136 : vector<16xf32>
    %add3A_1138 = arith.addf %mul3A_1136, %div3A_1137 : vector<16xf32>
    %mul3A_1139 = arith.constant 5.000000e-01 : f32
    %mul3A_1140 = vector.broadcast %mul3A_1139 : f32 to vector<16xf32>
    %mul3A_1141 = arith.mulf %mul3A_1140, %add3A_1138 : vector<16xf32>
    %div3A_1142 = arith.divf %add3A_1120, %mul3A_1141 : vector<16xf32>
    %add3A_1143 = arith.addf %mul3A_1141, %div3A_1142 : vector<16xf32>
    %mul3A_1144 = arith.constant 5.000000e-01 : f32
    %mul3A_1145 = vector.broadcast %mul3A_1144 : f32 to vector<16xf32>
    %mul3A_1146 = arith.mulf %mul3A_1145, %add3A_1143 : vector<16xf32>
    %div3A_1147 = arith.divf %add3A_1120, %mul3A_1146 : vector<16xf32>
    %add3A_1148 = arith.addf %mul3A_1146, %div3A_1147 : vector<16xf32>
    %mul3A_1149 = arith.constant 5.000000e-01 : f32
    %mul3A_1150 = vector.broadcast %mul3A_1149 : f32 to vector<16xf32>
    %mul3A_1151 = arith.mulf %mul3A_1150, %add3A_1148 : vector<16xf32>
    %div3A_1152 = arith.divf %add3A_1120, %mul3A_1151 : vector<16xf32>
    %add3A_1153 = arith.addf %mul3A_1151, %div3A_1152 : vector<16xf32>
    %mul3A_1154 = arith.constant 5.000000e-01 : f32
    %mul3A_1155 = vector.broadcast %mul3A_1154 : f32 to vector<16xf32>
    %mul3A_1156 = arith.mulf %mul3A_1155, %add3A_1153 : vector<16xf32>
    %get3A_1157 = arith.constant 288 : index
    %get3A_1158 = tpu.vector_load %arg12[%get3A_1157] {strides = array<i32>} : memref<512xf32, #tpu.memory_space<vmem>>, vector<16xf32>,
    %get3A_1159 = vector.shape_cast %get3A_1158 : vector<16xf32> to vector<16xf32>
    %div3A_1160 = arith.divf %get3A_1159, %mul3A_1156 : vector<16xf32>
    %swap3A_1161 = arith.constant 288 : index
    %swap3A_1162 = tpu.vector_load %arg16[%swap3A_1161] {strides = array<i32>} : memref<512xf32, #tpu.memory_space<vmem>>, vector<16xf32>,
    %swap3A_1163 = vector.shape_cast %swap3A_1162 : vector<16xf32> to vector<16xf32>
    %swap3A_1164 = vector.shape_cast %div3A_1160 : vector<16xf32> to vector<16xf32>
    tpu.vector_store %arg16[%swap3A_1161], %swap3A_1164 {strides = array<i32>} : memref<512xf32, #tpu.memory_space<vmem>>, vector<16xf32>,
    %get3A_1165 = arith.constant 288 : index
    %get3A_1166 = tpu.vector_load %arg13[%get3A_1165] {strides = array<i32>} : memref<512xf32, #tpu.memory_space<vmem>>, vector<16xf32>,
    %get3A_1167 = vector.shape_cast %get3A_1166 : vector<16xf32> to vector<16xf32>
    %get3A_1168 = arith.constant 288 : index
    %get3A_1169 = tpu.vector_load %arg14[%get3A_1168] {strides = array<i32>} : memref<512xf32, #tpu.memory_space<vmem>>, vector<16xf32>,
    %get3A_1170 = vector.shape_cast %get3A_1169 : vector<16xf32> to vector<16xf32>
    %mul3A_1171 = arith.mulf %get3A_1170, %div3A_1160 : vector<16xf32>
    %sub3A_1172 = arith.subf %get3A_1167, %mul3A_1171 : vector<16xf32>
    %swap3A_1173 = arith.constant 288 : index
    %swap3A_1174 = tpu.vector_load %arg17[%swap3A_1173] {strides = array<i32>} : memref<512xf32, #tpu.memory_space<vmem>>, vector<16xf32>,
    %swap3A_1175 = vector.shape_cast %swap3A_1174 : vector<16xf32> to vector<16xf32>
    %swap3A_1176 = vector.shape_cast %sub3A_1172 : vector<16xf32> to vector<16xf32>
    tpu.vector_store %arg17[%swap3A_1173], %swap3A_1176 {strides = array<i32>} : memref<512xf32, #tpu.memory_space<vmem>>, vector<16xf32>,
    %get3A_1177 = arith.constant 304 : index
    %get3A_1178 = tpu.vector_load %arg15[%get3A_1177] {strides = array<i32>} : memref<512xf32, #tpu.memory_space<vmem>>, vector<16xf32>,
    %get3A_1179 = vector.shape_cast %get3A_1178 : vector<16xf32> to vector<16xf32>
    %add3A_1180 = arith.constant 9.99999974E-6 : f32
    %add3A_1181 = vector.broadcast %add3A_1180 : f32 to vector<16xf32>
    %add3A_1182 = arith.addf %get3A_1179, %add3A_1181 : vector<16xf32>
    %mul3A_1183 = arith.constant 0.000000e+00 : f32
    %mul3A_1184 = vector.broadcast %mul3A_1183 : f32 to vector<16xf32>
    %mul3A_1185 = arith.mulf %add3A_1182, %mul3A_1184 : vector<16xf32>
    %add3A_1186 = arith.constant 1.000000e+00 : f32
    %add3A_1187 = vector.broadcast %add3A_1186 : f32 to vector<16xf32>
    %add3A_1188 = arith.addf %mul3A_1185, %add3A_1187 : vector<16xf32>
    %div3A_1189 = arith.divf %add3A_1182, %add3A_1188 : vector<16xf32>
    %add3A_1190 = arith.addf %add3A_1188, %div3A_1189 : vector<16xf32>
    %mul3A_1191 = arith.constant 5.000000e-01 : f32
    %mul3A_1192 = vector.broadcast %mul3A_1191 : f32 to vector<16xf32>
    %mul3A_1193 = arith.mulf %mul3A_1192, %add3A_1190 : vector<16xf32>
    %div3A_1194 = arith.divf %add3A_1182, %mul3A_1193 : vector<16xf32>
    %add3A_1195 = arith.addf %mul3A_1193, %div3A_1194 : vector<16xf32>
    %mul3A_1196 = arith.constant 5.000000e-01 : f32
    %mul3A_1197 = vector.broadcast %mul3A_1196 : f32 to vector<16xf32>
    %mul3A_1198 = arith.mulf %mul3A_1197, %add3A_1195 : vector<16xf32>
    %div3A_1199 = arith.divf %add3A_1182, %mul3A_1198 : vector<16xf32>
    %add3A_1200 = arith.addf %mul3A_1198, %div3A_1199 : vector<16xf32>
    %mul3A_1201 = arith.constant 5.000000e-01 : f32
    %mul3A_1202 = vector.broadcast %mul3A_1201 : f32 to vector<16xf32>
    %mul3A_1203 = arith.mulf %mul3A_1202, %add3A_1200 : vector<16xf32>
    %div3A_1204 = arith.divf %add3A_1182, %mul3A_1203 : vector<16xf32>
    %add3A_1205 = arith.addf %mul3A_1203, %div3A_1204 : vector<16xf32>
    %mul3A_1206 = arith.constant 5.000000e-01 : f32
    %mul3A_1207 = vector.broadcast %mul3A_1206 : f32 to vector<16xf32>
    %mul3A_1208 = arith.mulf %mul3A_1207, %add3A_1205 : vector<16xf32>
    %div3A_1209 = arith.divf %add3A_1182, %mul3A_1208 : vector<16xf32>
    %add3A_1210 = arith.addf %mul3A_1208, %div3A_1209 : vector<16xf32>
    %mul3A_1211 = arith.constant 5.000000e-01 : f32
    %mul3A_1212 = vector.broadcast %mul3A_1211 : f32 to vector<16xf32>
    %mul3A_1213 = arith.mulf %mul3A_1212, %add3A_1210 : vector<16xf32>
    %div3A_1214 = arith.divf %add3A_1182, %mul3A_1213 : vector<16xf32>
    %add3A_1215 = arith.addf %mul3A_1213, %div3A_1214 : vector<16xf32>
    %mul3A_1216 = arith.constant 5.000000e-01 : f32
    %mul3A_1217 = vector.broadcast %mul3A_1216 : f32 to vector<16xf32>
    %mul3A_1218 = arith.mulf %mul3A_1217, %add3A_1215 : vector<16xf32>
    %get3A_1219 = arith.constant 304 : index
    %get3A_1220 = tpu.vector_load %arg12[%get3A_1219] {strides = array<i32>} : memref<512xf32, #tpu.memory_space<vmem>>, vector<16xf32>,
    %get3A_1221 = vector.shape_cast %get3A_1220 : vector<16xf32> to vector<16xf32>
    %div3A_1222 = arith.divf %get3A_1221, %mul3A_1218 : vector<16xf32>
    %swap3A_1223 = arith.constant 304 : index
    %swap3A_1224 = tpu.vector_load %arg16[%swap3A_1223] {strides = array<i32>} : memref<512xf32, #tpu.memory_space<vmem>>, vector<16xf32>,
    %swap3A_1225 = vector.shape_cast %swap3A_1224 : vector<16xf32> to vector<16xf32>
    %swap3A_1226 = vector.shape_cast %div3A_1222 : vector<16xf32> to vector<16xf32>
    tpu.vector_store %arg16[%swap3A_1223], %swap3A_1226 {strides = array<i32>} : memref<512xf32, #tpu.memory_space<vmem>>, vector<16xf32>,
    %get3A_1227 = arith.constant 304 : index
    %get3A_1228 = tpu.vector_load %arg13[%get3A_1227] {strides = array<i32>} : memref<512xf32, #tpu.memory_space<vmem>>, vector<16xf32>,
    %get3A_1229 = vector.shape_cast %get3A_1228 : vector<16xf32> to vector<16xf32>
    %get3A_1230 = arith.constant 304 : index
    %get3A_1231 = tpu.vector_load %arg14[%get3A_1230] {strides = array<i32>} : memref<512xf32, #tpu.memory_space<vmem>>, vector<16xf32>,
    %get3A_1232 = vector.shape_cast %get3A_1231 : vector<16xf32> to vector<16xf32>
    %mul3A_1233 = arith.mulf %get3A_1232, %div3A_1222 : vector<16xf32>
    %sub3A_1234 = arith.subf %get3A_1229, %mul3A_1233 : vector<16xf32>
    %swap3A_1235 = arith.constant 304 : index
    %swap3A_1236 = tpu.vector_load %arg17[%swap3A_1235] {strides = array<i32>} : memref<512xf32, #tpu.memory_space<vmem>>, vector<16xf32>,
    %swap3A_1237 = vector.shape_cast %swap3A_1236 : vector<16xf32> to vector<16xf32>
    %swap3A_1238 = vector.shape_cast %sub3A_1234 : vector<16xf32> to vector<16xf32>
    tpu.vector_store %arg17[%swap3A_1235], %swap3A_1238 {strides = array<i32>} : memref<512xf32, #tpu.memory_space<vmem>>, vector<16xf32>,
    %get3A_1239 = arith.constant 320 : index
    %get3A_1240 = tpu.vector_load %arg15[%get3A_1239] {strides = array<i32>} : memref<512xf32, #tpu.memory_space<vmem>>, vector<16xf32>,
    %get3A_1241 = vector.shape_cast %get3A_1240 : vector<16xf32> to vector<16xf32>
    %add3A_1242 = arith.constant 9.99999974E-6 : f32
    %add3A_1243 = vector.broadcast %add3A_1242 : f32 to vector<16xf32>
    %add3A_1244 = arith.addf %get3A_1241, %add3A_1243 : vector<16xf32>
    %mul3A_1245 = arith.constant 0.000000e+00 : f32
    %mul3A_1246 = vector.broadcast %mul3A_1245 : f32 to vector<16xf32>
    %mul3A_1247 = arith.mulf %add3A_1244, %mul3A_1246 : vector<16xf32>
    %add3A_1248 = arith.constant 1.000000e+00 : f32
    %add3A_1249 = vector.broadcast %add3A_1248 : f32 to vector<16xf32>
    %add3A_1250 = arith.addf %mul3A_1247, %add3A_1249 : vector<16xf32>
    %div3A_1251 = arith.divf %add3A_1244, %add3A_1250 : vector<16xf32>
    %add3A_1252 = arith.addf %add3A_1250, %div3A_1251 : vector<16xf32>
    %mul3A_1253 = arith.constant 5.000000e-01 : f32
    %mul3A_1254 = vector.broadcast %mul3A_1253 : f32 to vector<16xf32>
    %mul3A_1255 = arith.mulf %mul3A_1254, %add3A_1252 : vector<16xf32>
    %div3A_1256 = arith.divf %add3A_1244, %mul3A_1255 : vector<16xf32>
    %add3A_1257 = arith.addf %mul3A_1255, %div3A_1256 : vector<16xf32>
    %mul3A_1258 = arith.constant 5.000000e-01 : f32
    %mul3A_1259 = vector.broadcast %mul3A_1258 : f32 to vector<16xf32>
    %mul3A_1260 = arith.mulf %mul3A_1259, %add3A_1257 : vector<16xf32>
    %div3A_1261 = arith.divf %add3A_1244, %mul3A_1260 : vector<16xf32>
    %add3A_1262 = arith.addf %mul3A_1260, %div3A_1261 : vector<16xf32>
    %mul3A_1263 = arith.constant 5.000000e-01 : f32
    %mul3A_1264 = vector.broadcast %mul3A_1263 : f32 to vector<16xf32>
    %mul3A_1265 = arith.mulf %mul3A_1264, %add3A_1262 : vector<16xf32>
    %div3A_1266 = arith.divf %add3A_1244, %mul3A_1265 : vector<16xf32>
    %add3A_1267 = arith.addf %mul3A_1265, %div3A_1266 : vector<16xf32>
    %mul3A_1268 = arith.constant 5.000000e-01 : f32
    %mul3A_1269 = vector.broadcast %mul3A_1268 : f32 to vector<16xf32>
    %mul3A_1270 = arith.mulf %mul3A_1269, %add3A_1267 : vector<16xf32>
    %div3A_1271 = arith.divf %add3A_1244, %mul3A_1270 : vector<16xf32>
    %add3A_1272 = arith.addf %mul3A_1270, %div3A_1271 : vector<16xf32>
    %mul3A_1273 = arith.constant 5.000000e-01 : f32
    %mul3A_1274 = vector.broadcast %mul3A_1273 : f32 to vector<16xf32>
    %mul3A_1275 = arith.mulf %mul3A_1274, %add3A_1272 : vector<16xf32>
    %div3A_1276 = arith.divf %add3A_1244, %mul3A_1275 : vector<16xf32>
    %add3A_1277 = arith.addf %mul3A_1275, %div3A_1276 : vector<16xf32>
    %mul3A_1278 = arith.constant 5.000000e-01 : f32
    %mul3A_1279 = vector.broadcast %mul3A_1278 : f32 to vector<16xf32>
    %mul3A_1280 = arith.mulf %mul3A_1279, %add3A_1277 : vector<16xf32>
    %get3A_1281 = arith.constant 320 : index
    %get3A_1282 = tpu.vector_load %arg12[%get3A_1281] {strides = array<i32>} : memref<512xf32, #tpu.memory_space<vmem>>, vector<16xf32>,
    %get3A_1283 = vector.shape_cast %get3A_1282 : vector<16xf32> to vector<16xf32>
    %div3A_1284 = arith.divf %get3A_1283, %mul3A_1280 : vector<16xf32>
    %swap3A_1285 = arith.constant 320 : index
    %swap3A_1286 = tpu.vector_load %arg16[%swap3A_1285] {strides = array<i32>} : memref<512xf32, #tpu.memory_space<vmem>>, vector<16xf32>,
    %swap3A_1287 = vector.shape_cast %swap3A_1286 : vector<16xf32> to vector<16xf32>
    %swap3A_1288 = vector.shape_cast %div3A_1284 : vector<16xf32> to vector<16xf32>
    tpu.vector_store %arg16[%swap3A_1285], %swap3A_1288 {strides = array<i32>} : memref<512xf32, #tpu.memory_space<vmem>>, vector<16xf32>,
    %get3A_1289 = arith.constant 320 : index
    %get3A_1290 = tpu.vector_load %arg13[%get3A_1289] {strides = array<i32>} : memref<512xf32, #tpu.memory_space<vmem>>, vector<16xf32>,
    %get3A_1291 = vector.shape_cast %get3A_1290 : vector<16xf32> to vector<16xf32>
    %get3A_1292 = arith.constant 320 : index
    %get3A_1293 = tpu.vector_load %arg14[%get3A_1292] {strides = array<i32>} : memref<512xf32, #tpu.memory_space<vmem>>, vector<16xf32>,
    %get3A_1294 = vector.shape_cast %get3A_1293 : vector<16xf32> to vector<16xf32>
    %mul3A_1295 = arith.mulf %get3A_1294, %div3A_1284 : vector<16xf32>
    %sub3A_1296 = arith.subf %get3A_1291, %mul3A_1295 : vector<16xf32>
    %swap3A_1297 = arith.constant 320 : index
    %swap3A_1298 = tpu.vector_load %arg17[%swap3A_1297] {strides = array<i32>} : memref<512xf32, #tpu.memory_space<vmem>>, vector<16xf32>,
    %swap3A_1299 = vector.shape_cast %swap3A_1298 : vector<16xf32> to vector<16xf32>
    %swap3A_1300 = vector.shape_cast %sub3A_1296 : vector<16xf32> to vector<16xf32>
    tpu.vector_store %arg17[%swap3A_1297], %swap3A_1300 {strides = array<i32>} : memref<512xf32, #tpu.memory_space<vmem>>, vector<16xf32>,
    %get3A_1301 = arith.constant 336 : index
    %get3A_1302 = tpu.vector_load %arg15[%get3A_1301] {strides = array<i32>} : memref<512xf32, #tpu.memory_space<vmem>>, vector<16xf32>,
    %get3A_1303 = vector.shape_cast %get3A_1302 : vector<16xf32> to vector<16xf32>
    %add3A_1304 = arith.constant 9.99999974E-6 : f32
    %add3A_1305 = vector.broadcast %add3A_1304 : f32 to vector<16xf32>
    %add3A_1306 = arith.addf %get3A_1303, %add3A_1305 : vector<16xf32>
    %mul3A_1307 = arith.constant 0.000000e+00 : f32
    %mul3A_1308 = vector.broadcast %mul3A_1307 : f32 to vector<16xf32>
    %mul3A_1309 = arith.mulf %add3A_1306, %mul3A_1308 : vector<16xf32>
    %add3A_1310 = arith.constant 1.000000e+00 : f32
    %add3A_1311 = vector.broadcast %add3A_1310 : f32 to vector<16xf32>
    %add3A_1312 = arith.addf %mul3A_1309, %add3A_1311 : vector<16xf32>
    %div3A_1313 = arith.divf %add3A_1306, %add3A_1312 : vector<16xf32>
    %add3A_1314 = arith.addf %add3A_1312, %div3A_1313 : vector<16xf32>
    %mul3A_1315 = arith.constant 5.000000e-01 : f32
    %mul3A_1316 = vector.broadcast %mul3A_1315 : f32 to vector<16xf32>
    %mul3A_1317 = arith.mulf %mul3A_1316, %add3A_1314 : vector<16xf32>
    %div3A_1318 = arith.divf %add3A_1306, %mul3A_1317 : vector<16xf32>
    %add3A_1319 = arith.addf %mul3A_1317, %div3A_1318 : vector<16xf32>
    %mul3A_1320 = arith.constant 5.000000e-01 : f32
    %mul3A_1321 = vector.broadcast %mul3A_1320 : f32 to vector<16xf32>
    %mul3A_1322 = arith.mulf %mul3A_1321, %add3A_1319 : vector<16xf32>
    %div3A_1323 = arith.divf %add3A_1306, %mul3A_1322 : vector<16xf32>
    %add3A_1324 = arith.addf %mul3A_1322, %div3A_1323 : vector<16xf32>
    %mul3A_1325 = arith.constant 5.000000e-01 : f32
    %mul3A_1326 = vector.broadcast %mul3A_1325 : f32 to vector<16xf32>
    %mul3A_1327 = arith.mulf %mul3A_1326, %add3A_1324 : vector<16xf32>
    %div3A_1328 = arith.divf %add3A_1306, %mul3A_1327 : vector<16xf32>
    %add3A_1329 = arith.addf %mul3A_1327, %div3A_1328 : vector<16xf32>
    %mul3A_1330 = arith.constant 5.000000e-01 : f32
    %mul3A_1331 = vector.broadcast %mul3A_1330 : f32 to vector<16xf32>
    %mul3A_1332 = arith.mulf %mul3A_1331, %add3A_1329 : vector<16xf32>
    %div3A_1333 = arith.divf %add3A_1306, %mul3A_1332 : vector<16xf32>
    %add3A_1334 = arith.addf %mul3A_1332, %div3A_1333 : vector<16xf32>
    %mul3A_1335 = arith.constant 5.000000e-01 : f32
    %mul3A_1336 = vector.broadcast %mul3A_1335 : f32 to vector<16xf32>
    %mul3A_1337 = arith.mulf %mul3A_1336, %add3A_1334 : vector<16xf32>
    %div3A_1338 = arith.divf %add3A_1306, %mul3A_1337 : vector<16xf32>
    %add3A_1339 = arith.addf %mul3A_1337, %div3A_1338 : vector<16xf32>
    %mul3A_1340 = arith.constant 5.000000e-01 : f32
    %mul3A_1341 = vector.broadcast %mul3A_1340 : f32 to vector<16xf32>
    %mul3A_1342 = arith.mulf %mul3A_1341, %add3A_1339 : vector<16xf32>
    %get3A_1343 = arith.constant 336 : index
    %get3A_1344 = tpu.vector_load %arg12[%get3A_1343] {strides = array<i32>} : memref<512xf32, #tpu.memory_space<vmem>>, vector<16xf32>,
    %get3A_1345 = vector.shape_cast %get3A_1344 : vector<16xf32> to vector<16xf32>
    %div3A_1346 = arith.divf %get3A_1345, %mul3A_1342 : vector<16xf32>
    %swap3A_1347 = arith.constant 336 : index
    %swap3A_1348 = tpu.vector_load %arg16[%swap3A_1347] {strides = array<i32>} : memref<512xf32, #tpu.memory_space<vmem>>, vector<16xf32>,
    %swap3A_1349 = vector.shape_cast %swap3A_1348 : vector<16xf32> to vector<16xf32>
    %swap3A_1350 = vector.shape_cast %div3A_1346 : vector<16xf32> to vector<16xf32>
    tpu.vector_store %arg16[%swap3A_1347], %swap3A_1350 {strides = array<i32>} : memref<512xf32, #tpu.memory_space<vmem>>, vector<16xf32>,
    %get3A_1351 = arith.constant 336 : index
    %get3A_1352 = tpu.vector_load %arg13[%get3A_1351] {strides = array<i32>} : memref<512xf32, #tpu.memory_space<vmem>>, vector<16xf32>,
    %get3A_1353 = vector.shape_cast %get3A_1352 : vector<16xf32> to vector<16xf32>
    %get3A_1354 = arith.constant 336 : index
    %get3A_1355 = tpu.vector_load %arg14[%get3A_1354] {strides = array<i32>} : memref<512xf32, #tpu.memory_space<vmem>>, vector<16xf32>,
    %get3A_1356 = vector.shape_cast %get3A_1355 : vector<16xf32> to vector<16xf32>
    %mul3A_1357 = arith.mulf %get3A_1356, %div3A_1346 : vector<16xf32>
    %sub3A_1358 = arith.subf %get3A_1353, %mul3A_1357 : vector<16xf32>
    %swap3A_1359 = arith.constant 336 : index
    %swap3A_1360 = tpu.vector_load %arg17[%swap3A_1359] {strides = array<i32>} : memref<512xf32, #tpu.memory_space<vmem>>, vector<16xf32>,
    %swap3A_1361 = vector.shape_cast %swap3A_1360 : vector<16xf32> to vector<16xf32>
    %swap3A_1362 = vector.shape_cast %sub3A_1358 : vector<16xf32> to vector<16xf32>
    tpu.vector_store %arg17[%swap3A_1359], %swap3A_1362 {strides = array<i32>} : memref<512xf32, #tpu.memory_space<vmem>>, vector<16xf32>,
    %get3A_1363 = arith.constant 352 : index
    %get3A_1364 = tpu.vector_load %arg15[%get3A_1363] {strides = array<i32>} : memref<512xf32, #tpu.memory_space<vmem>>, vector<16xf32>,
    %get3A_1365 = vector.shape_cast %get3A_1364 : vector<16xf32> to vector<16xf32>
    %add3A_1366 = arith.constant 9.99999974E-6 : f32
    %add3A_1367 = vector.broadcast %add3A_1366 : f32 to vector<16xf32>
    %add3A_1368 = arith.addf %get3A_1365, %add3A_1367 : vector<16xf32>
    %mul3A_1369 = arith.constant 0.000000e+00 : f32
    %mul3A_1370 = vector.broadcast %mul3A_1369 : f32 to vector<16xf32>
    %mul3A_1371 = arith.mulf %add3A_1368, %mul3A_1370 : vector<16xf32>
    %add3A_1372 = arith.constant 1.000000e+00 : f32
    %add3A_1373 = vector.broadcast %add3A_1372 : f32 to vector<16xf32>
    %add3A_1374 = arith.addf %mul3A_1371, %add3A_1373 : vector<16xf32>
    %div3A_1375 = arith.divf %add3A_1368, %add3A_1374 : vector<16xf32>
    %add3A_1376 = arith.addf %add3A_1374, %div3A_1375 : vector<16xf32>
    %mul3A_1377 = arith.constant 5.000000e-01 : f32
    %mul3A_1378 = vector.broadcast %mul3A_1377 : f32 to vector<16xf32>
    %mul3A_1379 = arith.mulf %mul3A_1378, %add3A_1376 : vector<16xf32>
    %div3A_1380 = arith.divf %add3A_1368, %mul3A_1379 : vector<16xf32>
    %add3A_1381 = arith.addf %mul3A_1379, %div3A_1380 : vector<16xf32>
    %mul3A_1382 = arith.constant 5.000000e-01 : f32
    %mul3A_1383 = vector.broadcast %mul3A_1382 : f32 to vector<16xf32>
    %mul3A_1384 = arith.mulf %mul3A_1383, %add3A_1381 : vector<16xf32>
    %div3A_1385 = arith.divf %add3A_1368, %mul3A_1384 : vector<16xf32>
    %add3A_1386 = arith.addf %mul3A_1384, %div3A_1385 : vector<16xf32>
    %mul3A_1387 = arith.constant 5.000000e-01 : f32
    %mul3A_1388 = vector.broadcast %mul3A_1387 : f32 to vector<16xf32>
    %mul3A_1389 = arith.mulf %mul3A_1388, %add3A_1386 : vector<16xf32>
    %div3A_1390 = arith.divf %add3A_1368, %mul3A_1389 : vector<16xf32>
    %add3A_1391 = arith.addf %mul3A_1389, %div3A_1390 : vector<16xf32>
    %mul3A_1392 = arith.constant 5.000000e-01 : f32
    %mul3A_1393 = vector.broadcast %mul3A_1392 : f32 to vector<16xf32>
    %mul3A_1394 = arith.mulf %mul3A_1393, %add3A_1391 : vector<16xf32>
    %div3A_1395 = arith.divf %add3A_1368, %mul3A_1394 : vector<16xf32>
    %add3A_1396 = arith.addf %mul3A_1394, %div3A_1395 : vector<16xf32>
    %mul3A_1397 = arith.constant 5.000000e-01 : f32
    %mul3A_1398 = vector.broadcast %mul3A_1397 : f32 to vector<16xf32>
    %mul3A_1399 = arith.mulf %mul3A_1398, %add3A_1396 : vector<16xf32>
    %div3A_1400 = arith.divf %add3A_1368, %mul3A_1399 : vector<16xf32>
    %add3A_1401 = arith.addf %mul3A_1399, %div3A_1400 : vector<16xf32>
    %mul3A_1402 = arith.constant 5.000000e-01 : f32
    %mul3A_1403 = vector.broadcast %mul3A_1402 : f32 to vector<16xf32>
    %mul3A_1404 = arith.mulf %mul3A_1403, %add3A_1401 : vector<16xf32>
    %get3A_1405 = arith.constant 352 : index
    %get3A_1406 = tpu.vector_load %arg12[%get3A_1405] {strides = array<i32>} : memref<512xf32, #tpu.memory_space<vmem>>, vector<16xf32>,
    %get3A_1407 = vector.shape_cast %get3A_1406 : vector<16xf32> to vector<16xf32>
    %div3A_1408 = arith.divf %get3A_1407, %mul3A_1404 : vector<16xf32>
    %swap3A_1409 = arith.constant 352 : index
    %swap3A_1410 = tpu.vector_load %arg16[%swap3A_1409] {strides = array<i32>} : memref<512xf32, #tpu.memory_space<vmem>>, vector<16xf32>,
    %swap3A_1411 = vector.shape_cast %swap3A_1410 : vector<16xf32> to vector<16xf32>
    %swap3A_1412 = vector.shape_cast %div3A_1408 : vector<16xf32> to vector<16xf32>
    tpu.vector_store %arg16[%swap3A_1409], %swap3A_1412 {strides = array<i32>} : memref<512xf32, #tpu.memory_space<vmem>>, vector<16xf32>,
    %get3A_1413 = arith.constant 352 : index
    %get3A_1414 = tpu.vector_load %arg13[%get3A_1413] {strides = array<i32>} : memref<512xf32, #tpu.memory_space<vmem>>, vector<16xf32>,
    %get3A_1415 = vector.shape_cast %get3A_1414 : vector<16xf32> to vector<16xf32>
    %get3A_1416 = arith.constant 352 : index
    %get3A_1417 = tpu.vector_load %arg14[%get3A_1416] {strides = array<i32>} : memref<512xf32, #tpu.memory_space<vmem>>, vector<16xf32>,
    %get3A_1418 = vector.shape_cast %get3A_1417 : vector<16xf32> to vector<16xf32>
    %mul3A_1419 = arith.mulf %get3A_1418, %div3A_1408 : vector<16xf32>
    %sub3A_1420 = arith.subf %get3A_1415, %mul3A_1419 : vector<16xf32>
    %swap3A_1421 = arith.constant 352 : index
    %swap3A_1422 = tpu.vector_load %arg17[%swap3A_1421] {strides = array<i32>} : memref<512xf32, #tpu.memory_space<vmem>>, vector<16xf32>,
    %swap3A_1423 = vector.shape_cast %swap3A_1422 : vector<16xf32> to vector<16xf32>
    %swap3A_1424 = vector.shape_cast %sub3A_1420 : vector<16xf32> to vector<16xf32>
    tpu.vector_store %arg17[%swap3A_1421], %swap3A_1424 {strides = array<i32>} : memref<512xf32, #tpu.memory_space<vmem>>, vector<16xf32>,
    %get3A_1425 = arith.constant 368 : index
    %get3A_1426 = tpu.vector_load %arg15[%get3A_1425] {strides = array<i32>} : memref<512xf32, #tpu.memory_space<vmem>>, vector<16xf32>,
    %get3A_1427 = vector.shape_cast %get3A_1426 : vector<16xf32> to vector<16xf32>
    %add3A_1428 = arith.constant 9.99999974E-6 : f32
    %add3A_1429 = vector.broadcast %add3A_1428 : f32 to vector<16xf32>
    %add3A_1430 = arith.addf %get3A_1427, %add3A_1429 : vector<16xf32>
    %mul3A_1431 = arith.constant 0.000000e+00 : f32
    %mul3A_1432 = vector.broadcast %mul3A_1431 : f32 to vector<16xf32>
    %mul3A_1433 = arith.mulf %add3A_1430, %mul3A_1432 : vector<16xf32>
    %add3A_1434 = arith.constant 1.000000e+00 : f32
    %add3A_1435 = vector.broadcast %add3A_1434 : f32 to vector<16xf32>
    %add3A_1436 = arith.addf %mul3A_1433, %add3A_1435 : vector<16xf32>
    %div3A_1437 = arith.divf %add3A_1430, %add3A_1436 : vector<16xf32>
    %add3A_1438 = arith.addf %add3A_1436, %div3A_1437 : vector<16xf32>
    %mul3A_1439 = arith.constant 5.000000e-01 : f32
    %mul3A_1440 = vector.broadcast %mul3A_1439 : f32 to vector<16xf32>
    %mul3A_1441 = arith.mulf %mul3A_1440, %add3A_1438 : vector<16xf32>
    %div3A_1442 = arith.divf %add3A_1430, %mul3A_1441 : vector<16xf32>
    %add3A_1443 = arith.addf %mul3A_1441, %div3A_1442 : vector<16xf32>
    %mul3A_1444 = arith.constant 5.000000e-01 : f32
    %mul3A_1445 = vector.broadcast %mul3A_1444 : f32 to vector<16xf32>
    %mul3A_1446 = arith.mulf %mul3A_1445, %add3A_1443 : vector<16xf32>
    %div3A_1447 = arith.divf %add3A_1430, %mul3A_1446 : vector<16xf32>
    %add3A_1448 = arith.addf %mul3A_1446, %div3A_1447 : vector<16xf32>
    %mul3A_1449 = arith.constant 5.000000e-01 : f32
    %mul3A_1450 = vector.broadcast %mul3A_1449 : f32 to vector<16xf32>
    %mul3A_1451 = arith.mulf %mul3A_1450, %add3A_1448 : vector<16xf32>
    %div3A_1452 = arith.divf %add3A_1430, %mul3A_1451 : vector<16xf32>
    %add3A_1453 = arith.addf %mul3A_1451, %div3A_1452 : vector<16xf32>
    %mul3A_1454 = arith.constant 5.000000e-01 : f32
    %mul3A_1455 = vector.broadcast %mul3A_1454 : f32 to vector<16xf32>
    %mul3A_1456 = arith.mulf %mul3A_1455, %add3A_1453 : vector<16xf32>
    %div3A_1457 = arith.divf %add3A_1430, %mul3A_1456 : vector<16xf32>
    %add3A_1458 = arith.addf %mul3A_1456, %div3A_1457 : vector<16xf32>
    %mul3A_1459 = arith.constant 5.000000e-01 : f32
    %mul3A_1460 = vector.broadcast %mul3A_1459 : f32 to vector<16xf32>
    %mul3A_1461 = arith.mulf %mul3A_1460, %add3A_1458 : vector<16xf32>
    %div3A_1462 = arith.divf %add3A_1430, %mul3A_1461 : vector<16xf32>
    %add3A_1463 = arith.addf %mul3A_1461, %div3A_1462 : vector<16xf32>
    %mul3A_1464 = arith.constant 5.000000e-01 : f32
    %mul3A_1465 = vector.broadcast %mul3A_1464 : f32 to vector<16xf32>
    %mul3A_1466 = arith.mulf %mul3A_1465, %add3A_1463 : vector<16xf32>
    %get3A_1467 = arith.constant 368 : index
    %get3A_1468 = tpu.vector_load %arg12[%get3A_1467] {strides = array<i32>} : memref<512xf32, #tpu.memory_space<vmem>>, vector<16xf32>,
    %get3A_1469 = vector.shape_cast %get3A_1468 : vector<16xf32> to vector<16xf32>
    %div3A_1470 = arith.divf %get3A_1469, %mul3A_1466 : vector<16xf32>
    %swap3A_1471 = arith.constant 368 : index
    %swap3A_1472 = tpu.vector_load %arg16[%swap3A_1471] {strides = array<i32>} : memref<512xf32, #tpu.memory_space<vmem>>, vector<16xf32>,
    %swap3A_1473 = vector.shape_cast %swap3A_1472 : vector<16xf32> to vector<16xf32>
    %swap3A_1474 = vector.shape_cast %div3A_1470 : vector<16xf32> to vector<16xf32>
    tpu.vector_store %arg16[%swap3A_1471], %swap3A_1474 {strides = array<i32>} : memref<512xf32, #tpu.memory_space<vmem>>, vector<16xf32>,
    %get3A_1475 = arith.constant 368 : index
    %get3A_1476 = tpu.vector_load %arg13[%get3A_1475] {strides = array<i32>} : memref<512xf32, #tpu.memory_space<vmem>>, vector<16xf32>,
    %get3A_1477 = vector.shape_cast %get3A_1476 : vector<16xf32> to vector<16xf32>
    %get3A_1478 = arith.constant 368 : index
    %get3A_1479 = tpu.vector_load %arg14[%get3A_1478] {strides = array<i32>} : memref<512xf32, #tpu.memory_space<vmem>>, vector<16xf32>,
    %get3A_1480 = vector.shape_cast %get3A_1479 : vector<16xf32> to vector<16xf32>
    %mul3A_1481 = arith.mulf %get3A_1480, %div3A_1470 : vector<16xf32>
    %sub3A_1482 = arith.subf %get3A_1477, %mul3A_1481 : vector<16xf32>
    %swap3A_1483 = arith.constant 368 : index
    %swap3A_1484 = tpu.vector_load %arg17[%swap3A_1483] {strides = array<i32>} : memref<512xf32, #tpu.memory_space<vmem>>, vector<16xf32>,
    %swap3A_1485 = vector.shape_cast %swap3A_1484 : vector<16xf32> to vector<16xf32>
    %swap3A_1486 = vector.shape_cast %sub3A_1482 : vector<16xf32> to vector<16xf32>
    tpu.vector_store %arg17[%swap3A_1483], %swap3A_1486 {strides = array<i32>} : memref<512xf32, #tpu.memory_space<vmem>>, vector<16xf32>,
    %get3A_1487 = arith.constant 384 : index
    %get3A_1488 = tpu.vector_load %arg15[%get3A_1487] {strides = array<i32>} : memref<512xf32, #tpu.memory_space<vmem>>, vector<16xf32>,
    %get3A_1489 = vector.shape_cast %get3A_1488 : vector<16xf32> to vector<16xf32>
    %add3A_1490 = arith.constant 9.99999974E-6 : f32
    %add3A_1491 = vector.broadcast %add3A_1490 : f32 to vector<16xf32>
    %add3A_1492 = arith.addf %get3A_1489, %add3A_1491 : vector<16xf32>
    %mul3A_1493 = arith.constant 0.000000e+00 : f32
    %mul3A_1494 = vector.broadcast %mul3A_1493 : f32 to vector<16xf32>
    %mul3A_1495 = arith.mulf %add3A_1492, %mul3A_1494 : vector<16xf32>
    %add3A_1496 = arith.constant 1.000000e+00 : f32
    %add3A_1497 = vector.broadcast %add3A_1496 : f32 to vector<16xf32>
    %add3A_1498 = arith.addf %mul3A_1495, %add3A_1497 : vector<16xf32>
    %div3A_1499 = arith.divf %add3A_1492, %add3A_1498 : vector<16xf32>
    %add3A_1500 = arith.addf %add3A_1498, %div3A_1499 : vector<16xf32>
    %mul3A_1501 = arith.constant 5.000000e-01 : f32
    %mul3A_1502 = vector.broadcast %mul3A_1501 : f32 to vector<16xf32>
    %mul3A_1503 = arith.mulf %mul3A_1502, %add3A_1500 : vector<16xf32>
    %div3A_1504 = arith.divf %add3A_1492, %mul3A_1503 : vector<16xf32>
    %add3A_1505 = arith.addf %mul3A_1503, %div3A_1504 : vector<16xf32>
    %mul3A_1506 = arith.constant 5.000000e-01 : f32
    %mul3A_1507 = vector.broadcast %mul3A_1506 : f32 to vector<16xf32>
    %mul3A_1508 = arith.mulf %mul3A_1507, %add3A_1505 : vector<16xf32>
    %div3A_1509 = arith.divf %add3A_1492, %mul3A_1508 : vector<16xf32>
    %add3A_1510 = arith.addf %mul3A_1508, %div3A_1509 : vector<16xf32>
    %mul3A_1511 = arith.constant 5.000000e-01 : f32
    %mul3A_1512 = vector.broadcast %mul3A_1511 : f32 to vector<16xf32>
    %mul3A_1513 = arith.mulf %mul3A_1512, %add3A_1510 : vector<16xf32>
    %div3A_1514 = arith.divf %add3A_1492, %mul3A_1513 : vector<16xf32>
    %add3A_1515 = arith.addf %mul3A_1513, %div3A_1514 : vector<16xf32>
    %mul3A_1516 = arith.constant 5.000000e-01 : f32
    %mul3A_1517 = vector.broadcast %mul3A_1516 : f32 to vector<16xf32>
    %mul3A_1518 = arith.mulf %mul3A_1517, %add3A_1515 : vector<16xf32>
    %div3A_1519 = arith.divf %add3A_1492, %mul3A_1518 : vector<16xf32>
    %add3A_1520 = arith.addf %mul3A_1518, %div3A_1519 : vector<16xf32>
    %mul3A_1521 = arith.constant 5.000000e-01 : f32
    %mul3A_1522 = vector.broadcast %mul3A_1521 : f32 to vector<16xf32>
    %mul3A_1523 = arith.mulf %mul3A_1522, %add3A_1520 : vector<16xf32>
    %div3A_1524 = arith.divf %add3A_1492, %mul3A_1523 : vector<16xf32>
    %add3A_1525 = arith.addf %mul3A_1523, %div3A_1524 : vector<16xf32>
    %mul3A_1526 = arith.constant 5.000000e-01 : f32
    %mul3A_1527 = vector.broadcast %mul3A_1526 : f32 to vector<16xf32>
    %mul3A_1528 = arith.mulf %mul3A_1527, %add3A_1525 : vector<16xf32>
    %get3A_1529 = arith.constant 384 : index
    %get3A_1530 = tpu.vector_load %arg12[%get3A_1529] {strides = array<i32>} : memref<512xf32, #tpu.memory_space<vmem>>, vector<16xf32>,
    %get3A_1531 = vector.shape_cast %get3A_1530 : vector<16xf32> to vector<16xf32>
    %div3A_1532 = arith.divf %get3A_1531, %mul3A_1528 : vector<16xf32>
    %swap3A_1533 = arith.constant 384 : index
    %swap3A_1534 = tpu.vector_load %arg16[%swap3A_1533] {strides = array<i32>} : memref<512xf32, #tpu.memory_space<vmem>>, vector<16xf32>,
    %swap3A_1535 = vector.shape_cast %swap3A_1534 : vector<16xf32> to vector<16xf32>
    %swap3A_1536 = vector.shape_cast %div3A_1532 : vector<16xf32> to vector<16xf32>
    tpu.vector_store %arg16[%swap3A_1533], %swap3A_1536 {strides = array<i32>} : memref<512xf32, #tpu.memory_space<vmem>>, vector<16xf32>,
    %get3A_1537 = arith.constant 384 : index
    %get3A_1538 = tpu.vector_load %arg13[%get3A_1537] {strides = array<i32>} : memref<512xf32, #tpu.memory_space<vmem>>, vector<16xf32>,
    %get3A_1539 = vector.shape_cast %get3A_1538 : vector<16xf32> to vector<16xf32>
    %get3A_1540 = arith.constant 384 : index
    %get3A_1541 = tpu.vector_load %arg14[%get3A_1540] {strides = array<i32>} : memref<512xf32, #tpu.memory_space<vmem>>, vector<16xf32>,
    %get3A_1542 = vector.shape_cast %get3A_1541 : vector<16xf32> to vector<16xf32>
    %mul3A_1543 = arith.mulf %get3A_1542, %div3A_1532 : vector<16xf32>
    %sub3A_1544 = arith.subf %get3A_1539, %mul3A_1543 : vector<16xf32>
    %swap3A_1545 = arith.constant 384 : index
    %swap3A_1546 = tpu.vector_load %arg17[%swap3A_1545] {strides = array<i32>} : memref<512xf32, #tpu.memory_space<vmem>>, vector<16xf32>,
    %swap3A_1547 = vector.shape_cast %swap3A_1546 : vector<16xf32> to vector<16xf32>
    %swap3A_1548 = vector.shape_cast %sub3A_1544 : vector<16xf32> to vector<16xf32>
    tpu.vector_store %arg17[%swap3A_1545], %swap3A_1548 {strides = array<i32>} : memref<512xf32, #tpu.memory_space<vmem>>, vector<16xf32>,
    %get3A_1549 = arith.constant 400 : index
    %get3A_1550 = tpu.vector_load %arg15[%get3A_1549] {strides = array<i32>} : memref<512xf32, #tpu.memory_space<vmem>>, vector<16xf32>,
    %get3A_1551 = vector.shape_cast %get3A_1550 : vector<16xf32> to vector<16xf32>
    %add3A_1552 = arith.constant 9.99999974E-6 : f32
    %add3A_1553 = vector.broadcast %add3A_1552 : f32 to vector<16xf32>
    %add3A_1554 = arith.addf %get3A_1551, %add3A_1553 : vector<16xf32>
    %mul3A_1555 = arith.constant 0.000000e+00 : f32
    %mul3A_1556 = vector.broadcast %mul3A_1555 : f32 to vector<16xf32>
    %mul3A_1557 = arith.mulf %add3A_1554, %mul3A_1556 : vector<16xf32>
    %add3A_1558 = arith.constant 1.000000e+00 : f32
    %add3A_1559 = vector.broadcast %add3A_1558 : f32 to vector<16xf32>
    %add3A_1560 = arith.addf %mul3A_1557, %add3A_1559 : vector<16xf32>
    %div3A_1561 = arith.divf %add3A_1554, %add3A_1560 : vector<16xf32>
    %add3A_1562 = arith.addf %add3A_1560, %div3A_1561 : vector<16xf32>
    %mul3A_1563 = arith.constant 5.000000e-01 : f32
    %mul3A_1564 = vector.broadcast %mul3A_1563 : f32 to vector<16xf32>
    %mul3A_1565 = arith.mulf %mul3A_1564, %add3A_1562 : vector<16xf32>
    %div3A_1566 = arith.divf %add3A_1554, %mul3A_1565 : vector<16xf32>
    %add3A_1567 = arith.addf %mul3A_1565, %div3A_1566 : vector<16xf32>
    %mul3A_1568 = arith.constant 5.000000e-01 : f32
    %mul3A_1569 = vector.broadcast %mul3A_1568 : f32 to vector<16xf32>
    %mul3A_1570 = arith.mulf %mul3A_1569, %add3A_1567 : vector<16xf32>
    %div3A_1571 = arith.divf %add3A_1554, %mul3A_1570 : vector<16xf32>
    %add3A_1572 = arith.addf %mul3A_1570, %div3A_1571 : vector<16xf32>
    %mul3A_1573 = arith.constant 5.000000e-01 : f32
    %mul3A_1574 = vector.broadcast %mul3A_1573 : f32 to vector<16xf32>
    %mul3A_1575 = arith.mulf %mul3A_1574, %add3A_1572 : vector<16xf32>
    %div3A_1576 = arith.divf %add3A_1554, %mul3A_1575 : vector<16xf32>
    %add3A_1577 = arith.addf %mul3A_1575, %div3A_1576 : vector<16xf32>
    %mul3A_1578 = arith.constant 5.000000e-01 : f32
    %mul3A_1579 = vector.broadcast %mul3A_1578 : f32 to vector<16xf32>
    %mul3A_1580 = arith.mulf %mul3A_1579, %add3A_1577 : vector<16xf32>
    %div3A_1581 = arith.divf %add3A_1554, %mul3A_1580 : vector<16xf32>
    %add3A_1582 = arith.addf %mul3A_1580, %div3A_1581 : vector<16xf32>
    %mul3A_1583 = arith.constant 5.000000e-01 : f32
    %mul3A_1584 = vector.broadcast %mul3A_1583 : f32 to vector<16xf32>
    %mul3A_1585 = arith.mulf %mul3A_1584, %add3A_1582 : vector<16xf32>
    %div3A_1586 = arith.divf %add3A_1554, %mul3A_1585 : vector<16xf32>
    %add3A_1587 = arith.addf %mul3A_1585, %div3A_1586 : vector<16xf32>
    %mul3A_1588 = arith.constant 5.000000e-01 : f32
    %mul3A_1589 = vector.broadcast %mul3A_1588 : f32 to vector<16xf32>
    %mul3A_1590 = arith.mulf %mul3A_1589, %add3A_1587 : vector<16xf32>
    %get3A_1591 = arith.constant 400 : index
    %get3A_1592 = tpu.vector_load %arg12[%get3A_1591] {strides = array<i32>} : memref<512xf32, #tpu.memory_space<vmem>>, vector<16xf32>,
    %get3A_1593 = vector.shape_cast %get3A_1592 : vector<16xf32> to vector<16xf32>
    %div3A_1594 = arith.divf %get3A_1593, %mul3A_1590 : vector<16xf32>
    %swap3A_1595 = arith.constant 400 : index
    %swap3A_1596 = tpu.vector_load %arg16[%swap3A_1595] {strides = array<i32>} : memref<512xf32, #tpu.memory_space<vmem>>, vector<16xf32>,
    %swap3A_1597 = vector.shape_cast %swap3A_1596 : vector<16xf32> to vector<16xf32>
    %swap3A_1598 = vector.shape_cast %div3A_1594 : vector<16xf32> to vector<16xf32>
    tpu.vector_store %arg16[%swap3A_1595], %swap3A_1598 {strides = array<i32>} : memref<512xf32, #tpu.memory_space<vmem>>, vector<16xf32>,
    %get3A_1599 = arith.constant 400 : index
    %get3A_1600 = tpu.vector_load %arg13[%get3A_1599] {strides = array<i32>} : memref<512xf32, #tpu.memory_space<vmem>>, vector<16xf32>,
    %get3A_1601 = vector.shape_cast %get3A_1600 : vector<16xf32> to vector<16xf32>
    %get3A_1602 = arith.constant 400 : index
    %get3A_1603 = tpu.vector_load %arg14[%get3A_1602] {strides = array<i32>} : memref<512xf32, #tpu.memory_space<vmem>>, vector<16xf32>,
    %get3A_1604 = vector.shape_cast %get3A_1603 : vector<16xf32> to vector<16xf32>
    %mul3A_1605 = arith.mulf %get3A_1604, %div3A_1594 : vector<16xf32>
    %sub3A_1606 = arith.subf %get3A_1601, %mul3A_1605 : vector<16xf32>
    %swap3A_1607 = arith.constant 400 : index
    %swap3A_1608 = tpu.vector_load %arg17[%swap3A_1607] {strides = array<i32>} : memref<512xf32, #tpu.memory_space<vmem>>, vector<16xf32>,
    %swap3A_1609 = vector.shape_cast %swap3A_1608 : vector<16xf32> to vector<16xf32>
    %swap3A_1610 = vector.shape_cast %sub3A_1606 : vector<16xf32> to vector<16xf32>
    tpu.vector_store %arg17[%swap3A_1607], %swap3A_1610 {strides = array<i32>} : memref<512xf32, #tpu.memory_space<vmem>>, vector<16xf32>,
    %get3A_1611 = arith.constant 416 : index
    %get3A_1612 = tpu.vector_load %arg15[%get3A_1611] {strides = array<i32>} : memref<512xf32, #tpu.memory_space<vmem>>, vector<16xf32>,
    %get3A_1613 = vector.shape_cast %get3A_1612 : vector<16xf32> to vector<16xf32>
    %add3A_1614 = arith.constant 9.99999974E-6 : f32
    %add3A_1615 = vector.broadcast %add3A_1614 : f32 to vector<16xf32>
    %add3A_1616 = arith.addf %get3A_1613, %add3A_1615 : vector<16xf32>
    %mul3A_1617 = arith.constant 0.000000e+00 : f32
    %mul3A_1618 = vector.broadcast %mul3A_1617 : f32 to vector<16xf32>
    %mul3A_1619 = arith.mulf %add3A_1616, %mul3A_1618 : vector<16xf32>
    %add3A_1620 = arith.constant 1.000000e+00 : f32
    %add3A_1621 = vector.broadcast %add3A_1620 : f32 to vector<16xf32>
    %add3A_1622 = arith.addf %mul3A_1619, %add3A_1621 : vector<16xf32>
    %div3A_1623 = arith.divf %add3A_1616, %add3A_1622 : vector<16xf32>
    %add3A_1624 = arith.addf %add3A_1622, %div3A_1623 : vector<16xf32>
    %mul3A_1625 = arith.constant 5.000000e-01 : f32
    %mul3A_1626 = vector.broadcast %mul3A_1625 : f32 to vector<16xf32>
    %mul3A_1627 = arith.mulf %mul3A_1626, %add3A_1624 : vector<16xf32>
    %div3A_1628 = arith.divf %add3A_1616, %mul3A_1627 : vector<16xf32>
    %add3A_1629 = arith.addf %mul3A_1627, %div3A_1628 : vector<16xf32>
    %mul3A_1630 = arith.constant 5.000000e-01 : f32
    %mul3A_1631 = vector.broadcast %mul3A_1630 : f32 to vector<16xf32>
    %mul3A_1632 = arith.mulf %mul3A_1631, %add3A_1629 : vector<16xf32>
    %div3A_1633 = arith.divf %add3A_1616, %mul3A_1632 : vector<16xf32>
    %add3A_1634 = arith.addf %mul3A_1632, %div3A_1633 : vector<16xf32>
    %mul3A_1635 = arith.constant 5.000000e-01 : f32
    %mul3A_1636 = vector.broadcast %mul3A_1635 : f32 to vector<16xf32>
    %mul3A_1637 = arith.mulf %mul3A_1636, %add3A_1634 : vector<16xf32>
    %div3A_1638 = arith.divf %add3A_1616, %mul3A_1637 : vector<16xf32>
    %add3A_1639 = arith.addf %mul3A_1637, %div3A_1638 : vector<16xf32>
    %mul3A_1640 = arith.constant 5.000000e-01 : f32
    %mul3A_1641 = vector.broadcast %mul3A_1640 : f32 to vector<16xf32>
    %mul3A_1642 = arith.mulf %mul3A_1641, %add3A_1639 : vector<16xf32>
    %div3A_1643 = arith.divf %add3A_1616, %mul3A_1642 : vector<16xf32>
    %add3A_1644 = arith.addf %mul3A_1642, %div3A_1643 : vector<16xf32>
    %mul3A_1645 = arith.constant 5.000000e-01 : f32
    %mul3A_1646 = vector.broadcast %mul3A_1645 : f32 to vector<16xf32>
    %mul3A_1647 = arith.mulf %mul3A_1646, %add3A_1644 : vector<16xf32>
    %div3A_1648 = arith.divf %add3A_1616, %mul3A_1647 : vector<16xf32>
    %add3A_1649 = arith.addf %mul3A_1647, %div3A_1648 : vector<16xf32>
    %mul3A_1650 = arith.constant 5.000000e-01 : f32
    %mul3A_1651 = vector.broadcast %mul3A_1650 : f32 to vector<16xf32>
    %mul3A_1652 = arith.mulf %mul3A_1651, %add3A_1649 : vector<16xf32>
    %get3A_1653 = arith.constant 416 : index
    %get3A_1654 = tpu.vector_load %arg12[%get3A_1653] {strides = array<i32>} : memref<512xf32, #tpu.memory_space<vmem>>, vector<16xf32>,
    %get3A_1655 = vector.shape_cast %get3A_1654 : vector<16xf32> to vector<16xf32>
    %div3A_1656 = arith.divf %get3A_1655, %mul3A_1652 : vector<16xf32>
    %swap3A_1657 = arith.constant 416 : index
    %swap3A_1658 = tpu.vector_load %arg16[%swap3A_1657] {strides = array<i32>} : memref<512xf32, #tpu.memory_space<vmem>>, vector<16xf32>,
    %swap3A_1659 = vector.shape_cast %swap3A_1658 : vector<16xf32> to vector<16xf32>
    %swap3A_1660 = vector.shape_cast %div3A_1656 : vector<16xf32> to vector<16xf32>
    tpu.vector_store %arg16[%swap3A_1657], %swap3A_1660 {strides = array<i32>} : memref<512xf32, #tpu.memory_space<vmem>>, vector<16xf32>,
    %get3A_1661 = arith.constant 416 : index
    %get3A_1662 = tpu.vector_load %arg13[%get3A_1661] {strides = array<i32>} : memref<512xf32, #tpu.memory_space<vmem>>, vector<16xf32>,
    %get3A_1663 = vector.shape_cast %get3A_1662 : vector<16xf32> to vector<16xf32>
    %get3A_1664 = arith.constant 416 : index
    %get3A_1665 = tpu.vector_load %arg14[%get3A_1664] {strides = array<i32>} : memref<512xf32, #tpu.memory_space<vmem>>, vector<16xf32>,
    %get3A_1666 = vector.shape_cast %get3A_1665 : vector<16xf32> to vector<16xf32>
    %mul3A_1667 = arith.mulf %get3A_1666, %div3A_1656 : vector<16xf32>
    %sub3A_1668 = arith.subf %get3A_1663, %mul3A_1667 : vector<16xf32>
    %swap3A_1669 = arith.constant 416 : index
    %swap3A_1670 = tpu.vector_load %arg17[%swap3A_1669] {strides = array<i32>} : memref<512xf32, #tpu.memory_space<vmem>>, vector<16xf32>,
    %swap3A_1671 = vector.shape_cast %swap3A_1670 : vector<16xf32> to vector<16xf32>
    %swap3A_1672 = vector.shape_cast %sub3A_1668 : vector<16xf32> to vector<16xf32>
    tpu.vector_store %arg17[%swap3A_1669], %swap3A_1672 {strides = array<i32>} : memref<512xf32, #tpu.memory_space<vmem>>, vector<16xf32>,
    %get3A_1673 = arith.constant 432 : index
    %get3A_1674 = tpu.vector_load %arg15[%get3A_1673] {strides = array<i32>} : memref<512xf32, #tpu.memory_space<vmem>>, vector<16xf32>,
    %get3A_1675 = vector.shape_cast %get3A_1674 : vector<16xf32> to vector<16xf32>
    %add3A_1676 = arith.constant 9.99999974E-6 : f32
    %add3A_1677 = vector.broadcast %add3A_1676 : f32 to vector<16xf32>
    %add3A_1678 = arith.addf %get3A_1675, %add3A_1677 : vector<16xf32>
    %mul3A_1679 = arith.constant 0.000000e+00 : f32
    %mul3A_1680 = vector.broadcast %mul3A_1679 : f32 to vector<16xf32>
    %mul3A_1681 = arith.mulf %add3A_1678, %mul3A_1680 : vector<16xf32>
    %add3A_1682 = arith.constant 1.000000e+00 : f32
    %add3A_1683 = vector.broadcast %add3A_1682 : f32 to vector<16xf32>
    %add3A_1684 = arith.addf %mul3A_1681, %add3A_1683 : vector<16xf32>
    %div3A_1685 = arith.divf %add3A_1678, %add3A_1684 : vector<16xf32>
    %add3A_1686 = arith.addf %add3A_1684, %div3A_1685 : vector<16xf32>
    %mul3A_1687 = arith.constant 5.000000e-01 : f32
    %mul3A_1688 = vector.broadcast %mul3A_1687 : f32 to vector<16xf32>
    %mul3A_1689 = arith.mulf %mul3A_1688, %add3A_1686 : vector<16xf32>
    %div3A_1690 = arith.divf %add3A_1678, %mul3A_1689 : vector<16xf32>
    %add3A_1691 = arith.addf %mul3A_1689, %div3A_1690 : vector<16xf32>
    %mul3A_1692 = arith.constant 5.000000e-01 : f32
    %mul3A_1693 = vector.broadcast %mul3A_1692 : f32 to vector<16xf32>
    %mul3A_1694 = arith.mulf %mul3A_1693, %add3A_1691 : vector<16xf32>
    %div3A_1695 = arith.divf %add3A_1678, %mul3A_1694 : vector<16xf32>
    %add3A_1696 = arith.addf %mul3A_1694, %div3A_1695 : vector<16xf32>
    %mul3A_1697 = arith.constant 5.000000e-01 : f32
    %mul3A_1698 = vector.broadcast %mul3A_1697 : f32 to vector<16xf32>
    %mul3A_1699 = arith.mulf %mul3A_1698, %add3A_1696 : vector<16xf32>
    %div3A_1700 = arith.divf %add3A_1678, %mul3A_1699 : vector<16xf32>
    %add3A_1701 = arith.addf %mul3A_1699, %div3A_1700 : vector<16xf32>
    %mul3A_1702 = arith.constant 5.000000e-01 : f32
    %mul3A_1703 = vector.broadcast %mul3A_1702 : f32 to vector<16xf32>
    %mul3A_1704 = arith.mulf %mul3A_1703, %add3A_1701 : vector<16xf32>
    %div3A_1705 = arith.divf %add3A_1678, %mul3A_1704 : vector<16xf32>
    %add3A_1706 = arith.addf %mul3A_1704, %div3A_1705 : vector<16xf32>
    %mul3A_1707 = arith.constant 5.000000e-01 : f32
    %mul3A_1708 = vector.broadcast %mul3A_1707 : f32 to vector<16xf32>
    %mul3A_1709 = arith.mulf %mul3A_1708, %add3A_1706 : vector<16xf32>
    %div3A_1710 = arith.divf %add3A_1678, %mul3A_1709 : vector<16xf32>
    %add3A_1711 = arith.addf %mul3A_1709, %div3A_1710 : vector<16xf32>
    %mul3A_1712 = arith.constant 5.000000e-01 : f32
    %mul3A_1713 = vector.broadcast %mul3A_1712 : f32 to vector<16xf32>
    %mul3A_1714 = arith.mulf %mul3A_1713, %add3A_1711 : vector<16xf32>
    %get3A_1715 = arith.constant 432 : index
    %get3A_1716 = tpu.vector_load %arg12[%get3A_1715] {strides = array<i32>} : memref<512xf32, #tpu.memory_space<vmem>>, vector<16xf32>,
    %get3A_1717 = vector.shape_cast %get3A_1716 : vector<16xf32> to vector<16xf32>
    %div3A_1718 = arith.divf %get3A_1717, %mul3A_1714 : vector<16xf32>
    %swap3A_1719 = arith.constant 432 : index
    %swap3A_1720 = tpu.vector_load %arg16[%swap3A_1719] {strides = array<i32>} : memref<512xf32, #tpu.memory_space<vmem>>, vector<16xf32>,
    %swap3A_1721 = vector.shape_cast %swap3A_1720 : vector<16xf32> to vector<16xf32>
    %swap3A_1722 = vector.shape_cast %div3A_1718 : vector<16xf32> to vector<16xf32>
    tpu.vector_store %arg16[%swap3A_1719], %swap3A_1722 {strides = array<i32>} : memref<512xf32, #tpu.memory_space<vmem>>, vector<16xf32>,
    %get3A_1723 = arith.constant 432 : index
    %get3A_1724 = tpu.vector_load %arg13[%get3A_1723] {strides = array<i32>} : memref<512xf32, #tpu.memory_space<vmem>>, vector<16xf32>,
    %get3A_1725 = vector.shape_cast %get3A_1724 : vector<16xf32> to vector<16xf32>
    %get3A_1726 = arith.constant 432 : index
    %get3A_1727 = tpu.vector_load %arg14[%get3A_1726] {strides = array<i32>} : memref<512xf32, #tpu.memory_space<vmem>>, vector<16xf32>,
    %get3A_1728 = vector.shape_cast %get3A_1727 : vector<16xf32> to vector<16xf32>
    %mul3A_1729 = arith.mulf %get3A_1728, %div3A_1718 : vector<16xf32>
    %sub3A_1730 = arith.subf %get3A_1725, %mul3A_1729 : vector<16xf32>
    %swap3A_1731 = arith.constant 432 : index
    %swap3A_1732 = tpu.vector_load %arg17[%swap3A_1731] {strides = array<i32>} : memref<512xf32, #tpu.memory_space<vmem>>, vector<16xf32>,
    %swap3A_1733 = vector.shape_cast %swap3A_1732 : vector<16xf32> to vector<16xf32>
    %swap3A_1734 = vector.shape_cast %sub3A_1730 : vector<16xf32> to vector<16xf32>
    tpu.vector_store %arg17[%swap3A_1731], %swap3A_1734 {strides = array<i32>} : memref<512xf32, #tpu.memory_space<vmem>>, vector<16xf32>,
    %get3A_1735 = arith.constant 448 : index
    %get3A_1736 = tpu.vector_load %arg15[%get3A_1735] {strides = array<i32>} : memref<512xf32, #tpu.memory_space<vmem>>, vector<16xf32>,
    %get3A_1737 = vector.shape_cast %get3A_1736 : vector<16xf32> to vector<16xf32>
    %add3A_1738 = arith.constant 9.99999974E-6 : f32
    %add3A_1739 = vector.broadcast %add3A_1738 : f32 to vector<16xf32>
    %add3A_1740 = arith.addf %get3A_1737, %add3A_1739 : vector<16xf32>
    %mul3A_1741 = arith.constant 0.000000e+00 : f32
    %mul3A_1742 = vector.broadcast %mul3A_1741 : f32 to vector<16xf32>
    %mul3A_1743 = arith.mulf %add3A_1740, %mul3A_1742 : vector<16xf32>
    %add3A_1744 = arith.constant 1.000000e+00 : f32
    %add3A_1745 = vector.broadcast %add3A_1744 : f32 to vector<16xf32>
    %add3A_1746 = arith.addf %mul3A_1743, %add3A_1745 : vector<16xf32>
    %div3A_1747 = arith.divf %add3A_1740, %add3A_1746 : vector<16xf32>
    %add3A_1748 = arith.addf %add3A_1746, %div3A_1747 : vector<16xf32>
    %mul3A_1749 = arith.constant 5.000000e-01 : f32
    %mul3A_1750 = vector.broadcast %mul3A_1749 : f32 to vector<16xf32>
    %mul3A_1751 = arith.mulf %mul3A_1750, %add3A_1748 : vector<16xf32>
    %div3A_1752 = arith.divf %add3A_1740, %mul3A_1751 : vector<16xf32>
    %add3A_1753 = arith.addf %mul3A_1751, %div3A_1752 : vector<16xf32>
    %mul3A_1754 = arith.constant 5.000000e-01 : f32
    %mul3A_1755 = vector.broadcast %mul3A_1754 : f32 to vector<16xf32>
    %mul3A_1756 = arith.mulf %mul3A_1755, %add3A_1753 : vector<16xf32>
    %div3A_1757 = arith.divf %add3A_1740, %mul3A_1756 : vector<16xf32>
    %add3A_1758 = arith.addf %mul3A_1756, %div3A_1757 : vector<16xf32>
    %mul3A_1759 = arith.constant 5.000000e-01 : f32
    %mul3A_1760 = vector.broadcast %mul3A_1759 : f32 to vector<16xf32>
    %mul3A_1761 = arith.mulf %mul3A_1760, %add3A_1758 : vector<16xf32>
    %div3A_1762 = arith.divf %add3A_1740, %mul3A_1761 : vector<16xf32>
    %add3A_1763 = arith.addf %mul3A_1761, %div3A_1762 : vector<16xf32>
    %mul3A_1764 = arith.constant 5.000000e-01 : f32
    %mul3A_1765 = vector.broadcast %mul3A_1764 : f32 to vector<16xf32>
    %mul3A_1766 = arith.mulf %mul3A_1765, %add3A_1763 : vector<16xf32>
    %div3A_1767 = arith.divf %add3A_1740, %mul3A_1766 : vector<16xf32>
    %add3A_1768 = arith.addf %mul3A_1766, %div3A_1767 : vector<16xf32>
    %mul3A_1769 = arith.constant 5.000000e-01 : f32
    %mul3A_1770 = vector.broadcast %mul3A_1769 : f32 to vector<16xf32>
    %mul3A_1771 = arith.mulf %mul3A_1770, %add3A_1768 : vector<16xf32>
    %div3A_1772 = arith.divf %add3A_1740, %mul3A_1771 : vector<16xf32>
    %add3A_1773 = arith.addf %mul3A_1771, %div3A_1772 : vector<16xf32>
    %mul3A_1774 = arith.constant 5.000000e-01 : f32
    %mul3A_1775 = vector.broadcast %mul3A_1774 : f32 to vector<16xf32>
    %mul3A_1776 = arith.mulf %mul3A_1775, %add3A_1773 : vector<16xf32>
    %get3A_1777 = arith.constant 448 : index
    %get3A_1778 = tpu.vector_load %arg12[%get3A_1777] {strides = array<i32>} : memref<512xf32, #tpu.memory_space<vmem>>, vector<16xf32>,
    %get3A_1779 = vector.shape_cast %get3A_1778 : vector<16xf32> to vector<16xf32>
    %div3A_1780 = arith.divf %get3A_1779, %mul3A_1776 : vector<16xf32>
    %swap3A_1781 = arith.constant 448 : index
    %swap3A_1782 = tpu.vector_load %arg16[%swap3A_1781] {strides = array<i32>} : memref<512xf32, #tpu.memory_space<vmem>>, vector<16xf32>,
    %swap3A_1783 = vector.shape_cast %swap3A_1782 : vector<16xf32> to vector<16xf32>
    %swap3A_1784 = vector.shape_cast %div3A_1780 : vector<16xf32> to vector<16xf32>
    tpu.vector_store %arg16[%swap3A_1781], %swap3A_1784 {strides = array<i32>} : memref<512xf32, #tpu.memory_space<vmem>>, vector<16xf32>,
    %get3A_1785 = arith.constant 448 : index
    %get3A_1786 = tpu.vector_load %arg13[%get3A_1785] {strides = array<i32>} : memref<512xf32, #tpu.memory_space<vmem>>, vector<16xf32>,
    %get3A_1787 = vector.shape_cast %get3A_1786 : vector<16xf32> to vector<16xf32>
    %get3A_1788 = arith.constant 448 : index
    %get3A_1789 = tpu.vector_load %arg14[%get3A_1788] {strides = array<i32>} : memref<512xf32, #tpu.memory_space<vmem>>, vector<16xf32>,
    %get3A_1790 = vector.shape_cast %get3A_1789 : vector<16xf32> to vector<16xf32>
    %mul3A_1791 = arith.mulf %get3A_1790, %div3A_1780 : vector<16xf32>
    %sub3A_1792 = arith.subf %get3A_1787, %mul3A_1791 : vector<16xf32>
    %swap3A_1793 = arith.constant 448 : index
    %swap3A_1794 = tpu.vector_load %arg17[%swap3A_1793] {strides = array<i32>} : memref<512xf32, #tpu.memory_space<vmem>>, vector<16xf32>,
    %swap3A_1795 = vector.shape_cast %swap3A_1794 : vector<16xf32> to vector<16xf32>
    %swap3A_1796 = vector.shape_cast %sub3A_1792 : vector<16xf32> to vector<16xf32>
    tpu.vector_store %arg17[%swap3A_1793], %swap3A_1796 {strides = array<i32>} : memref<512xf32, #tpu.memory_space<vmem>>, vector<16xf32>,
    %get3A_1797 = arith.constant 464 : index
    %get3A_1798 = tpu.vector_load %arg15[%get3A_1797] {strides = array<i32>} : memref<512xf32, #tpu.memory_space<vmem>>, vector<16xf32>,
    %get3A_1799 = vector.shape_cast %get3A_1798 : vector<16xf32> to vector<16xf32>
    %add3A_1800 = arith.constant 9.99999974E-6 : f32
    %add3A_1801 = vector.broadcast %add3A_1800 : f32 to vector<16xf32>
    %add3A_1802 = arith.addf %get3A_1799, %add3A_1801 : vector<16xf32>
    %mul3A_1803 = arith.constant 0.000000e+00 : f32
    %mul3A_1804 = vector.broadcast %mul3A_1803 : f32 to vector<16xf32>
    %mul3A_1805 = arith.mulf %add3A_1802, %mul3A_1804 : vector<16xf32>
    %add3A_1806 = arith.constant 1.000000e+00 : f32
    %add3A_1807 = vector.broadcast %add3A_1806 : f32 to vector<16xf32>
    %add3A_1808 = arith.addf %mul3A_1805, %add3A_1807 : vector<16xf32>
    %div3A_1809 = arith.divf %add3A_1802, %add3A_1808 : vector<16xf32>
    %add3A_1810 = arith.addf %add3A_1808, %div3A_1809 : vector<16xf32>
    %mul3A_1811 = arith.constant 5.000000e-01 : f32
    %mul3A_1812 = vector.broadcast %mul3A_1811 : f32 to vector<16xf32>
    %mul3A_1813 = arith.mulf %mul3A_1812, %add3A_1810 : vector<16xf32>
    %div3A_1814 = arith.divf %add3A_1802, %mul3A_1813 : vector<16xf32>
    %add3A_1815 = arith.addf %mul3A_1813, %div3A_1814 : vector<16xf32>
    %mul3A_1816 = arith.constant 5.000000e-01 : f32
    %mul3A_1817 = vector.broadcast %mul3A_1816 : f32 to vector<16xf32>
    %mul3A_1818 = arith.mulf %mul3A_1817, %add3A_1815 : vector<16xf32>
    %div3A_1819 = arith.divf %add3A_1802, %mul3A_1818 : vector<16xf32>
    %add3A_1820 = arith.addf %mul3A_1818, %div3A_1819 : vector<16xf32>
    %mul3A_1821 = arith.constant 5.000000e-01 : f32
    %mul3A_1822 = vector.broadcast %mul3A_1821 : f32 to vector<16xf32>
    %mul3A_1823 = arith.mulf %mul3A_1822, %add3A_1820 : vector<16xf32>
    %div3A_1824 = arith.divf %add3A_1802, %mul3A_1823 : vector<16xf32>
    %add3A_1825 = arith.addf %mul3A_1823, %div3A_1824 : vector<16xf32>
    %mul3A_1826 = arith.constant 5.000000e-01 : f32
    %mul3A_1827 = vector.broadcast %mul3A_1826 : f32 to vector<16xf32>
    %mul3A_1828 = arith.mulf %mul3A_1827, %add3A_1825 : vector<16xf32>
    %div3A_1829 = arith.divf %add3A_1802, %mul3A_1828 : vector<16xf32>
    %add3A_1830 = arith.addf %mul3A_1828, %div3A_1829 : vector<16xf32>
    %mul3A_1831 = arith.constant 5.000000e-01 : f32
    %mul3A_1832 = vector.broadcast %mul3A_1831 : f32 to vector<16xf32>
    %mul3A_1833 = arith.mulf %mul3A_1832, %add3A_1830 : vector<16xf32>
    %div3A_1834 = arith.divf %add3A_1802, %mul3A_1833 : vector<16xf32>
    %add3A_1835 = arith.addf %mul3A_1833, %div3A_1834 : vector<16xf32>
    %mul3A_1836 = arith.constant 5.000000e-01 : f32
    %mul3A_1837 = vector.broadcast %mul3A_1836 : f32 to vector<16xf32>
    %mul3A_1838 = arith.mulf %mul3A_1837, %add3A_1835 : vector<16xf32>
    %get3A_1839 = arith.constant 464 : index
    %get3A_1840 = tpu.vector_load %arg12[%get3A_1839] {strides = array<i32>} : memref<512xf32, #tpu.memory_space<vmem>>, vector<16xf32>,
    %get3A_1841 = vector.shape_cast %get3A_1840 : vector<16xf32> to vector<16xf32>
    %div3A_1842 = arith.divf %get3A_1841, %mul3A_1838 : vector<16xf32>
    %swap3A_1843 = arith.constant 464 : index
    %swap3A_1844 = tpu.vector_load %arg16[%swap3A_1843] {strides = array<i32>} : memref<512xf32, #tpu.memory_space<vmem>>, vector<16xf32>,
    %swap3A_1845 = vector.shape_cast %swap3A_1844 : vector<16xf32> to vector<16xf32>
    %swap3A_1846 = vector.shape_cast %div3A_1842 : vector<16xf32> to vector<16xf32>
    tpu.vector_store %arg16[%swap3A_1843], %swap3A_1846 {strides = array<i32>} : memref<512xf32, #tpu.memory_space<vmem>>, vector<16xf32>,
    %get3A_1847 = arith.constant 464 : index
    %get3A_1848 = tpu.vector_load %arg13[%get3A_1847] {strides = array<i32>} : memref<512xf32, #tpu.memory_space<vmem>>, vector<16xf32>,
    %get3A_1849 = vector.shape_cast %get3A_1848 : vector<16xf32> to vector<16xf32>
    %get3A_1850 = arith.constant 464 : index
    %get3A_1851 = tpu.vector_load %arg14[%get3A_1850] {strides = array<i32>} : memref<512xf32, #tpu.memory_space<vmem>>, vector<16xf32>,
    %get3A_1852 = vector.shape_cast %get3A_1851 : vector<16xf32> to vector<16xf32>
    %mul3A_1853 = arith.mulf %get3A_1852, %div3A_1842 : vector<16xf32>
    %sub3A_1854 = arith.subf %get3A_1849, %mul3A_1853 : vector<16xf32>
    %swap3A_1855 = arith.constant 464 : index
    %swap3A_1856 = tpu.vector_load %arg17[%swap3A_1855] {strides = array<i32>} : memref<512xf32, #tpu.memory_space<vmem>>, vector<16xf32>,
    %swap3A_1857 = vector.shape_cast %swap3A_1856 : vector<16xf32> to vector<16xf32>
    %swap3A_1858 = vector.shape_cast %sub3A_1854 : vector<16xf32> to vector<16xf32>
    tpu.vector_store %arg17[%swap3A_1855], %swap3A_1858 {strides = array<i32>} : memref<512xf32, #tpu.memory_space<vmem>>, vector<16xf32>,
    %get3A_1859 = arith.constant 480 : index
    %get3A_1860 = tpu.vector_load %arg15[%get3A_1859] {strides = array<i32>} : memref<512xf32, #tpu.memory_space<vmem>>, vector<16xf32>,
    %get3A_1861 = vector.shape_cast %get3A_1860 : vector<16xf32> to vector<16xf32>
    %add3A_1862 = arith.constant 9.99999974E-6 : f32
    %add3A_1863 = vector.broadcast %add3A_1862 : f32 to vector<16xf32>
    %add3A_1864 = arith.addf %get3A_1861, %add3A_1863 : vector<16xf32>
    %mul3A_1865 = arith.constant 0.000000e+00 : f32
    %mul3A_1866 = vector.broadcast %mul3A_1865 : f32 to vector<16xf32>
    %mul3A_1867 = arith.mulf %add3A_1864, %mul3A_1866 : vector<16xf32>
    %add3A_1868 = arith.constant 1.000000e+00 : f32
    %add3A_1869 = vector.broadcast %add3A_1868 : f32 to vector<16xf32>
    %add3A_1870 = arith.addf %mul3A_1867, %add3A_1869 : vector<16xf32>
    %div3A_1871 = arith.divf %add3A_1864, %add3A_1870 : vector<16xf32>
    %add3A_1872 = arith.addf %add3A_1870, %div3A_1871 : vector<16xf32>
    %mul3A_1873 = arith.constant 5.000000e-01 : f32
    %mul3A_1874 = vector.broadcast %mul3A_1873 : f32 to vector<16xf32>
    %mul3A_1875 = arith.mulf %mul3A_1874, %add3A_1872 : vector<16xf32>
    %div3A_1876 = arith.divf %add3A_1864, %mul3A_1875 : vector<16xf32>
    %add3A_1877 = arith.addf %mul3A_1875, %div3A_1876 : vector<16xf32>
    %mul3A_1878 = arith.constant 5.000000e-01 : f32
    %mul3A_1879 = vector.broadcast %mul3A_1878 : f32 to vector<16xf32>
    %mul3A_1880 = arith.mulf %mul3A_1879, %add3A_1877 : vector<16xf32>
    %div3A_1881 = arith.divf %add3A_1864, %mul3A_1880 : vector<16xf32>
    %add3A_1882 = arith.addf %mul3A_1880, %div3A_1881 : vector<16xf32>
    %mul3A_1883 = arith.constant 5.000000e-01 : f32
    %mul3A_1884 = vector.broadcast %mul3A_1883 : f32 to vector<16xf32>
    %mul3A_1885 = arith.mulf %mul3A_1884, %add3A_1882 : vector<16xf32>
    %div3A_1886 = arith.divf %add3A_1864, %mul3A_1885 : vector<16xf32>
    %add3A_1887 = arith.addf %mul3A_1885, %div3A_1886 : vector<16xf32>
    %mul3A_1888 = arith.constant 5.000000e-01 : f32
    %mul3A_1889 = vector.broadcast %mul3A_1888 : f32 to vector<16xf32>
    %mul3A_1890 = arith.mulf %mul3A_1889, %add3A_1887 : vector<16xf32>
    %div3A_1891 = arith.divf %add3A_1864, %mul3A_1890 : vector<16xf32>
    %add3A_1892 = arith.addf %mul3A_1890, %div3A_1891 : vector<16xf32>
    %mul3A_1893 = arith.constant 5.000000e-01 : f32
    %mul3A_1894 = vector.broadcast %mul3A_1893 : f32 to vector<16xf32>
    %mul3A_1895 = arith.mulf %mul3A_1894, %add3A_1892 : vector<16xf32>
    %div3A_1896 = arith.divf %add3A_1864, %mul3A_1895 : vector<16xf32>
    %add3A_1897 = arith.addf %mul3A_1895, %div3A_1896 : vector<16xf32>
    %mul3A_1898 = arith.constant 5.000000e-01 : f32
    %mul3A_1899 = vector.broadcast %mul3A_1898 : f32 to vector<16xf32>
    %mul3A_1900 = arith.mulf %mul3A_1899, %add3A_1897 : vector<16xf32>
    %get3A_1901 = arith.constant 480 : index
    %get3A_1902 = tpu.vector_load %arg12[%get3A_1901] {strides = array<i32>} : memref<512xf32, #tpu.memory_space<vmem>>, vector<16xf32>,
    %get3A_1903 = vector.shape_cast %get3A_1902 : vector<16xf32> to vector<16xf32>
    %div3A_1904 = arith.divf %get3A_1903, %mul3A_1900 : vector<16xf32>
    %swap3A_1905 = arith.constant 480 : index
    %swap3A_1906 = tpu.vector_load %arg16[%swap3A_1905] {strides = array<i32>} : memref<512xf32, #tpu.memory_space<vmem>>, vector<16xf32>,
    %swap3A_1907 = vector.shape_cast %swap3A_1906 : vector<16xf32> to vector<16xf32>
    %swap3A_1908 = vector.shape_cast %div3A_1904 : vector<16xf32> to vector<16xf32>
    tpu.vector_store %arg16[%swap3A_1905], %swap3A_1908 {strides = array<i32>} : memref<512xf32, #tpu.memory_space<vmem>>, vector<16xf32>,
    %get3A_1909 = arith.constant 480 : index
    %get3A_1910 = tpu.vector_load %arg13[%get3A_1909] {strides = array<i32>} : memref<512xf32, #tpu.memory_space<vmem>>, vector<16xf32>,
    %get3A_1911 = vector.shape_cast %get3A_1910 : vector<16xf32> to vector<16xf32>
    %get3A_1912 = arith.constant 480 : index
    %get3A_1913 = tpu.vector_load %arg14[%get3A_1912] {strides = array<i32>} : memref<512xf32, #tpu.memory_space<vmem>>, vector<16xf32>,
    %get3A_1914 = vector.shape_cast %get3A_1913 : vector<16xf32> to vector<16xf32>
    %mul3A_1915 = arith.mulf %get3A_1914, %div3A_1904 : vector<16xf32>
    %sub3A_1916 = arith.subf %get3A_1911, %mul3A_1915 : vector<16xf32>
    %swap3A_1917 = arith.constant 480 : index
    %swap3A_1918 = tpu.vector_load %arg17[%swap3A_1917] {strides = array<i32>} : memref<512xf32, #tpu.memory_space<vmem>>, vector<16xf32>,
    %swap3A_1919 = vector.shape_cast %swap3A_1918 : vector<16xf32> to vector<16xf32>
    %swap3A_1920 = vector.shape_cast %sub3A_1916 : vector<16xf32> to vector<16xf32>
    tpu.vector_store %arg17[%swap3A_1917], %swap3A_1920 {strides = array<i32>} : memref<512xf32, #tpu.memory_space<vmem>>, vector<16xf32>,
    %get3A_1921 = arith.constant 496 : index
    %get3A_1922 = tpu.vector_load %arg15[%get3A_1921] {strides = array<i32>} : memref<512xf32, #tpu.memory_space<vmem>>, vector<16xf32>,
    %get3A_1923 = vector.shape_cast %get3A_1922 : vector<16xf32> to vector<16xf32>
    %add3A_1924 = arith.constant 9.99999974E-6 : f32
    %add3A_1925 = vector.broadcast %add3A_1924 : f32 to vector<16xf32>
    %add3A_1926 = arith.addf %get3A_1923, %add3A_1925 : vector<16xf32>
    %mul3A_1927 = arith.constant 0.000000e+00 : f32
    %mul3A_1928 = vector.broadcast %mul3A_1927 : f32 to vector<16xf32>
    %mul3A_1929 = arith.mulf %add3A_1926, %mul3A_1928 : vector<16xf32>
    %add3A_1930 = arith.constant 1.000000e+00 : f32
    %add3A_1931 = vector.broadcast %add3A_1930 : f32 to vector<16xf32>
    %add3A_1932 = arith.addf %mul3A_1929, %add3A_1931 : vector<16xf32>
    %div3A_1933 = arith.divf %add3A_1926, %add3A_1932 : vector<16xf32>
    %add3A_1934 = arith.addf %add3A_1932, %div3A_1933 : vector<16xf32>
    %mul3A_1935 = arith.constant 5.000000e-01 : f32
    %mul3A_1936 = vector.broadcast %mul3A_1935 : f32 to vector<16xf32>
    %mul3A_1937 = arith.mulf %mul3A_1936, %add3A_1934 : vector<16xf32>
    %div3A_1938 = arith.divf %add3A_1926, %mul3A_1937 : vector<16xf32>
    %add3A_1939 = arith.addf %mul3A_1937, %div3A_1938 : vector<16xf32>
    %mul3A_1940 = arith.constant 5.000000e-01 : f32
    %mul3A_1941 = vector.broadcast %mul3A_1940 : f32 to vector<16xf32>
    %mul3A_1942 = arith.mulf %mul3A_1941, %add3A_1939 : vector<16xf32>
    %div3A_1943 = arith.divf %add3A_1926, %mul3A_1942 : vector<16xf32>
    %add3A_1944 = arith.addf %mul3A_1942, %div3A_1943 : vector<16xf32>
    %mul3A_1945 = arith.constant 5.000000e-01 : f32
    %mul3A_1946 = vector.broadcast %mul3A_1945 : f32 to vector<16xf32>
    %mul3A_1947 = arith.mulf %mul3A_1946, %add3A_1944 : vector<16xf32>
    %div3A_1948 = arith.divf %add3A_1926, %mul3A_1947 : vector<16xf32>
    %add3A_1949 = arith.addf %mul3A_1947, %div3A_1948 : vector<16xf32>
    %mul3A_1950 = arith.constant 5.000000e-01 : f32
    %mul3A_1951 = vector.broadcast %mul3A_1950 : f32 to vector<16xf32>
    %mul3A_1952 = arith.mulf %mul3A_1951, %add3A_1949 : vector<16xf32>
    %div3A_1953 = arith.divf %add3A_1926, %mul3A_1952 : vector<16xf32>
    %add3A_1954 = arith.addf %mul3A_1952, %div3A_1953 : vector<16xf32>
    %mul3A_1955 = arith.constant 5.000000e-01 : f32
    %mul3A_1956 = vector.broadcast %mul3A_1955 : f32 to vector<16xf32>
    %mul3A_1957 = arith.mulf %mul3A_1956, %add3A_1954 : vector<16xf32>
    %div3A_1958 = arith.divf %add3A_1926, %mul3A_1957 : vector<16xf32>
    %add3A_1959 = arith.addf %mul3A_1957, %div3A_1958 : vector<16xf32>
    %mul3A_1960 = arith.constant 5.000000e-01 : f32
    %mul3A_1961 = vector.broadcast %mul3A_1960 : f32 to vector<16xf32>
    %mul3A_1962 = arith.mulf %mul3A_1961, %add3A_1959 : vector<16xf32>
    %get3A_1963 = arith.constant 496 : index
    %get3A_1964 = tpu.vector_load %arg12[%get3A_1963] {strides = array<i32>} : memref<512xf32, #tpu.memory_space<vmem>>, vector<16xf32>,
    %get3A_1965 = vector.shape_cast %get3A_1964 : vector<16xf32> to vector<16xf32>
    %div3A_1966 = arith.divf %get3A_1965, %mul3A_1962 : vector<16xf32>
    %swap3A_1967 = arith.constant 496 : index
    %swap3A_1968 = tpu.vector_load %arg16[%swap3A_1967] {strides = array<i32>} : memref<512xf32, #tpu.memory_space<vmem>>, vector<16xf32>,
    %swap3A_1969 = vector.shape_cast %swap3A_1968 : vector<16xf32> to vector<16xf32>
    %swap3A_1970 = vector.shape_cast %div3A_1966 : vector<16xf32> to vector<16xf32>
    tpu.vector_store %arg16[%swap3A_1967], %swap3A_1970 {strides = array<i32>} : memref<512xf32, #tpu.memory_space<vmem>>, vector<16xf32>,
    %get3A_1971 = arith.constant 496 : index
    %get3A_1972 = tpu.vector_load %arg13[%get3A_1971] {strides = array<i32>} : memref<512xf32, #tpu.memory_space<vmem>>, vector<16xf32>,
    %get3A_1973 = vector.shape_cast %get3A_1972 : vector<16xf32> to vector<16xf32>
    %get3A_1974 = arith.constant 496 : index
    %get3A_1975 = tpu.vector_load %arg14[%get3A_1974] {strides = array<i32>} : memref<512xf32, #tpu.memory_space<vmem>>, vector<16xf32>,
    %get3A_1976 = vector.shape_cast %get3A_1975 : vector<16xf32> to vector<16xf32>
    %mul3A_1977 = arith.mulf %get3A_1976, %div3A_1966 : vector<16xf32>
    %sub3A_1978 = arith.subf %get3A_1973, %mul3A_1977 : vector<16xf32>
    %swap3A_1979 = arith.constant 496 : index
    %swap3A_1980 = tpu.vector_load %arg17[%swap3A_1979] {strides = array<i32>} : memref<512xf32, #tpu.memory_space<vmem>>, vector<16xf32>,
    %swap3A_1981 = vector.shape_cast %swap3A_1980 : vector<16xf32> to vector<16xf32>
    %swap3A_1982 = vector.shape_cast %sub3A_1978 : vector<16xf32> to vector<16xf32>
    tpu.vector_store %arg17[%swap3A_1979], %swap3A_1982 {strides = array<i32>} : memref<512xf32, #tpu.memory_space<vmem>>, vector<16xf32>,
    %add3A_1983 = arith.constant 0 : i32
    %add3A_1984 = arith.addi %mul3A_2, %add3A_1983 : i32
    %dma_start3A = arith.constant 0 : i32
    %dma_start3A_1985 = tpu.memref_slice %arg2[%add3A_1984, %dma_start3A] : memref<65536x512xf32, #tpu.memory_space<hbm>> -> memref<64x512xf32, #tpu.memory_space<hbm>>
    %dma_start3A_1986 = arith.constant 0 : i32
    %dma_start3A_1987 = tpu.memref_slice %arg2[%add3A_1984, %dma_start3A_1986] : memref<65536x512xf32, #tpu.memory_space<hbm>> -> memref<64x512xf32, #tpu.memory_space<hbm>>
    tpu.enqueue_dma source(%dma_start3A_1987 : memref<64x512xf32, #tpu.memory_space<hbm>>) target(%arg9 : memref<64x512xf32, #tpu.memory_space<vmem>>) target_semaphore(%arg18 : memref<!tpu.dma_semaphore, #tpu.memory_space<semaphore_mem>>)
    %scan3A = arith.constant 0 : i32
    %scan3A_1988 = arith.constant 0 : i32
    %scan3A_1989 = arith.constant 16 : i32
    %scan3A_1990 = arith.addi %scan3A_1988, %scan3A_1989 : i32
    %scan3A_1991 = arith.constant 1 : i32
    scf.for %scan3A_1998 = %scan3A_1988 to %scan3A_1990 step %scan3A_1991  : i32 {
      %mul3A_1999 = arith.constant 2 : i32
      %mul3A_2000 = arith.muli %mul3A_1999, %scan3A_1998 : i32
      %mul3A_2001 = arith.constant 64 : i32
      %mul3A_2002 = arith.muli %mul3A_2000, %mul3A_2001 : i32
      %add3A_2003 = arith.addi %mul3A_2, %mul3A_2002 : i32
      %dma_wait3A_2004 = arith.constant 0 : i32
      %dma_wait3A_2005 = tpu.memref_slice %arg2[%add3A_2003, %dma_wait3A_2004] : memref<65536x512xf32, #tpu.memory_space<hbm>> -> memref<64x512xf32, #tpu.memory_space<hbm>>
      %dma_wait3A_2006 = arith.constant 0 : i32
      %dma_wait3A_2007 = tpu.memref_slice %arg2[%add3A_2003, %dma_wait3A_2006] : memref<65536x512xf32, #tpu.memory_space<hbm>> -> memref<64x512xf32, #tpu.memory_space<hbm>>
      tpu.wait_dma2 semaphore(%arg18 : memref<!tpu.dma_semaphore, #tpu.memory_space<semaphore_mem>>) src(%dma_wait3A_2007 : memref<64x512xf32, #tpu.memory_space<hbm>>) dst(%arg9 : memref<64x512xf32, #tpu.memory_space<vmem>>)
      %ge3A = arith.constant 1 : i32
      %ge3A_2008 = arith.cmpi sge, %mul3A_2000, %ge3A : i32
      %convert_element_type3A = arith.extui %ge3A_2008 : i1 to i32
      %cond3A = arith.constant 0 : i32
      %cond3A_2009 = arith.cmpi ne, %convert_element_type3A, %cond3A : i32
      scf.if %cond3A_2009 {
        %sub3A_2053 = arith.constant 1 : i32
        %sub3A_2054 = arith.subi %mul3A_2000, %sub3A_2053 : i32
        %mul3A_2055 = arith.constant 64 : i32
        %mul3A_2056 = arith.muli %sub3A_2054, %mul3A_2055 : i32
        %add3A_2057 = arith.addi %mul3A_2, %mul3A_2056 : i32
        %dma_wait3A_2058 = arith.constant 0 : i32
        %dma_wait3A_2059 = tpu.memref_slice %arg8[%add3A_2057, %dma_wait3A_2058] : memref<65536x512xf32, #tpu.memory_space<hbm>> -> memref<64x512xf32, #tpu.memory_space<hbm>>
        %dma_wait3A_2060 = arith.constant 0 : i32
        %dma_wait3A_2061 = tpu.memref_slice %arg8[%add3A_2057, %dma_wait3A_2060] : memref<65536x512xf32, #tpu.memory_space<hbm>> -> memref<64x512xf32, #tpu.memory_space<hbm>>
        tpu.wait_dma2 semaphore(%arg21 : memref<!tpu.dma_semaphore, #tpu.memory_space<semaphore_mem>>) src(%arg10 : memref<64x512xf32, #tpu.memory_space<vmem>>) dst(%dma_wait3A_2061 : memref<64x512xf32, #tpu.memory_space<hbm>>)
      } else {
      }
      %add3A_2010 = arith.constant 1 : i32
      %add3A_2011 = arith.addi %mul3A_2000, %add3A_2010 : i32
      %lt3A = arith.constant 32 : i32
      %lt3A_2012 = arith.cmpi slt, %add3A_2011, %lt3A : i32
      %convert_element_type3A_2013 = arith.extui %lt3A_2012 : i1 to i32
      %cond3A_2014 = arith.constant 0 : i32
      %cond3A_2015 = arith.cmpi ne, %convert_element_type3A_2013, %cond3A_2014 : i32
      scf.if %cond3A_2015 {
        %add3A_2053 = arith.constant 1 : i32
        %add3A_2054 = arith.addi %mul3A_2000, %add3A_2053 : i32
        %mul3A_2055 = arith.constant 64 : i32
        %mul3A_2056 = arith.muli %add3A_2054, %mul3A_2055 : i32
        %add3A_2057 = arith.addi %mul3A_2, %mul3A_2056 : i32
        %dma_start3A_2058 = arith.constant 0 : i32
        %dma_start3A_2059 = tpu.memref_slice %arg2[%add3A_2057, %dma_start3A_2058] : memref<65536x512xf32, #tpu.memory_space<hbm>> -> memref<64x512xf32, #tpu.memory_space<hbm>>
        %dma_start3A_2060 = arith.constant 0 : i32
        %dma_start3A_2061 = tpu.memref_slice %arg2[%add3A_2057, %dma_start3A_2060] : memref<65536x512xf32, #tpu.memory_space<hbm>> -> memref<64x512xf32, #tpu.memory_space<hbm>>
        tpu.enqueue_dma source(%dma_start3A_2061 : memref<64x512xf32, #tpu.memory_space<hbm>>) target(%arg10 : memref<64x512xf32, #tpu.memory_space<vmem>>) target_semaphore(%arg19 : memref<!tpu.dma_semaphore, #tpu.memory_space<semaphore_mem>>)
      } else {
      }
      %mul3A_2016 = arith.constant 64 : i32
      %mul3A_2017 = arith.muli %mul3A_2000, %mul3A_2016 : i32
      %add3A_2018 = arith.addi %mul3A_2, %mul3A_2017 : i32
      %dma_start3A_2019 = arith.constant 0 : i32
      %dma_start3A_2020 = tpu.memref_slice %arg8[%add3A_2018, %dma_start3A_2019] : memref<65536x512xf32, #tpu.memory_space<hbm>> -> memref<64x512xf32, #tpu.memory_space<hbm>>
      %dma_start3A_2021 = arith.constant 0 : i32
      %dma_start3A_2022 = tpu.memref_slice %arg8[%add3A_2018, %dma_start3A_2021] : memref<65536x512xf32, #tpu.memory_space<hbm>> -> memref<64x512xf32, #tpu.memory_space<hbm>>
      tpu.enqueue_dma source(%arg9 : memref<64x512xf32, #tpu.memory_space<vmem>>) target(%dma_start3A_2022 : memref<64x512xf32, #tpu.memory_space<hbm>>) target_semaphore(%arg20 : memref<!tpu.dma_semaphore, #tpu.memory_space<semaphore_mem>>)
      %mul3A_2023 = arith.constant 2 : i32
      %mul3A_2024 = arith.muli %mul3A_2023, %scan3A_1998 : i32
      %add3A_2025 = arith.constant 1 : i32
      %add3A_2026 = arith.addi %mul3A_2024, %add3A_2025 : i32
      %mul3A_2027 = arith.constant 64 : i32
      %mul3A_2028 = arith.muli %add3A_2026, %mul3A_2027 : i32
      %add3A_2029 = arith.addi %mul3A_2, %mul3A_2028 : i32
      %dma_wait3A_2030 = arith.constant 0 : i32
      %dma_wait3A_2031 = tpu.memref_slice %arg2[%add3A_2029, %dma_wait3A_2030] : memref<65536x512xf32, #tpu.memory_space<hbm>> -> memref<64x512xf32, #tpu.memory_space<hbm>>
      %dma_wait3A_2032 = arith.constant 0 : i32
      %dma_wait3A_2033 = tpu.memref_slice %arg2[%add3A_2029, %dma_wait3A_2032] : memref<65536x512xf32, #tpu.memory_space<hbm>> -> memref<64x512xf32, #tpu.memory_space<hbm>>
      tpu.wait_dma2 semaphore(%arg19 : memref<!tpu.dma_semaphore, #tpu.memory_space<semaphore_mem>>) src(%dma_wait3A_2033 : memref<64x512xf32, #tpu.memory_space<hbm>>) dst(%arg10 : memref<64x512xf32, #tpu.memory_space<vmem>>)
      %ge3A_2034 = arith.constant 1 : i32
      %ge3A_2035 = arith.cmpi sge, %add3A_2026, %ge3A_2034 : i32
      %convert_element_type3A_2036 = arith.extui %ge3A_2035 : i1 to i32
      %cond3A_2037 = arith.constant 0 : i32
      %cond3A_2038 = arith.cmpi ne, %convert_element_type3A_2036, %cond3A_2037 : i32
      scf.if %cond3A_2038 {
        %sub3A_2053 = arith.constant 1 : i32
        %sub3A_2054 = arith.subi %add3A_2026, %sub3A_2053 : i32
        %mul3A_2055 = arith.constant 64 : i32
        %mul3A_2056 = arith.muli %sub3A_2054, %mul3A_2055 : i32
        %add3A_2057 = arith.addi %mul3A_2, %mul3A_2056 : i32
        %dma_wait3A_2058 = arith.constant 0 : i32
        %dma_wait3A_2059 = tpu.memref_slice %arg8[%add3A_2057, %dma_wait3A_2058] : memref<65536x512xf32, #tpu.memory_space<hbm>> -> memref<64x512xf32, #tpu.memory_space<hbm>>
        %dma_wait3A_2060 = arith.constant 0 : i32
        %dma_wait3A_2061 = tpu.memref_slice %arg8[%add3A_2057, %dma_wait3A_2060] : memref<65536x512xf32, #tpu.memory_space<hbm>> -> memref<64x512xf32, #tpu.memory_space<hbm>>
        tpu.wait_dma2 semaphore(%arg20 : memref<!tpu.dma_semaphore, #tpu.memory_space<semaphore_mem>>) src(%arg9 : memref<64x512xf32, #tpu.memory_space<vmem>>) dst(%dma_wait3A_2061 : memref<64x512xf32, #tpu.memory_space<hbm>>)
      } else {
      }
      %add3A_2039 = arith.constant 1 : i32
      %add3A_2040 = arith.addi %add3A_2026, %add3A_2039 : i32
      %lt3A_2041 = arith.constant 32 : i32
      %lt3A_2042 = arith.cmpi slt, %add3A_2040, %lt3A_2041 : i32
      %convert_element_type3A_2043 = arith.extui %lt3A_2042 : i1 to i32
      %cond3A_2044 = arith.constant 0 : i32
      %cond3A_2045 = arith.cmpi ne, %convert_element_type3A_2043, %cond3A_2044 : i32
      scf.if %cond3A_2045 {
        %add3A_2053 = arith.constant 1 : i32
        %add3A_2054 = arith.addi %add3A_2026, %add3A_2053 : i32
        %mul3A_2055 = arith.constant 64 : i32
        %mul3A_2056 = arith.muli %add3A_2054, %mul3A_2055 : i32
        %add3A_2057 = arith.addi %mul3A_2, %mul3A_2056 : i32
        %dma_start3A_2058 = arith.constant 0 : i32
        %dma_start3A_2059 = tpu.memref_slice %arg2[%add3A_2057, %dma_start3A_2058] : memref<65536x512xf32, #tpu.memory_space<hbm>> -> memref<64x512xf32, #tpu.memory_space<hbm>>
        %dma_start3A_2060 = arith.constant 0 : i32
        %dma_start3A_2061 = tpu.memref_slice %arg2[%add3A_2057, %dma_start3A_2060] : memref<65536x512xf32, #tpu.memory_space<hbm>> -> memref<64x512xf32, #tpu.memory_space<hbm>>
        tpu.enqueue_dma source(%dma_start3A_2061 : memref<64x512xf32, #tpu.memory_space<hbm>>) target(%arg9 : memref<64x512xf32, #tpu.memory_space<vmem>>) target_semaphore(%arg18 : memref<!tpu.dma_semaphore, #tpu.memory_space<semaphore_mem>>)
      } else {
      }
      %mul3A_2046 = arith.constant 64 : i32
      %mul3A_2047 = arith.muli %add3A_2026, %mul3A_2046 : i32
      %add3A_2048 = arith.addi %mul3A_2, %mul3A_2047 : i32
      %dma_start3A_2049 = arith.constant 0 : i32
      %dma_start3A_2050 = tpu.memref_slice %arg8[%add3A_2048, %dma_start3A_2049] : memref<65536x512xf32, #tpu.memory_space<hbm>> -> memref<64x512xf32, #tpu.memory_space<hbm>>
      %dma_start3A_2051 = arith.constant 0 : i32
      %dma_start3A_2052 = tpu.memref_slice %arg8[%add3A_2048, %dma_start3A_2051] : memref<65536x512xf32, #tpu.memory_space<hbm>> -> memref<64x512xf32, #tpu.memory_space<hbm>>
      tpu.enqueue_dma source(%arg10 : memref<64x512xf32, #tpu.memory_space<vmem>>) target(%dma_start3A_2052 : memref<64x512xf32, #tpu.memory_space<hbm>>) target_semaphore(%arg21 : memref<!tpu.dma_semaphore, #tpu.memory_space<semaphore_mem>>)
    }
    %scan3A_1992 = arith.constant 16 : i32
    %add3A_1993 = arith.constant 1984 : i32
    %add3A_1994 = arith.addi %mul3A_2, %add3A_1993 : i32
    %dma_wait3A = arith.constant 0 : i32
    %dma_wait3A_1995 = tpu.memref_slice %arg8[%add3A_1994, %dma_wait3A] : memref<65536x512xf32, #tpu.memory_space<hbm>> -> memref<64x512xf32, #tpu.memory_space<hbm>>
    %dma_wait3A_1996 = arith.constant 0 : i32
    %dma_wait3A_1997 = tpu.memref_slice %arg8[%add3A_1994, %dma_wait3A_1996] : memref<65536x512xf32, #tpu.memory_space<hbm>> -> memref<64x512xf32, #tpu.memory_space<hbm>>
    tpu.wait_dma2 semaphore(%arg21 : memref<!tpu.dma_semaphore, #tpu.memory_space<semaphore_mem>>) src(%arg10 : memref<64x512xf32, #tpu.memory_space<vmem>>) dst(%dma_wait3A_1997 : memref<64x512xf32, #tpu.memory_space<hbm>>)
    return
  }
}

</mosaic_0001>

<sc_bundles>
// kernel: kernel.3.cloned.1.call-start
scs
__scs_entry_jumppad:
0x0: {  	(pc) =	sbr.rel $0x88, $3  }
0x1: {  	(tag) =	ssettag $0x0;
	lr =	simm.s32 $0x1  }
0x2: {  	[smem:$0x3F9B] =	sst lr;
	_ =	strace $0xD0000000  }
0x3: {  	_ = 	snop  }
0x4: {  	_ = 	snop  }
0x5: {  	_ = 	snop  }
0x6: {  	_ = 	snop  }
0x7: {  	_ = 	snop  }
__scs_overlays_trampoline_lowered:
0x8: {  	[smem:$0x3FAA] =	sst s0  }
0x9: {  	[smem:$0x3FAB] =	sst s1  }
0xa: {  	[smem:$0x3FAC] =	sst s2  }
0xb: {  	[smem:$0x3FAD] =	sst s3  }
0xc: {  	[smem:$0x3FAE] =	sst s4  }
0xd: {  	[smem:$0x3FAF] =	sst s5  }
0xe: {  	[smem:$0x3FB0] =	sst s6  }
0xf: {  	[smem:$0x3FB1] =	sst s7  }
0x10: {  	[smem:$0x3FB2] =	sst s8  }
0x11: {  	[smem:$0x3FB3] =	sst s9;
	s0 =	simm.s32 @!p0 $0x0  }
0x12: {  	s1 =	sld [smem:$0x3F99];
	s0 =	simm.s32 @p0 $0x1  }
0x13: {  	[smem:$0x3FB4] =	sst s0;
	s0 =	simm.s32 @!p1 $0x0  }
0x14: {  	s2 =	sld [smem:$0x3F98];
	s0 =	simm.s32 @p1 $0x1  }
0x15: {  	[smem:$0x3FB5] =	sst s0;
	s0 =	simm.s32 @!p2 $0x0  }
0x16: {  	s3 =	sld [smem:$0x3FDB];
	s0 =	simm.s32 @p2 $0x1  }
0x17: {  	s4 =	simm.s32 $0x1BF5;
	[smem:$0x3FB7] =	sst s0  }
0x18: {  	s0 =	sld [smem:$0x3F9A];
	_ =	swait.ge [sflag:s4], $0x0  }
0x19: {  	s7 =	sld [smem:$0x3F9B]  }
0x1a: {  	s8 =	sadd.s32 $0xFFFFE003, lr  }
0x1b: {  	s9 =	sadd.s32 $0xFFFFFEF7, lr;
	s5 =	simm.s32 $0xFFFFFFFF;
	p2 =	slt.u32 s8, $0xFFFFF086  }
0x1c: {  	p1 =	slt.u32 s9, $0xF7A;
	s5 =	simm.s32 @!p2 $0x0  }
0x1d: {  	s5 =	simm.s32 @p1 $0x1;
	p0 =	seq.s32 s7, s2  }
0x1e: {  	s7 =	smul.u32 @!p0 $0xF7A, s2;
	p2 =	seq.s32 @!p0 s5, $0x0  }
0x1f: {  	s9 =	smul.u32 $0xF7A, s1;
	s8 =	simm.s32 @!p0 $0x1BF5;
	p2 =	por !p2, p0  }
0x20: {  	[sflag:s8] =	ssyncset.s32 @!p0 $0xFFFFF086;
	s6 =	sadd.s32 @!p0 s3, s7;
	s7 =	simm.s32 @!p0 $0x108  }
0x21: {  	s3 =	sadd.s32 s3, s9;
	s6 =	sadd.s32 @!p0 $0x88, s6;
	s7 =	simm.s32 @p2 $0x1082  }
0x22: {  	[simem:s7], [sflag:s8] =	dma.local @!p0 [hbm:s6], $0xF7A  }
0x23: {  	s9 =	sor.u32 $0xD0000000, s2;
	s6 =	simm.s32 $0x108;
	_ =	swait.ge @!p0 [sflag:s8], $0x0  }
0x24: {  	s3 =	sadd.s32 $0x88, s3;
	s6 =	simm.s32 @!p1 $0x1082;
	[sflag:s4] =	ssyncset.s32 $0xFFFFF086  }
0x25: {  	[simem:s6], [sflag:s4] =	dma.local [hbm:s3], $0xF7A  }
0x26: {  	[smem:$0x3F9B] =	sst s1;
	(tag) =	ssettag s2;
	_ =	strace s9  }
0x27: {  	s1 =	sld [smem:$0x3FAB]  }
0x28: {  	s2 =	sld [smem:$0x3FAC]  }
0x29: {  	s4 =	sld [smem:$0x3FAE]  }
0x2a: {  	p0 =	seq.s32 s5, $0x0;
	s5 =	sld [smem:$0x3FAF]  }
0x2b: {  	s6 =	sld [smem:$0x3FB0]  }
0x2c: {  	s7 =	sld [smem:$0x3FB1]  }
0x2d: {  	s3 =	simm.s32 $0x108;
	s8 =	sld [smem:$0x3FB2]  }
0x2e: {  	s3 =	simm.s32 @!p0 $0x1082;
	s9 =	sld [smem:$0x3FB3]  }
0x2f: {  	lr =	sadd.s32 s0, s3;
	s0 =	sld [smem:$0x3FAA]  }
0x30: {  	s3 =	sld [smem:$0x3FAD]  }
0x31: {  	[smem:$0x3FB6] =	sst s10  }
0x32: {  	s10 =	sld [smem:$0x3FB4];
	_ =	sdelay $0x3  }
0x33: {  	p0 =	seq.s32 s10, $0x1;
	s10 =	sld [smem:$0x3FB6];
	_ =	sdelay $0x3  }
0x34: {  	[smem:$0x3FB6] =	sst s10  }
0x35: {  	s10 =	sld [smem:$0x3FB5];
	_ =	sdelay $0x3  }
0x36: {  	p1 =	seq.s32 s10, $0x1;
	s10 =	sld [smem:$0x3FB6];
	_ =	sdelay $0x3  }
0x37: {  	[smem:$0x3FB6] =	sst s10  }
0x38: {  	s10 =	sld [smem:$0x3FB7]  }
0x39: {  	_ = 	snop;
	(pc) =	sbr.ind lr, $3  }
0x3a: {  	_ = 	snop  }
0x3b: {  	_ = 	snop  }
0x3c: {  	p2 =	seq.s32 s10, $0x1;
	s10 =	sld [smem:$0x3FB6]  }
0x3d: {  	_ =	shalt  }
0x3e: {  	_ =	shalt  }
0x3f: {  	_ =	shalt  }
0x40: {  	_ =	shalt  }
0x41: {  	_ =	shalt  }
0x42: {  	_ =	shalt  }
0x43: {  	_ =	shalt  }
0x44: {  	_ =	shalt  }
0x45: {  	_ =	shalt  }
0x46: {  	_ =	shalt  }
0x47: {  	_ =	shalt  }
0x48: {  	_ =	shalt  }
0x49: {  	_ =	shalt  }
0x4a: {  	_ =	shalt  }
0x4b: {  	_ =	shalt  }
0x4c: {  	_ =	shalt  }
0x4d: {  	_ =	shalt  }
0x4e: {  	_ =	shalt  }
0x4f: {  	_ =	shalt  }
0x50: {  	_ =	shalt  }
0x51: {  	_ =	shalt  }
0x52: {  	_ =	shalt  }
0x53: {  	_ =	shalt  }
0x54: {  	_ =	shalt  }
0x55: {  	_ =	shalt  }
0x56: {  	_ =	shalt  }
0x57: {  	_ =	shalt  }
0x58: {  	_ =	shalt  }
0x59: {  	_ =	shalt  }
0x5a: {  	_ =	shalt  }
0x5b: {  	_ =	shalt  }
0x5c: {  	_ =	shalt  }
0x5d: {  	_ =	shalt  }
0x5e: {  	_ =	shalt  }
0x5f: {  	_ =	shalt  }
0x60: {  	_ =	shalt  }
0x61: {  	_ =	shalt  }
0x62: {  	_ =	shalt  }
0x63: {  	_ =	shalt  }
0x64: {  	_ =	shalt  }
0x65: {  	_ =	shalt  }
0x66: {  	_ =	shalt  }
0x67: {  	_ =	shalt  }
0x68: {  	_ =	shalt  }
0x69: {  	_ =	shalt  }
0x6a: {  	_ =	shalt  }
0x6b: {  	_ =	shalt  }
0x6c: {  	_ =	shalt  }
0x6d: {  	_ =	shalt  }
0x6e: {  	_ =	shalt  }
0x6f: {  	_ =	shalt  }
0x70: {  	_ =	shalt  }
0x71: {  	_ =	shalt  }
0x72: {  	_ =	shalt  }
0x73: {  	_ =	shalt  }
0x74: {  	_ =	shalt  }
0x75: {  	_ =	shalt  }
0x76: {  	_ =	shalt  }
0x77: {  	_ =	shalt  }
0x78: {  	_ =	shalt  }
0x79: {  	_ =	shalt  }
0x7a: {  	_ =	shalt  }
0x7b: {  	_ =	shalt  }
0x7c: {  	_ =	shalt  }
0x7d: {  	_ =	shalt  }
0x7e: {  	_ =	shalt  }
0x7f: {  	_ =	shalt  }
0x80: {  	_ =	shalt  }
0x81: {  	_ =	shalt  }
0x82: {  	_ =	shalt  }
0x83: {  	_ =	shalt  }
0x84: {  	_ =	shalt  }
0x85: {  	_ =	shalt  }
0x86: {  	_ =	shalt  }
0x87: {  	_ =	shalt  }
.Lfunc_end0:
.L_simem_size_0:
called_computation_lowered:
.L_overlay_start_0:
0x88: {  	s2 =	sld [smem:$0x3FD9]  }
0x89: {  	s3 =	sld [smem:$0x3FFE];
	_ =	sdelay $0x1  }
0x8a: {  	s1 =	srdreg.scid  }
0x8b: {  	s0 =	sand.u32 $0x1, s1  }
0x8c: {  	s17 =	sshll.u32 s0, $0xA;
	s2 =	sadd.s32 s3, s2  }
0x8d: {  	s2 =	sadd.s32 s2, s17  }
0x8e: {  	[smem:$0x3FC2] =	sst s2  }
0x8f: {  	_ = 	snop  }
0x90: {  	s2 =	sld [smem:$0x3FC9]  }
0x91: {  	s18 =	sld [smem:$0x3FC7]  }
0x92: {  	s4 =	sld [smem:$0x3FC6]  }
0x93: {  	s5 =	sld [smem:$0x3FC5]  }
0x94: {  	s6 =	sld [smem:$0x3FC4]  }
0x95: {  	s7 =	sld [smem:$0x3FD0];
	(tm) =	ssettm $0x1  }
0x96: {  	s8 =	sld [smem:$0x3FFB];
	_ =	sdelay $0x3  }
0x97: {  	_ =	strace s8  }
0x98: {  	s8 =	sld [smem:$0x3FFC];
	_ =	sdelay $0x3  }
0x99: {  	_ =	strace s8  }
0x9a: {  	s8 =	sld [smem:$0x3FFD];
	_ =	sdelay $0x3  }
0x9b: {  	_ =	strace s8  }
0x9c: {  	_ =	strace $0x8FFFFFFF  }
0x9d: {  	s19 =	sld [smem:$0x3FDB];
	_ =	sdelay $0x1  }
0x9e: {  	s9 =	simm.s32 $_scs_section_size  }
0x9f: {  	s10 =	simm.s32 $_size__tile_overlayer_lowered;
	s11 =	simm.s32 $_tile_overlayer_lowered  }
0xa0: {  	s22 =	simm.s32 $0x1BFF;
	s21 =	sshll.u32 s11, $0x1;
	s8 =	sadd.s32 s9, s19  }
0xa1: {  	s12 =	simm.s32 $0x0;
	s20 =	sshll.u32 s10, $0x1;
	s10 =	sadd.s32 s21, s8  }
0xa2: {  	[timem:s12], [sflag:s22] =	dma.local [hbm:s10], s20  }
0xa3: {  	_ =	swait.ge [sflag:s22], s20  }
0xa4: {  	s9 =	ssub.s32 $0x0, s20;
	[sflag:s22] =	ssyncset.done $0x0  }
0xa5: {  	[sflag:s22] =	ssyncadd.s32 s9;
	_ =	sdelay $0x1  }
0xa6: {  	s23 =	simm.s32 $0x1B8B  }
0xa7: {  	_ =	swait.ge [sflag:s23], $0x1  }
0xa8: {  	[sflag:s23] =	ssyncset.done $0x0  }
0xa9: {  	s25 =	simm.s32 $0x1B8E;
	s24 =	sld [smem:$0x3FFE];
	[sflag:s23] =	ssyncadd.s32 $0xFFFFFFFF  }
0xaa: {  	s26 =	simm.s32 $execute0_lowered;
	[smem:$0x3FD2] =	sst s25  }
0xab: {  	s10 =	sshll.u32 s26, $0x1;
	_ =	strace $0x80000046;
	[dreg:$0x1] =	wrdreg $0xFFFFFFFF  }
0xac: {  	s28 =	simm.s32 $_size_execute0_lowered;
	s8 =	sadd.s32 s8, s10;
	[dreg:$0x0] =	wrdreg $0x0  }
0xad: {  	s10 =	sshll.u32 s28, $0x1;
	[dreg:$0x2] =	wrdreg s8  }
0xae: {  	[dreg:$0x3] =	wrdreg s10  }
0xaf: {  	[dreg:$0x4] =	wrdreg $0xC0  }
0xb0: {  	_ =	task [dreg:s12], $0x5FFFF  }
0xb1: {  	[dreg:$0x1] =	wrdreg $0xFFFFFFFF  }
0xb2: {  	[dreg:$0x0] =	wrdreg $0x60  }
0xb3: {  	[dreg:$0x2] =	wrdreg s2  }
0xb4: {  	[dreg:$0x3] =	wrdreg s24  }
0xb5: {  	[dreg:$0x4] =	wrdreg s18  }
0xb6: {  	[dreg:$0x5] =	wrdreg s4  }
0xb7: {  	[dreg:$0x6] =	wrdreg s5  }
0xb8: {  	[dreg:$0x7] =	wrdreg s6  }
0xb9: {  	[dreg:$0x8] =	wrdreg s7  }
0xba: {  	[dreg:$0x9] =	wrdreg $0x9  }
0xbb: {  	_ =	task.clear_ibuf [dreg:s12], $0xAFFFF;
	_ =	strace $0x90000046  }
0xbc: {  	s29 =	simm.s32 $0x9;
	_ =	strace $0x80000048  }
0xbd: {  	_ =	swait.ge [sflag:s29], $0x1  }
0xbe: {  	[sflag:s29] =	ssyncadd.s32 $0xFFFFFFFF  }
0xbf: {  	_ =	strace $0x90000048  }
0xc0: {  	_ =	sfence  }
0xc1: {  	s30 =	sld [smem:$0x0];
	_ =	sdelay $0x2  }
0xc2: {  	s31 =	sshll.u32 s1, $0xD;
	s1 =	sshrl.u32 s1, $0x2  }
0xc3: {  	s3 =	sand.u32 $0x4000, s31;
	s1 =	sadd.s32 s1, s30  }
0xc4: {  	s0 =	sor.u32 s3, s0;
	s1 =	sshll.u32 s1, $0x11  }
0xc5: {  	s0 =	sor.u32 s1, s0  }
0xc6: {  	s0 =	sadd.s32 $0x8F2B, s0  }
0xc7: {  	[sflag:s0] =	ssyncadd.remote.s32 $0x1  }
0xc8: {  	_ =	sfence.sel $0xFFFF  }
0xc9: {  	[dreg:$0x0] =	wrdreg $0xFFFFFFFF;
	(pc) =	sbr.abs _section_cstart, $3  }
0xca: {  	[dreg:$0x1] =	wrdreg $0xFFFFFFFF  }
0xcb: {  	_ =	task.clear_ibuf [dreg:s12], $0x2FFFF;
	_ =	strace $0x9FFFFFFF  }
0xcc: {  	(tm) =	ssettm $0x7FFFFFFF  }
0xcd: {  	_ =	shalt  }
tec
execute0_lowered:
.L_overlay_start_1:
0x0: {  	(tag) =	ssettag $0x1  }
0x1: {  	s0 =	rddreg [dreg:$0x0]  }
0x2: {  	s4 =	rddreg [dreg:$0x1]  }
0x3: {  	s3 =	rddreg [dreg:$0x4]  }
0x4: {  	s5 =	rddreg [dreg:$0x5]  }
0x5: {  	s16 =	rddreg [dreg:$0x6]  }
0x6: {  	s6 =	srdreg.scid;
	s1 =	stileid.u32;
	s21 =	simm.s32 $0x10A80  }
0x7: {  	s22 =	simm.s32 $0x10C80;
	s23 =	simm.s32 $0x10E80;
	s28 =	simm.s32 $0x2  }
0x8: {  	s29 =	simm.s32 $0x3;
	s30 =	simm.s32 $0x4;
	s31 =	simm.s32 $0x0  }
0x9: {  	s17 =	sand.u32 $0x1, s6;
	s6 =	simm.s32 $0x0;
	s7 =	sshll.u32 s1, $0xC  }
0xa: {  	s18 =	sshll.u32 s1, $0x12;
	s8 =	sshll.u32 s17, $0xB;
	[smem:$0x7FF] =	sst s6  }
0xb: {  	s24 =	ssub.s32 $0x2, s17;
	s19 =	sadd.s32 s18, s16;
	s20 =	sshll.u32 s17, $0x11  }
0xc: {  	s7 =	sor.u32 s8, s7;
	_ =	strace $0x80000047;
	s10 =	sshrl.u32 s24, $0x1  }
0xd: {  	s17 =	sadd.s32 s20, s19;
	s19 =	simm.s32 $0x10880;
	s9 =	sshrl.u32 s7, $0x3  }
0xe: {  	s11 =	ssub.s32 s24, s10;
	s14 =	sshll.u32 s7, $0x6;
	s24 =	simm.s32 $0x10000  }
0xf: {  	s4 =	sadd.s32 s9, s4;
	s8 =	sadd.s32 s0, s14;
	s25 =	sor.u32 $0x1000, s14  }
0x10: {  	s9 =	sadd.s32 s16, s14;
	s11 =	smax.u32 s11, $0x1;
	s26 =	sor.u32 $0x1F000, s14  }
0x11: {  	s7 =	sadd.s32 $0x400, s4;
	s10 =	sadd.s32 $0x2000, s8;
	s12 =	sadd.s32 s0, s25  }
0x12: {  	s13 =	sadd.s32 s16, s25;
	s14 =	sadd.s32 s0, s26;
	s15 =	sadd.s32 $0x1E000, s9  }
0x13: {  	s0 =	sadd.s32 s18, s0;
	s16 =	sadd.s32 s16, s26;
	s25 =	simm.s32 $0x1  }
0x14: {  	s26 =	simm.s32 $0x8000;
	s18 =	sadd.s32 s20, s0;
	s20 =	simm.s32 $0x5  }
.LBB2_1:
0x15: {  	s0 =	rddreg [dreg:$0x2]  }
0x16: {  	[tilespmem:s19], [sflag:$0x5] =	stream.linear.gather [hbm4b:s0+s6], $0x200, $0x38;
	[tilespmem:$0x11480] =	vst v63  }
0x17: {  	_ =	swait.ge [sflag:s20], $0x200  }
0x18: {  	[sflag:s20] =	ssyncset.done $0x0  }
0x19: {  	[sflag:s20] =	ssyncadd.s32 $0xFFFFFE00  }
0x1a: {  	s1 =	rddreg [dreg:$0x3]  }
0x1b: {  	[tilespmem:s21], [sflag:$0x5] =	stream.linear.gather [hbm4b:s1+s6], $0x200, $0x38;
	[tilespmem:$0x11480] =	vst v63  }
0x1c: {  	_ =	swait.ge [sflag:s20], $0x200  }
0x1d: {  	[sflag:s20] =	ssyncset.done $0x0  }
0x1e: {  	[sflag:s20] =	ssyncadd.s32 $0xFFFFFE00  }
0x1f: {  	[tilespmem:s22], [sflag:$0x5] =	stream.linear.gather [hbm4b:s3+s6], $0x200, $0x38;
	[tilespmem:$0x11480] =	vst v63  }
0x20: {  	_ =	swait.ge [sflag:s20], $0x200  }
0x21: {  	[sflag:s20] =	ssyncset.done $0x0  }
0x22: {  	[sflag:s20] =	ssyncadd.s32 $0xFFFFFE00  }
0x23: {  	[tilespmem:s23], [sflag:$0x5] =	stream.linear.gather [hbm4b:s5+s6], $0x200, $0x38;
	[tilespmem:$0x11480] =	vst v63  }
0x24: {  	_ =	swait.ge [sflag:s20], $0x200  }
0x25: {  	[sflag:s20] =	ssyncset.done $0x0  }
0x26: {  	[sflag:s20] =	ssyncadd.s32 $0xFFFFFE00  }
0x27: {  	[tilespmem:s24], [sflag:$0x5] =	stream.linear.gather [hbm4b:s7+s6], $0x800, $0x38;
	[tilespmem:$0x11480] =	vst v63  }
0x28: {  	_ =	swait.ge [sflag:s20], $0x800  }
0x29: {  	[sflag:s20] =	ssyncset.done $0x0  }
0x2a: {  	[sflag:s20] =	ssyncadd.s32 $0xFFFFF800  }
0x2b: {  	v0 =	vld [tilespmem:$0x10E80];
	_ =	sdelay $0x4  }
0x2c: {  	v0 =	vadd.f32 $9.999999740e-06, v0;
	_ =	sdelay $0x1  }
0x2d: {  	v1 =	vmul.f32 $0.0e+00, v0;
	_ =	sdelay $0x1  }
0x2e: {  	v1 =	vadd.f32 $1.000000000e+00, v1;
	_ =	sdelay $0x1  }
0x2f: {  	(erf) = vrcp.f32 v1;
	_ =	sdelay $0x8  }
0x30: {  	v2 =	vpop (erf)  }
0x31: {  	v2 =	vmul.f32 v2, v0;
	_ =	sdelay $0x1  }
0x32: {  	v1 =	vadd.f32 v2, v1;
	_ =	sdelay $0x1  }
0x33: {  	v1 =	vmul.f32 $5.000000000e-01, v1;
	_ =	sdelay $0x1  }
0x34: {  	(erf) = vrcp.f32 v1;
	_ =	sdelay $0x8  }
0x35: {  	v43 =	vpop (erf)  }
0x36: {  	v2 =	vmul.f32 v43, v0;
	_ =	sdelay $0x1  }
0x37: {  	v1 =	vadd.f32 v2, v1;
	_ =	sdelay $0x1  }
0x38: {  	v1 =	vmul.f32 $5.000000000e-01, v1;
	_ =	sdelay $0x1  }
0x39: {  	(erf) = vrcp.f32 v1;
	_ =	sdelay $0x8  }
0x3a: {  	v44 =	vpop (erf)  }
0x3b: {  	v2 =	vmul.f32 v44, v0;
	_ =	sdelay $0x1  }
0x3c: {  	v1 =	vadd.f32 v2, v1;
	_ =	sdelay $0x1  }
0x3d: {  	v1 =	vmul.f32 $5.000000000e-01, v1;
	_ =	sdelay $0x1  }
0x3e: {  	(erf) = vrcp.f32 v1;
	_ =	sdelay $0x8  }
0x3f: {  	v45 =	vpop (erf)  }
0x40: {  	v2 =	vmul.f32 v45, v0;
	_ =	sdelay $0x1  }
0x41: {  	v1 =	vadd.f32 v2, v1;
	_ =	sdelay $0x1  }
0x42: {  	v1 =	vmul.f32 $5.000000000e-01, v1;
	_ =	sdelay $0x1  }
0x43: {  	(erf) = vrcp.f32 v1;
	_ =	sdelay $0x8  }
0x44: {  	v46 =	vpop (erf)  }
0x45: {  	v2 =	vmul.f32 v46, v0;
	_ =	sdelay $0x1  }
0x46: {  	v1 =	vadd.f32 v2, v1;
	_ =	sdelay $0x1  }
0x47: {  	v1 =	vmul.f32 $5.000000000e-01, v1;
	_ =	sdelay $0x1  }
0x48: {  	(erf) = vrcp.f32 v1;
	_ =	sdelay $0x5  }
0x49: {  	v47 =	vld [tilespmem:$0x10E90];
	_ =	sdelay $0x2  }
0x4a: {  	v3 =	vpop (erf)  }
0x4b: {  	v0 =	vmul.f32 v3, v0  }
0x4c: {  	v2 =	vadd.f32 $9.999999740e-06, v47  }
0x4d: {  	v0 =	vadd.f32 v0, v1  }
0x4e: {  	v48 =	vmul.f32 $0.0e+00, v2  }
0x4f: {  	v0 =	vmul.f32 $5.000000000e-01, v0  }
0x50: {  	v1 =	vadd.f32 $1.000000000e+00, v48  }
0x51: {  	(erf) = vrcp.f32 v0  }
0x52: {  	(erf) = vrcp.f32 v1;
	_ =	sdelay $0x7  }
0x53: {  	v0 =	vpop (erf)  }
0x54: {  	v49 =	vpop (erf)  }
0x55: {  	v3 =	vmul.f32 v49, v2;
	_ =	sdelay $0x1  }
0x56: {  	v1 =	vadd.f32 v3, v1;
	_ =	sdelay $0x1  }
0x57: {  	v1 =	vmul.f32 $5.000000000e-01, v1;
	_ =	sdelay $0x1  }
0x58: {  	(erf) = vrcp.f32 v1;
	_ =	sdelay $0x8  }
0x59: {  	v50 =	vpop (erf)  }
0x5a: {  	v3 =	vmul.f32 v50, v2;
	_ =	sdelay $0x1  }
0x5b: {  	v1 =	vadd.f32 v3, v1;
	_ =	sdelay $0x1  }
0x5c: {  	v1 =	vmul.f32 $5.000000000e-01, v1;
	_ =	sdelay $0x1  }
0x5d: {  	(erf) = vrcp.f32 v1;
	_ =	sdelay $0x8  }
0x5e: {  	v51 =	vpop (erf)  }
0x5f: {  	v3 =	vmul.f32 v51, v2;
	_ =	sdelay $0x1  }
0x60: {  	v1 =	vadd.f32 v3, v1;
	_ =	sdelay $0x1  }
0x61: {  	v1 =	vmul.f32 $5.000000000e-01, v1;
	_ =	sdelay $0x1  }
0x62: {  	(erf) = vrcp.f32 v1;
	_ =	sdelay $0x8  }
0x63: {  	v52 =	vpop (erf)  }
0x64: {  	v3 =	vmul.f32 v52, v2;
	_ =	sdelay $0x1  }
0x65: {  	v1 =	vadd.f32 v3, v1;
	_ =	sdelay $0x1  }
0x66: {  	v1 =	vmul.f32 $5.000000000e-01, v1;
	_ =	sdelay $0x1  }
0x67: {  	(erf) = vrcp.f32 v1;
	_ =	sdelay $0x8  }
0x68: {  	v53 =	vpop (erf)  }
0x69: {  	v3 =	vmul.f32 v53, v2;
	_ =	sdelay $0x1  }
0x6a: {  	v1 =	vadd.f32 v3, v1;
	_ =	sdelay $0x1  }
0x6b: {  	v1 =	vmul.f32 $5.000000000e-01, v1;
	_ =	sdelay $0x1  }
0x6c: {  	(erf) = vrcp.f32 v1;
	_ =	sdelay $0x5  }
0x6d: {  	v54 =	vld [tilespmem:$0x10EA0];
	_ =	sdelay $0x2  }
0x6e: {  	v4 =	vpop (erf)  }
0x6f: {  	v2 =	vmul.f32 v4, v2  }
0x70: {  	v3 =	vadd.f32 $9.999999740e-06, v54  }
0x71: {  	v1 =	vadd.f32 v2, v1  }
0x72: {  	v55 =	vmul.f32 $0.0e+00, v3  }
0x73: {  	v1 =	vmul.f32 $5.000000000e-01, v1  }
0x74: {  	v2 =	vadd.f32 $1.000000000e+00, v55  }
0x75: {  	(erf) = vrcp.f32 v1  }
0x76: {  	(erf) = vrcp.f32 v2;
	_ =	sdelay $0x7  }
0x77: {  	v1 =	vpop (erf)  }
0x78: {  	v56 =	vpop (erf)  }
0x79: {  	v4 =	vmul.f32 v56, v3;
	_ =	sdelay $0x1  }
0x7a: {  	v2 =	vadd.f32 v4, v2;
	_ =	sdelay $0x1  }
0x7b: {  	v2 =	vmul.f32 $5.000000000e-01, v2;
	_ =	sdelay $0x1  }
0x7c: {  	(erf) = vrcp.f32 v2;
	_ =	sdelay $0x8  }
0x7d: {  	v57 =	vpop (erf)  }
0x7e: {  	v4 =	vmul.f32 v57, v3;
	_ =	sdelay $0x1  }
0x7f: {  	v2 =	vadd.f32 v4, v2;
	_ =	sdelay $0x1  }
0x80: {  	v2 =	vmul.f32 $5.000000000e-01, v2;
	_ =	sdelay $0x1  }
0x81: {  	(erf) = vrcp.f32 v2;
	_ =	sdelay $0x8  }
0x82: {  	v58 =	vpop (erf)  }
0x83: {  	v4 =	vmul.f32 v58, v3;
	_ =	sdelay $0x1  }
0x84: {  	v2 =	vadd.f32 v4, v2;
	_ =	sdelay $0x1  }
0x85: {  	v2 =	vmul.f32 $5.000000000e-01, v2;
	_ =	sdelay $0x1  }
0x86: {  	(erf) = vrcp.f32 v2;
	_ =	sdelay $0x8  }
0x87: {  	v59 =	vpop (erf)  }
0x88: {  	v4 =	vmul.f32 v59, v3;
	_ =	sdelay $0x1  }
0x89: {  	v2 =	vadd.f32 v4, v2;
	_ =	sdelay $0x1  }
0x8a: {  	v2 =	vmul.f32 $5.000000000e-01, v2;
	_ =	sdelay $0x1  }
0x8b: {  	(erf) = vrcp.f32 v2;
	_ =	sdelay $0x8  }
0x8c: {  	v60 =	vpop (erf)  }
0x8d: {  	v4 =	vmul.f32 v60, v3;
	_ =	sdelay $0x1  }
0x8e: {  	v2 =	vadd.f32 v4, v2;
	_ =	sdelay $0x1  }
0x8f: {  	v2 =	vmul.f32 $5.000000000e-01, v2;
	_ =	sdelay $0x1  }
0x90: {  	(erf) = vrcp.f32 v2;
	_ =	sdelay $0x5  }
0x91: {  	v61 =	vld [tilespmem:$0x10EB0];
	_ =	sdelay $0x2  }
0x92: {  	v5 =	vpop (erf)  }
0x93: {  	v3 =	vmul.f32 v5, v3  }
0x94: {  	v4 =	vadd.f32 $9.999999740e-06, v61  }
0x95: {  	v2 =	vadd.f32 v3, v2  }
0x96: {  	v62 =	vmul.f32 $0.0e+00, v4  }
0x97: {  	v2 =	vmul.f32 $5.000000000e-01, v2  }
0x98: {  	v3 =	vadd.f32 $1.000000000e+00, v62  }
0x99: {  	(erf) = vrcp.f32 v2  }
0x9a: {  	(erf) = vrcp.f32 v3;
	_ =	sdelay $0x7  }
0x9b: {  	v2 =	vpop (erf)  }
0x9c: {  	v63 =	vpop (erf)  }
0x9d: {  	v5 =	vmul.f32 v63, v4;
	_ =	sdelay $0x1  }
0x9e: {  	v3 =	vadd.f32 v5, v3;
	_ =	sdelay $0x1  }
0x9f: {  	v3 =	vmul.f32 $5.000000000e-01, v3;
	_ =	sdelay $0x1  }
0xa0: {  	(erf) = vrcp.f32 v3;
	_ =	sdelay $0x8  }
0xa1: {  	v8 =	vpop (erf)  }
0xa2: {  	v5 =	vmul.f32 v8, v4;
	_ =	sdelay $0x1  }
0xa3: {  	v3 =	vadd.f32 v5, v3;
	_ =	sdelay $0x1  }
0xa4: {  	v3 =	vmul.f32 $5.000000000e-01, v3;
	_ =	sdelay $0x1  }
0xa5: {  	(erf) = vrcp.f32 v3;
	_ =	sdelay $0x8  }
0xa6: {  	v9 =	vpop (erf)  }
0xa7: {  	v5 =	vmul.f32 v9, v4;
	_ =	sdelay $0x1  }
0xa8: {  	v3 =	vadd.f32 v5, v3;
	_ =	sdelay $0x1  }
0xa9: {  	v3 =	vmul.f32 $5.000000000e-01, v3;
	_ =	sdelay $0x1  }
0xaa: {  	(erf) = vrcp.f32 v3;
	_ =	sdelay $0x8  }
0xab: {  	v10 =	vpop (erf)  }
0xac: {  	v5 =	vmul.f32 v10, v4;
	_ =	sdelay $0x1  }
0xad: {  	v3 =	vadd.f32 v5, v3;
	_ =	sdelay $0x1  }
0xae: {  	v3 =	vmul.f32 $5.000000000e-01, v3;
	_ =	sdelay $0x1  }
0xaf: {  	(erf) = vrcp.f32 v3;
	_ =	sdelay $0x8  }
0xb0: {  	v11 =	vpop (erf)  }
0xb1: {  	v5 =	vmul.f32 v11, v4;
	_ =	sdelay $0x1  }
0xb2: {  	v3 =	vadd.f32 v5, v3;
	_ =	sdelay $0x1  }
0xb3: {  	v3 =	vmul.f32 $5.000000000e-01, v3;
	_ =	sdelay $0x1  }
0xb4: {  	(erf) = vrcp.f32 v3;
	_ =	sdelay $0x5  }
0xb5: {  	v12 =	vld [tilespmem:$0x10EC0];
	_ =	sdelay $0x2  }
0xb6: {  	v6 =	vpop (erf)  }
0xb7: {  	v4 =	vmul.f32 v6, v4  }
0xb8: {  	v5 =	vadd.f32 $9.999999740e-06, v12  }
0xb9: {  	v3 =	vadd.f32 v4, v3  }
0xba: {  	v13 =	vmul.f32 $0.0e+00, v5  }
0xbb: {  	v3 =	vmul.f32 $5.000000000e-01, v3  }
0xbc: {  	v4 =	vadd.f32 $1.000000000e+00, v13  }
0xbd: {  	(erf) = vrcp.f32 v3  }
0xbe: {  	(erf) = vrcp.f32 v4;
	_ =	sdelay $0x7  }
0xbf: {  	v3 =	vpop (erf)  }
0xc0: {  	v14 =	vpop (erf)  }
0xc1: {  	v6 =	vmul.f32 v14, v5;
	_ =	sdelay $0x1  }
0xc2: {  	v4 =	vadd.f32 v6, v4;
	_ =	sdelay $0x1  }
0xc3: {  	v4 =	vmul.f32 $5.000000000e-01, v4;
	_ =	sdelay $0x1  }
0xc4: {  	(erf) = vrcp.f32 v4;
	_ =	sdelay $0x8  }
0xc5: {  	v15 =	vpop (erf)  }
0xc6: {  	v6 =	vmul.f32 v15, v5;
	_ =	sdelay $0x1  }
0xc7: {  	v4 =	vadd.f32 v6, v4;
	_ =	sdelay $0x1  }
0xc8: {  	v4 =	vmul.f32 $5.000000000e-01, v4;
	_ =	sdelay $0x1  }
0xc9: {  	(erf) = vrcp.f32 v4;
	_ =	sdelay $0x8  }
0xca: {  	v16 =	vpop (erf)  }
0xcb: {  	v6 =	vmul.f32 v16, v5;
	_ =	sdelay $0x1  }
0xcc: {  	v4 =	vadd.f32 v6, v4;
	_ =	sdelay $0x1  }
0xcd: {  	v4 =	vmul.f32 $5.000000000e-01, v4;
	_ =	sdelay $0x1  }
0xce: {  	(erf) = vrcp.f32 v4;
	_ =	sdelay $0x8  }
0xcf: {  	v17 =	vpop (erf)  }
0xd0: {  	v6 =	vmul.f32 v17, v5;
	_ =	sdelay $0x1  }
0xd1: {  	v4 =	vadd.f32 v6, v4;
	_ =	sdelay $0x1  }
0xd2: {  	v4 =	vmul.f32 $5.000000000e-01, v4;
	_ =	sdelay $0x1  }
0xd3: {  	(erf) = vrcp.f32 v4;
	_ =	sdelay $0x8  }
0xd4: {  	v18 =	vpop (erf)  }
0xd5: {  	v6 =	vmul.f32 v18, v5;
	_ =	sdelay $0x1  }
0xd6: {  	v4 =	vadd.f32 v6, v4;
	_ =	sdelay $0x1  }
0xd7: {  	v4 =	vmul.f32 $5.000000000e-01, v4;
	_ =	sdelay $0x1  }
0xd8: {  	(erf) = vrcp.f32 v4;
	_ =	sdelay $0x5  }
0xd9: {  	v19 =	vld [tilespmem:$0x10ED0];
	_ =	sdelay $0x2  }
0xda: {  	v7 =	vpop (erf)  }
0xdb: {  	v5 =	vmul.f32 v7, v5  }
0xdc: {  	v6 =	vadd.f32 $9.999999740e-06, v19  }
0xdd: {  	v4 =	vadd.f32 v5, v4  }
0xde: {  	v20 =	vmul.f32 $0.0e+00, v6  }
0xdf: {  	v4 =	vmul.f32 $5.000000000e-01, v4  }
0xe0: {  	v5 =	vadd.f32 $1.000000000e+00, v20  }
0xe1: {  	(erf) = vrcp.f32 v4  }
0xe2: {  	(erf) = vrcp.f32 v5;
	_ =	sdelay $0x7  }
0xe3: {  	v4 =	vpop (erf)  }
0xe4: {  	v21 =	vpop (erf)  }
0xe5: {  	v7 =	vmul.f32 v21, v6;
	_ =	sdelay $0x1  }
0xe6: {  	v5 =	vadd.f32 v7, v5;
	_ =	sdelay $0x1  }
0xe7: {  	v5 =	vmul.f32 $5.000000000e-01, v5;
	_ =	sdelay $0x1  }
0xe8: {  	(erf) = vrcp.f32 v5;
	_ =	sdelay $0x8  }
0xe9: {  	v22 =	vpop (erf)  }
0xea: {  	v7 =	vmul.f32 v22, v6;
	_ =	sdelay $0x1  }
0xeb: {  	v5 =	vadd.f32 v7, v5;
	_ =	sdelay $0x1  }
0xec: {  	v5 =	vmul.f32 $5.000000000e-01, v5;
	_ =	sdelay $0x1  }
0xed: {  	(erf) = vrcp.f32 v5;
	_ =	sdelay $0x8  }
0xee: {  	v23 =	vpop (erf)  }
0xef: {  	v7 =	vmul.f32 v23, v6;
	_ =	sdelay $0x1  }
0xf0: {  	v5 =	vadd.f32 v7, v5;
	_ =	sdelay $0x1  }
0xf1: {  	v5 =	vmul.f32 $5.000000000e-01, v5;
	_ =	sdelay $0x1  }
0xf2: {  	(erf) = vrcp.f32 v5;
	_ =	sdelay $0x8  }
0xf3: {  	v24 =	vpop (erf)  }
0xf4: {  	v7 =	vmul.f32 v24, v6;
	_ =	sdelay $0x1  }
0xf5: {  	v5 =	vadd.f32 v7, v5;
	_ =	sdelay $0x1  }
0xf6: {  	v5 =	vmul.f32 $5.000000000e-01, v5;
	_ =	sdelay $0x1  }
0xf7: {  	(erf) = vrcp.f32 v5;
	_ =	sdelay $0x8  }
0xf8: {  	v25 =	vpop (erf)  }
0xf9: {  	v7 =	vmul.f32 v25, v6;
	_ =	sdelay $0x1  }
0xfa: {  	v5 =	vadd.f32 v7, v5;
	_ =	sdelay $0x1  }
0xfb: {  	v5 =	vmul.f32 $5.000000000e-01, v5;
	_ =	sdelay $0x1  }
0xfc: {  	(erf) = vrcp.f32 v5;
	_ =	sdelay $0x5  }
0xfd: {  	v26 =	vld [tilespmem:$0x10EE0];
	_ =	sdelay $0x2  }
0xfe: {  	v8 =	vpop (erf)  }
0xff: {  	v6 =	vmul.f32 v8, v6  }
0x100: {  	v7 =	vadd.f32 $9.999999740e-06, v26  }
0x101: {  	v5 =	vadd.f32 v6, v5  }
0x102: {  	v27 =	vmul.f32 $0.0e+00, v7  }
0x103: {  	v5 =	vmul.f32 $5.000000000e-01, v5  }
0x104: {  	v6 =	vadd.f32 $1.000000000e+00, v27  }
0x105: {  	(erf) = vrcp.f32 v5  }
0x106: {  	(erf) = vrcp.f32 v6;
	_ =	sdelay $0x7  }
0x107: {  	v5 =	vpop (erf)  }
0x108: {  	v28 =	vpop (erf)  }
0x109: {  	v8 =	vmul.f32 v28, v7;
	_ =	sdelay $0x1  }
0x10a: {  	v6 =	vadd.f32 v8, v6;
	_ =	sdelay $0x1  }
0x10b: {  	v6 =	vmul.f32 $5.000000000e-01, v6;
	_ =	sdelay $0x1  }
0x10c: {  	(erf) = vrcp.f32 v6;
	_ =	sdelay $0x8  }
0x10d: {  	v29 =	vpop (erf)  }
0x10e: {  	v8 =	vmul.f32 v29, v7;
	_ =	sdelay $0x1  }
0x10f: {  	v6 =	vadd.f32 v8, v6;
	_ =	sdelay $0x1  }
0x110: {  	v6 =	vmul.f32 $5.000000000e-01, v6;
	_ =	sdelay $0x1  }
0x111: {  	(erf) = vrcp.f32 v6;
	_ =	sdelay $0x8  }
0x112: {  	v30 =	vpop (erf)  }
0x113: {  	v8 =	vmul.f32 v30, v7;
	_ =	sdelay $0x1  }
0x114: {  	v6 =	vadd.f32 v8, v6;
	_ =	sdelay $0x1  }
0x115: {  	v6 =	vmul.f32 $5.000000000e-01, v6;
	_ =	sdelay $0x1  }
0x116: {  	(erf) = vrcp.f32 v6;
	_ =	sdelay $0x8  }
0x117: {  	v31 =	vpop (erf)  }
0x118: {  	v8 =	vmul.f32 v31, v7;
	_ =	sdelay $0x1  }
0x119: {  	v6 =	vadd.f32 v8, v6;
	_ =	sdelay $0x1  }
0x11a: {  	v6 =	vmul.f32 $5.000000000e-01, v6;
	_ =	sdelay $0x1  }
0x11b: {  	(erf) = vrcp.f32 v6;
	_ =	sdelay $0x8  }
0x11c: {  	v32 =	vpop (erf)  }
0x11d: {  	v8 =	vmul.f32 v32, v7;
	_ =	sdelay $0x1  }
0x11e: {  	v6 =	vadd.f32 v8, v6;
	_ =	sdelay $0x1  }
0x11f: {  	v6 =	vmul.f32 $5.000000000e-01, v6;
	_ =	sdelay $0x1  }
0x120: {  	(erf) = vrcp.f32 v6;
	_ =	sdelay $0x5  }
0x121: {  	v33 =	vld [tilespmem:$0x10EF0];
	_ =	sdelay $0x2  }
0x122: {  	v9 =	vpop (erf)  }
0x123: {  	v7 =	vmul.f32 v9, v7  }
0x124: {  	v8 =	vadd.f32 $9.999999740e-06, v33  }
0x125: {  	v6 =	vadd.f32 v7, v6  }
0x126: {  	v34 =	vmul.f32 $0.0e+00, v8  }
0x127: {  	v6 =	vmul.f32 $5.000000000e-01, v6  }
0x128: {  	v7 =	vadd.f32 $1.000000000e+00, v34  }
0x129: {  	(erf) = vrcp.f32 v6  }
0x12a: {  	(erf) = vrcp.f32 v7;
	_ =	sdelay $0x7  }
0x12b: {  	v6 =	vpop (erf)  }
0x12c: {  	v35 =	vpop (erf)  }
0x12d: {  	v9 =	vmul.f32 v35, v8;
	_ =	sdelay $0x1  }
0x12e: {  	v7 =	vadd.f32 v9, v7;
	_ =	sdelay $0x1  }
0x12f: {  	v7 =	vmul.f32 $5.000000000e-01, v7;
	_ =	sdelay $0x1  }
0x130: {  	(erf) = vrcp.f32 v7;
	_ =	sdelay $0x8  }
0x131: {  	v36 =	vpop (erf)  }
0x132: {  	v9 =	vmul.f32 v36, v8;
	_ =	sdelay $0x1  }
0x133: {  	v7 =	vadd.f32 v9, v7;
	_ =	sdelay $0x1  }
0x134: {  	v7 =	vmul.f32 $5.000000000e-01, v7;
	_ =	sdelay $0x1  }
0x135: {  	(erf) = vrcp.f32 v7;
	_ =	sdelay $0x8  }
0x136: {  	v37 =	vpop (erf)  }
0x137: {  	v9 =	vmul.f32 v37, v8;
	_ =	sdelay $0x1  }
0x138: {  	v7 =	vadd.f32 v9, v7;
	_ =	sdelay $0x1  }
0x139: {  	v7 =	vmul.f32 $5.000000000e-01, v7;
	_ =	sdelay $0x1  }
0x13a: {  	(erf) = vrcp.f32 v7;
	_ =	sdelay $0x8  }
0x13b: {  	v38 =	vpop (erf)  }
0x13c: {  	v9 =	vmul.f32 v38, v8;
	_ =	sdelay $0x1  }
0x13d: {  	v7 =	vadd.f32 v9, v7;
	_ =	sdelay $0x1  }
0x13e: {  	v7 =	vmul.f32 $5.000000000e-01, v7;
	_ =	sdelay $0x1  }
0x13f: {  	(erf) = vrcp.f32 v7;
	_ =	sdelay $0x8  }
0x140: {  	v39 =	vpop (erf)  }
0x141: {  	v9 =	vmul.f32 v39, v8;
	_ =	sdelay $0x1  }
0x142: {  	v7 =	vadd.f32 v9, v7;
	_ =	sdelay $0x1  }
0x143: {  	v7 =	vmul.f32 $5.000000000e-01, v7;
	_ =	sdelay $0x1  }
0x144: {  	v40 =	vld [tilespmem:$0x10880];
	(erf) = vrcp.f32 v7  }
0x145: {  	v41 =	vld [tilespmem:$0x10CB0]  }
0x146: {  	v42 =	vld [tilespmem:$0x108C0]  }
0x147: {  	v43 =	vld [tilespmem:$0x10F00]  }
0x148: {  	v44 =	vld [tilespmem:$0x10AC0]  }
0x149: {  	v45 =	vld [tilespmem:$0x108D0]  }
0x14a: {  	v10 =	vld [tilespmem:$0x10A80]  }
0x14b: {  	v11 =	vld [tilespmem:$0x10C80]  }
0x14c: {  	v12 =	vld [tilespmem:$0x10890]  }
0x14d: {  	v13 =	vld [tilespmem:$0x10A90];
	v19 =	vpop (erf)  }
0x14e: {  	v14 =	vld [tilespmem:$0x10C90];
	v8 =	vmul.f32 v19, v8  }
0x14f: {  	v15 =	vld [tilespmem:$0x108A0]  }
0x150: {  	v0 =	vmul.f32 v0, v40;
	v18 =	vld [tilespmem:$0x108B0];
	v7 =	vadd.f32 v8, v7  }
0x151: {  	v1 =	vmul.f32 v1, v12;
	v17 =	vld [tilespmem:$0x10CA0]  }
0x152: {  	v47 =	vld [tilespmem:$0x10AD0];
	v11 =	vmul.f32 v0, v11;
	v7 =	vmul.f32 $5.000000000e-01, v7  }
0x153: {  	v14 =	vmul.f32 v1, v14;
	v16 =	vld [tilespmem:$0x10AA0]  }
0x154: {  	v10 =	vsub.f32 v10, v11;
	v2 =	vmul.f32 v2, v15;
	v20 =	vld [tilespmem:$0x10AB0];
	(erf) = vrcp.f32 v7  }
0x155: {  	[tilespmem:$0x11080] =	vst v0;
	v46 =	vmul.f32 v3, v18;
	v21 =	vld [tilespmem:$0x10CC0]  }
0x156: {  	v50 =	vld [tilespmem:$0x10CD0];
	[tilespmem:$0x11280] =	vst v10;
	v48 =	vsub.f32 v13, v14;
	v49 =	vmul.f32 v2, v17;
	v8 =	vadd.f32 $9.999999740e-06, v43  }
0x157: {  	v52 =	vld [tilespmem:$0x108E0];
	[tilespmem:$0x11090] =	vst v1;
	v51 =	vmul.f32 v46, v41  }
0x158: {  	v54 =	vld [tilespmem:$0x10CE0];
	[tilespmem:$0x11290] =	vst v48;
	v53 =	vsub.f32 v16, v49;
	v4 =	vmul.f32 v4, v42;
	v55 =	vmul.f32 $0.0e+00, v8  }
0x159: {  	v57 =	vld [tilespmem:$0x108F0];
	[tilespmem:$0x110A0] =	vst v2;
	v56 =	vmul.f32 v5, v45  }
0x15a: {  	v59 =	vld [tilespmem:$0x10AE0];
	[tilespmem:$0x112A0] =	vst v53;
	v1 =	vsub.f32 v20, v51;
	v58 =	vmul.f32 v4, v21;
	v10 =	vadd.f32 $1.000000000e+00, v55  }
0x15b: {  	v61 =	vld [tilespmem:$0x10CF0];
	[tilespmem:$0x110B0] =	vst v46;
	v60 =	vmul.f32 v56, v50  }
0x15c: {  	[tilespmem:$0x112B0] =	vst v1;
	v62 =	vsub.f32 v44, v58;
	v6 =	vmul.f32 v6, v52;
	(erf) = vrcp.f32 v10  }
0x15d: {  	v12 =	vld [tilespmem:$0x10AF0];
	[tilespmem:$0x110C0] =	vst v4;
	v63 =	vpop (erf)  }
0x15e: {  	[tilespmem:$0x112C0] =	vst v62;
	v0 =	vsub.f32 v47, v60;
	v14 =	vmul.f32 v6, v54;
	v15 =	vmul.f32 v63, v57  }
0x15f: {  	[tilespmem:$0x110D0] =	vst v56  }
0x160: {  	[tilespmem:$0x112D0] =	vst v0;
	v16 =	vsub.f32 v59, v14;
	v17 =	vmul.f32 v15, v61  }
0x161: {  	[tilespmem:$0x110E0] =	vst v6  }
0x162: {  	[tilespmem:$0x112E0] =	vst v16;
	v18 =	vsub.f32 v12, v17  }
0x163: {  	[tilespmem:$0x110F0] =	vst v15  }
0x164: {  	[tilespmem:$0x112F0] =	vst v18  }
0x165: {  	v0 =	vpop (erf)  }
0x166: {  	v0 =	vmul.f32 v0, v8;
	_ =	sdelay $0x1  }
0x167: {  	v0 =	vadd.f32 v0, v10;
	_ =	sdelay $0x1  }
0x168: {  	v0 =	vmul.f32 $5.000000000e-01, v0;
	_ =	sdelay $0x1  }
0x169: {  	(erf) = vrcp.f32 v0;
	_ =	sdelay $0x8  }
0x16a: {  	v19 =	vpop (erf)  }
0x16b: {  	v1 =	vmul.f32 v19, v8;
	_ =	sdelay $0x1  }
0x16c: {  	v0 =	vadd.f32 v1, v0;
	_ =	sdelay $0x1  }
0x16d: {  	v0 =	vmul.f32 $5.000000000e-01, v0;
	_ =	sdelay $0x1  }
0x16e: {  	(erf) = vrcp.f32 v0;
	_ =	sdelay $0x8  }
0x16f: {  	v20 =	vpop (erf)  }
0x170: {  	v1 =	vmul.f32 v20, v8;
	_ =	sdelay $0x1  }
0x171: {  	v0 =	vadd.f32 v1, v0;
	_ =	sdelay $0x1  }
0x172: {  	v0 =	vmul.f32 $5.000000000e-01, v0;
	_ =	sdelay $0x1  }
0x173: {  	(erf) = vrcp.f32 v0;
	_ =	sdelay $0x8  }
0x174: {  	v21 =	vpop (erf)  }
0x175: {  	v1 =	vmul.f32 v21, v8;
	_ =	sdelay $0x1  }
0x176: {  	v0 =	vadd.f32 v1, v0;
	_ =	sdelay $0x1  }
0x177: {  	v0 =	vmul.f32 $5.000000000e-01, v0;
	_ =	sdelay $0x1  }
0x178: {  	(erf) = vrcp.f32 v0;
	_ =	sdelay $0x8  }
0x179: {  	v22 =	vpop (erf)  }
0x17a: {  	v1 =	vmul.f32 v22, v8;
	_ =	sdelay $0x1  }
0x17b: {  	v0 =	vadd.f32 v1, v0;
	_ =	sdelay $0x1  }
0x17c: {  	v0 =	vmul.f32 $5.000000000e-01, v0;
	_ =	sdelay $0x1  }
0x17d: {  	(erf) = vrcp.f32 v0;
	_ =	sdelay $0x5  }
0x17e: {  	v23 =	vld [tilespmem:$0x10F10];
	_ =	sdelay $0x2  }
0x17f: {  	v24 =	vpop (erf)  }
0x180: {  	v2 =	vmul.f32 v24, v8  }
0x181: {  	v1 =	vadd.f32 $9.999999740e-06, v23  }
0x182: {  	v0 =	vadd.f32 v2, v0  }
0x183: {  	v25 =	vmul.f32 $0.0e+00, v1  }
0x184: {  	v0 =	vmul.f32 $5.000000000e-01, v0  }
0x185: {  	v2 =	vadd.f32 $1.000000000e+00, v25  }
0x186: {  	(erf) = vrcp.f32 v0  }
0x187: {  	(erf) = vrcp.f32 v2;
	_ =	sdelay $0x7  }
0x188: {  	v0 =	vpop (erf)  }
0x189: {  	v26 =	vpop (erf)  }
0x18a: {  	v3 =	vmul.f32 v26, v1;
	_ =	sdelay $0x1  }
0x18b: {  	v2 =	vadd.f32 v3, v2;
	_ =	sdelay $0x1  }
0x18c: {  	v2 =	vmul.f32 $5.000000000e-01, v2;
	_ =	sdelay $0x1  }
0x18d: {  	(erf) = vrcp.f32 v2;
	_ =	sdelay $0x8  }
0x18e: {  	v27 =	vpop (erf)  }
0x18f: {  	v3 =	vmul.f32 v27, v1;
	_ =	sdelay $0x1  }
0x190: {  	v2 =	vadd.f32 v3, v2;
	_ =	sdelay $0x1  }
0x191: {  	v2 =	vmul.f32 $5.000000000e-01, v2;
	_ =	sdelay $0x1  }
0x192: {  	(erf) = vrcp.f32 v2;
	_ =	sdelay $0x8  }
0x193: {  	v28 =	vpop (erf)  }
0x194: {  	v3 =	vmul.f32 v28, v1;
	_ =	sdelay $0x1  }
0x195: {  	v2 =	vadd.f32 v3, v2;
	_ =	sdelay $0x1  }
0x196: {  	v2 =	vmul.f32 $5.000000000e-01, v2;
	_ =	sdelay $0x1  }
0x197: {  	(erf) = vrcp.f32 v2;
	_ =	sdelay $0x8  }
0x198: {  	v29 =	vpop (erf)  }
0x199: {  	v3 =	vmul.f32 v29, v1;
	_ =	sdelay $0x1  }
0x19a: {  	v2 =	vadd.f32 v3, v2;
	_ =	sdelay $0x1  }
0x19b: {  	v2 =	vmul.f32 $5.000000000e-01, v2;
	_ =	sdelay $0x1  }
0x19c: {  	(erf) = vrcp.f32 v2;
	_ =	sdelay $0x8  }
0x19d: {  	v30 =	vpop (erf)  }
0x19e: {  	v3 =	vmul.f32 v30, v1;
	_ =	sdelay $0x1  }
0x19f: {  	v2 =	vadd.f32 v3, v2;
	_ =	sdelay $0x1  }
0x1a0: {  	v2 =	vmul.f32 $5.000000000e-01, v2;
	_ =	sdelay $0x1  }
0x1a1: {  	(erf) = vrcp.f32 v2;
	_ =	sdelay $0x5  }
0x1a2: {  	v31 =	vld [tilespmem:$0x10F20];
	_ =	sdelay $0x2  }
0x1a3: {  	v32 =	vpop (erf)  }
0x1a4: {  	v1 =	vmul.f32 v32, v1  }
0x1a5: {  	v3 =	vadd.f32 $9.999999740e-06, v31  }
0x1a6: {  	v1 =	vadd.f32 v1, v2  }
0x1a7: {  	v33 =	vmul.f32 $0.0e+00, v3  }
0x1a8: {  	v1 =	vmul.f32 $5.000000000e-01, v1  }
0x1a9: {  	v2 =	vadd.f32 $1.000000000e+00, v33  }
0x1aa: {  	(erf) = vrcp.f32 v1  }
0x1ab: {  	(erf) = vrcp.f32 v2;
	_ =	sdelay $0x7  }
0x1ac: {  	v1 =	vpop (erf)  }
0x1ad: {  	v34 =	vpop (erf)  }
0x1ae: {  	v4 =	vmul.f32 v34, v3;
	_ =	sdelay $0x1  }
0x1af: {  	v2 =	vadd.f32 v4, v2;
	_ =	sdelay $0x1  }
0x1b0: {  	v2 =	vmul.f32 $5.000000000e-01, v2;
	_ =	sdelay $0x1  }
0x1b1: {  	(erf) = vrcp.f32 v2;
	_ =	sdelay $0x8  }
0x1b2: {  	v35 =	vpop (erf)  }
0x1b3: {  	v4 =	vmul.f32 v35, v3;
	_ =	sdelay $0x1  }
0x1b4: {  	v2 =	vadd.f32 v4, v2;
	_ =	sdelay $0x1  }
0x1b5: {  	v2 =	vmul.f32 $5.000000000e-01, v2;
	_ =	sdelay $0x1  }
0x1b6: {  	(erf) = vrcp.f32 v2;
	_ =	sdelay $0x8  }
0x1b7: {  	v36 =	vpop (erf)  }
0x1b8: {  	v4 =	vmul.f32 v36, v3;
	_ =	sdelay $0x1  }
0x1b9: {  	v2 =	vadd.f32 v4, v2;
	_ =	sdelay $0x1  }
0x1ba: {  	v2 =	vmul.f32 $5.000000000e-01, v2;
	_ =	sdelay $0x1  }
0x1bb: {  	(erf) = vrcp.f32 v2;
	_ =	sdelay $0x8  }
0x1bc: {  	v37 =	vpop (erf)  }
0x1bd: {  	v4 =	vmul.f32 v37, v3;
	_ =	sdelay $0x1  }
0x1be: {  	v2 =	vadd.f32 v4, v2;
	_ =	sdelay $0x1  }
0x1bf: {  	v2 =	vmul.f32 $5.000000000e-01, v2;
	_ =	sdelay $0x1  }
0x1c0: {  	(erf) = vrcp.f32 v2;
	_ =	sdelay $0x8  }
0x1c1: {  	v38 =	vpop (erf)  }
0x1c2: {  	v4 =	vmul.f32 v38, v3;
	_ =	sdelay $0x1  }
0x1c3: {  	v2 =	vadd.f32 v4, v2;
	_ =	sdelay $0x1  }
0x1c4: {  	v2 =	vmul.f32 $5.000000000e-01, v2;
	_ =	sdelay $0x1  }
0x1c5: {  	(erf) = vrcp.f32 v2;
	_ =	sdelay $0x5  }
0x1c6: {  	v39 =	vld [tilespmem:$0x10F30];
	_ =	sdelay $0x2  }
0x1c7: {  	v40 =	vpop (erf)  }
0x1c8: {  	v3 =	vmul.f32 v40, v3  }
0x1c9: {  	v4 =	vadd.f32 $9.999999740e-06, v39  }
0x1ca: {  	v2 =	vadd.f32 v3, v2  }
0x1cb: {  	v41 =	vmul.f32 $0.0e+00, v4  }
0x1cc: {  	v2 =	vmul.f32 $5.000000000e-01, v2  }
0x1cd: {  	v3 =	vadd.f32 $1.000000000e+00, v41  }
0x1ce: {  	(erf) = vrcp.f32 v2  }
0x1cf: {  	(erf) = vrcp.f32 v3;
	_ =	sdelay $0x7  }
0x1d0: {  	v2 =	vpop (erf)  }
0x1d1: {  	v42 =	vpop (erf)  }
0x1d2: {  	v5 =	vmul.f32 v42, v4;
	_ =	sdelay $0x1  }
0x1d3: {  	v3 =	vadd.f32 v5, v3;
	_ =	sdelay $0x1  }
0x1d4: {  	v3 =	vmul.f32 $5.000000000e-01, v3;
	_ =	sdelay $0x1  }
0x1d5: {  	(erf) = vrcp.f32 v3;
	_ =	sdelay $0x8  }
0x1d6: {  	v43 =	vpop (erf)  }
0x1d7: {  	v5 =	vmul.f32 v43, v4;
	_ =	sdelay $0x1  }
0x1d8: {  	v3 =	vadd.f32 v5, v3;
	_ =	sdelay $0x1  }
0x1d9: {  	v3 =	vmul.f32 $5.000000000e-01, v3;
	_ =	sdelay $0x1  }
0x1da: {  	(erf) = vrcp.f32 v3;
	_ =	sdelay $0x8  }
0x1db: {  	v44 =	vpop (erf)  }
0x1dc: {  	v5 =	vmul.f32 v44, v4;
	_ =	sdelay $0x1  }
0x1dd: {  	v3 =	vadd.f32 v5, v3;
	_ =	sdelay $0x1  }
0x1de: {  	v3 =	vmul.f32 $5.000000000e-01, v3;
	_ =	sdelay $0x1  }
0x1df: {  	(erf) = vrcp.f32 v3;
	_ =	sdelay $0x8  }
0x1e0: {  	v45 =	vpop (erf)  }
0x1e1: {  	v5 =	vmul.f32 v45, v4;
	_ =	sdelay $0x1  }
0x1e2: {  	v3 =	vadd.f32 v5, v3;
	_ =	sdelay $0x1  }
0x1e3: {  	v3 =	vmul.f32 $5.000000000e-01, v3;
	_ =	sdelay $0x1  }
0x1e4: {  	(erf) = vrcp.f32 v3;
	_ =	sdelay $0x8  }
0x1e5: {  	v46 =	vpop (erf)  }
0x1e6: {  	v5 =	vmul.f32 v46, v4;
	_ =	sdelay $0x1  }
0x1e7: {  	v3 =	vadd.f32 v5, v3;
	_ =	sdelay $0x1  }
0x1e8: {  	v3 =	vmul.f32 $5.000000000e-01, v3;
	_ =	sdelay $0x1  }
0x1e9: {  	(erf) = vrcp.f32 v3;
	_ =	sdelay $0x5  }
0x1ea: {  	v47 =	vld [tilespmem:$0x10F40];
	_ =	sdelay $0x2  }
0x1eb: {  	v48 =	vpop (erf)  }
0x1ec: {  	v4 =	vmul.f32 v48, v4  }
0x1ed: {  	v5 =	vadd.f32 $9.999999740e-06, v47  }
0x1ee: {  	v3 =	vadd.f32 v4, v3  }
0x1ef: {  	v49 =	vmul.f32 $0.0e+00, v5  }
0x1f0: {  	v3 =	vmul.f32 $5.000000000e-01, v3  }
0x1f1: {  	v4 =	vadd.f32 $1.000000000e+00, v49  }
0x1f2: {  	(erf) = vrcp.f32 v3  }
0x1f3: {  	(erf) = vrcp.f32 v4;
	_ =	sdelay $0x7  }
0x1f4: {  	v3 =	vpop (erf)  }
0x1f5: {  	v50 =	vpop (erf)  }
0x1f6: {  	v6 =	vmul.f32 v50, v5;
	_ =	sdelay $0x1  }
0x1f7: {  	v4 =	vadd.f32 v6, v4;
	_ =	sdelay $0x1  }
0x1f8: {  	v4 =	vmul.f32 $5.000000000e-01, v4;
	_ =	sdelay $0x1  }
0x1f9: {  	(erf) = vrcp.f32 v4;
	_ =	sdelay $0x8  }
0x1fa: {  	v51 =	vpop (erf)  }
0x1fb: {  	v6 =	vmul.f32 v51, v5;
	_ =	sdelay $0x1  }
0x1fc: {  	v4 =	vadd.f32 v6, v4;
	_ =	sdelay $0x1  }
0x1fd: {  	v4 =	vmul.f32 $5.000000000e-01, v4;
	_ =	sdelay $0x1  }
0x1fe: {  	(erf) = vrcp.f32 v4;
	_ =	sdelay $0x8  }
0x1ff: {  	v52 =	vpop (erf)  }
0x200: {  	v6 =	vmul.f32 v52, v5;
	_ =	sdelay $0x1  }
0x201: {  	v4 =	vadd.f32 v6, v4;
	_ =	sdelay $0x1  }
0x202: {  	v4 =	vmul.f32 $5.000000000e-01, v4;
	_ =	sdelay $0x1  }
0x203: {  	(erf) = vrcp.f32 v4;
	_ =	sdelay $0x8  }
0x204: {  	v53 =	vpop (erf)  }
0x205: {  	v6 =	vmul.f32 v53, v5;
	_ =	sdelay $0x1  }
0x206: {  	v4 =	vadd.f32 v6, v4;
	_ =	sdelay $0x1  }
0x207: {  	v4 =	vmul.f32 $5.000000000e-01, v4;
	_ =	sdelay $0x1  }
0x208: {  	(erf) = vrcp.f32 v4;
	_ =	sdelay $0x8  }
0x209: {  	v54 =	vpop (erf)  }
0x20a: {  	v6 =	vmul.f32 v54, v5;
	_ =	sdelay $0x1  }
0x20b: {  	v4 =	vadd.f32 v6, v4;
	_ =	sdelay $0x1  }
0x20c: {  	v4 =	vmul.f32 $5.000000000e-01, v4;
	_ =	sdelay $0x1  }
0x20d: {  	(erf) = vrcp.f32 v4;
	_ =	sdelay $0x5  }
0x20e: {  	v55 =	vld [tilespmem:$0x10F50];
	_ =	sdelay $0x2  }
0x20f: {  	v56 =	vpop (erf)  }
0x210: {  	v5 =	vmul.f32 v56, v5  }
0x211: {  	v6 =	vadd.f32 $9.999999740e-06, v55  }
0x212: {  	v4 =	vadd.f32 v5, v4  }
0x213: {  	v57 =	vmul.f32 $0.0e+00, v6  }
0x214: {  	v4 =	vmul.f32 $5.000000000e-01, v4  }
0x215: {  	v5 =	vadd.f32 $1.000000000e+00, v57  }
0x216: {  	(erf) = vrcp.f32 v4  }
0x217: {  	(erf) = vrcp.f32 v5;
	_ =	sdelay $0x7  }
0x218: {  	v4 =	vpop (erf)  }
0x219: {  	v58 =	vpop (erf)  }
0x21a: {  	v7 =	vmul.f32 v58, v6;
	_ =	sdelay $0x1  }
0x21b: {  	v5 =	vadd.f32 v7, v5;
	_ =	sdelay $0x1  }
0x21c: {  	v5 =	vmul.f32 $5.000000000e-01, v5;
	_ =	sdelay $0x1  }
0x21d: {  	(erf) = vrcp.f32 v5;
	_ =	sdelay $0x8  }
0x21e: {  	v59 =	vpop (erf)  }
0x21f: {  	v7 =	vmul.f32 v59, v6;
	_ =	sdelay $0x1  }
0x220: {  	v5 =	vadd.f32 v7, v5;
	_ =	sdelay $0x1  }
0x221: {  	v5 =	vmul.f32 $5.000000000e-01, v5;
	_ =	sdelay $0x1  }
0x222: {  	(erf) = vrcp.f32 v5;
	_ =	sdelay $0x8  }
0x223: {  	v60 =	vpop (erf)  }
0x224: {  	v7 =	vmul.f32 v60, v6;
	_ =	sdelay $0x1  }
0x225: {  	v5 =	vadd.f32 v7, v5;
	_ =	sdelay $0x1  }
0x226: {  	v5 =	vmul.f32 $5.000000000e-01, v5;
	_ =	sdelay $0x1  }
0x227: {  	(erf) = vrcp.f32 v5;
	_ =	sdelay $0x8  }
0x228: {  	v61 =	vpop (erf)  }
0x229: {  	v7 =	vmul.f32 v61, v6;
	_ =	sdelay $0x1  }
0x22a: {  	v5 =	vadd.f32 v7, v5;
	_ =	sdelay $0x1  }
0x22b: {  	v5 =	vmul.f32 $5.000000000e-01, v5;
	_ =	sdelay $0x1  }
0x22c: {  	(erf) = vrcp.f32 v5;
	_ =	sdelay $0x8  }
0x22d: {  	v62 =	vpop (erf)  }
0x22e: {  	v7 =	vmul.f32 v62, v6;
	_ =	sdelay $0x1  }
0x22f: {  	v5 =	vadd.f32 v7, v5;
	_ =	sdelay $0x1  }
0x230: {  	v5 =	vmul.f32 $5.000000000e-01, v5;
	_ =	sdelay $0x1  }
0x231: {  	(erf) = vrcp.f32 v5;
	_ =	sdelay $0x5  }
0x232: {  	v63 =	vld [tilespmem:$0x10F60];
	_ =	sdelay $0x2  }
0x233: {  	v12 =	vpop (erf)  }
0x234: {  	v6 =	vmul.f32 v12, v6  }
0x235: {  	v7 =	vadd.f32 $9.999999740e-06, v63  }
0x236: {  	v5 =	vadd.f32 v6, v5  }
0x237: {  	v13 =	vmul.f32 $0.0e+00, v7  }
0x238: {  	v5 =	vmul.f32 $5.000000000e-01, v5  }
0x239: {  	v6 =	vadd.f32 $1.000000000e+00, v13  }
0x23a: {  	(erf) = vrcp.f32 v5  }
0x23b: {  	(erf) = vrcp.f32 v6;
	_ =	sdelay $0x7  }
0x23c: {  	v5 =	vpop (erf)  }
0x23d: {  	v14 =	vpop (erf)  }
0x23e: {  	v8 =	vmul.f32 v14, v7;
	_ =	sdelay $0x1  }
0x23f: {  	v6 =	vadd.f32 v8, v6;
	_ =	sdelay $0x1  }
0x240: {  	v6 =	vmul.f32 $5.000000000e-01, v6;
	_ =	sdelay $0x1  }
0x241: {  	(erf) = vrcp.f32 v6;
	_ =	sdelay $0x8  }
0x242: {  	v15 =	vpop (erf)  }
0x243: {  	v8 =	vmul.f32 v15, v7;
	_ =	sdelay $0x1  }
0x244: {  	v6 =	vadd.f32 v8, v6;
	_ =	sdelay $0x1  }
0x245: {  	v6 =	vmul.f32 $5.000000000e-01, v6;
	_ =	sdelay $0x1  }
0x246: {  	(erf) = vrcp.f32 v6;
	_ =	sdelay $0x8  }
0x247: {  	v16 =	vpop (erf)  }
0x248: {  	v8 =	vmul.f32 v16, v7;
	_ =	sdelay $0x1  }
0x249: {  	v6 =	vadd.f32 v8, v6;
	_ =	sdelay $0x1  }
0x24a: {  	v6 =	vmul.f32 $5.000000000e-01, v6;
	_ =	sdelay $0x1  }
0x24b: {  	(erf) = vrcp.f32 v6;
	_ =	sdelay $0x8  }
0x24c: {  	v17 =	vpop (erf)  }
0x24d: {  	v8 =	vmul.f32 v17, v7;
	_ =	sdelay $0x1  }
0x24e: {  	v6 =	vadd.f32 v8, v6;
	_ =	sdelay $0x1  }
0x24f: {  	v6 =	vmul.f32 $5.000000000e-01, v6;
	_ =	sdelay $0x1  }
0x250: {  	(erf) = vrcp.f32 v6;
	_ =	sdelay $0x8  }
0x251: {  	v18 =	vpop (erf)  }
0x252: {  	v8 =	vmul.f32 v18, v7;
	_ =	sdelay $0x1  }
0x253: {  	v6 =	vadd.f32 v8, v6;
	_ =	sdelay $0x1  }
0x254: {  	v6 =	vmul.f32 $5.000000000e-01, v6;
	_ =	sdelay $0x1  }
0x255: {  	(erf) = vrcp.f32 v6;
	_ =	sdelay $0x5  }
0x256: {  	v19 =	vld [tilespmem:$0x10F70];
	_ =	sdelay $0x2  }
0x257: {  	v20 =	vpop (erf)  }
0x258: {  	v7 =	vmul.f32 v20, v7  }
0x259: {  	v8 =	vadd.f32 $9.999999740e-06, v19  }
0x25a: {  	v6 =	vadd.f32 v7, v6  }
0x25b: {  	v21 =	vmul.f32 $0.0e+00, v8  }
0x25c: {  	v6 =	vmul.f32 $5.000000000e-01, v6  }
0x25d: {  	v7 =	vadd.f32 $1.000000000e+00, v21  }
0x25e: {  	(erf) = vrcp.f32 v6  }
0x25f: {  	(erf) = vrcp.f32 v7;
	_ =	sdelay $0x7  }
0x260: {  	v6 =	vpop (erf)  }
0x261: {  	v22 =	vpop (erf)  }
0x262: {  	v9 =	vmul.f32 v22, v8;
	_ =	sdelay $0x1  }
0x263: {  	v7 =	vadd.f32 v9, v7;
	_ =	sdelay $0x1  }
0x264: {  	v7 =	vmul.f32 $5.000000000e-01, v7;
	_ =	sdelay $0x1  }
0x265: {  	(erf) = vrcp.f32 v7;
	_ =	sdelay $0x8  }
0x266: {  	v23 =	vpop (erf)  }
0x267: {  	v9 =	vmul.f32 v23, v8;
	_ =	sdelay $0x1  }
0x268: {  	v7 =	vadd.f32 v9, v7;
	_ =	sdelay $0x1  }
0x269: {  	v7 =	vmul.f32 $5.000000000e-01, v7;
	_ =	sdelay $0x1  }
0x26a: {  	(erf) = vrcp.f32 v7;
	_ =	sdelay $0x8  }
0x26b: {  	v24 =	vpop (erf)  }
0x26c: {  	v9 =	vmul.f32 v24, v8;
	_ =	sdelay $0x1  }
0x26d: {  	v7 =	vadd.f32 v9, v7;
	_ =	sdelay $0x1  }
0x26e: {  	v7 =	vmul.f32 $5.000000000e-01, v7;
	_ =	sdelay $0x1  }
0x26f: {  	(erf) = vrcp.f32 v7;
	_ =	sdelay $0x8  }
0x270: {  	v25 =	vpop (erf)  }
0x271: {  	v9 =	vmul.f32 v25, v8;
	_ =	sdelay $0x1  }
0x272: {  	v7 =	vadd.f32 v9, v7;
	_ =	sdelay $0x1  }
0x273: {  	v7 =	vmul.f32 $5.000000000e-01, v7;
	_ =	sdelay $0x1  }
0x274: {  	(erf) = vrcp.f32 v7;
	_ =	sdelay $0x8  }
0x275: {  	v26 =	vpop (erf)  }
0x276: {  	v9 =	vmul.f32 v26, v8;
	_ =	sdelay $0x1  }
0x277: {  	v7 =	vadd.f32 v9, v7;
	_ =	sdelay $0x1  }
0x278: {  	v7 =	vmul.f32 $5.000000000e-01, v7;
	_ =	sdelay $0x1  }
0x279: {  	(erf) = vrcp.f32 v7;
	_ =	sdelay $0x5  }
0x27a: {  	v27 =	vld [tilespmem:$0x10F80];
	_ =	sdelay $0x2  }
0x27b: {  	v28 =	vpop (erf)  }
0x27c: {  	v8 =	vmul.f32 v28, v8  }
0x27d: {  	v9 =	vadd.f32 $9.999999740e-06, v27  }
0x27e: {  	v7 =	vadd.f32 v8, v7  }
0x27f: {  	v29 =	vmul.f32 $0.0e+00, v9  }
0x280: {  	v7 =	vmul.f32 $5.000000000e-01, v7  }
0x281: {  	v8 =	vadd.f32 $1.000000000e+00, v29  }
0x282: {  	(erf) = vrcp.f32 v7  }
0x283: {  	(erf) = vrcp.f32 v8;
	_ =	sdelay $0x7  }
0x284: {  	v7 =	vpop (erf)  }
0x285: {  	v30 =	vpop (erf)  }
0x286: {  	v10 =	vmul.f32 v30, v9;
	_ =	sdelay $0x1  }
0x287: {  	v8 =	vadd.f32 v10, v8;
	_ =	sdelay $0x1  }
0x288: {  	v8 =	vmul.f32 $5.000000000e-01, v8;
	_ =	sdelay $0x1  }
0x289: {  	(erf) = vrcp.f32 v8;
	_ =	sdelay $0x8  }
0x28a: {  	v31 =	vpop (erf)  }
0x28b: {  	v10 =	vmul.f32 v31, v9;
	_ =	sdelay $0x1  }
0x28c: {  	v8 =	vadd.f32 v10, v8;
	_ =	sdelay $0x1  }
0x28d: {  	v8 =	vmul.f32 $5.000000000e-01, v8;
	_ =	sdelay $0x1  }
0x28e: {  	(erf) = vrcp.f32 v8;
	_ =	sdelay $0x8  }
0x28f: {  	v32 =	vpop (erf)  }
0x290: {  	v10 =	vmul.f32 v32, v9;
	_ =	sdelay $0x1  }
0x291: {  	v8 =	vadd.f32 v10, v8;
	_ =	sdelay $0x1  }
0x292: {  	v8 =	vmul.f32 $5.000000000e-01, v8;
	_ =	sdelay $0x1  }
0x293: {  	(erf) = vrcp.f32 v8;
	_ =	sdelay $0x8  }
0x294: {  	v33 =	vpop (erf)  }
0x295: {  	v10 =	vmul.f32 v33, v9;
	_ =	sdelay $0x1  }
0x296: {  	v8 =	vadd.f32 v10, v8;
	_ =	sdelay $0x1  }
0x297: {  	v8 =	vmul.f32 $5.000000000e-01, v8;
	_ =	sdelay $0x1  }
0x298: {  	(erf) = vrcp.f32 v8;
	_ =	sdelay $0x8  }
0x299: {  	v34 =	vpop (erf)  }
0x29a: {  	v10 =	vmul.f32 v34, v9;
	_ =	sdelay $0x1  }
0x29b: {  	v8 =	vadd.f32 v10, v8;
	_ =	sdelay $0x1  }
0x29c: {  	v8 =	vmul.f32 $5.000000000e-01, v8;
	_ =	sdelay $0x1  }
0x29d: {  	(erf) = vrcp.f32 v8;
	_ =	sdelay $0x5  }
0x29e: {  	v35 =	vld [tilespmem:$0x10F90];
	_ =	sdelay $0x2  }
0x29f: {  	v36 =	vpop (erf)  }
0x2a0: {  	v9 =	vmul.f32 v36, v9  }
0x2a1: {  	v10 =	vadd.f32 $9.999999740e-06, v35  }
0x2a2: {  	v8 =	vadd.f32 v9, v8  }
0x2a3: {  	v37 =	vmul.f32 $0.0e+00, v10  }
0x2a4: {  	v8 =	vmul.f32 $5.000000000e-01, v8  }
0x2a5: {  	v9 =	vadd.f32 $1.000000000e+00, v37  }
0x2a6: {  	(erf) = vrcp.f32 v8  }
0x2a7: {  	(erf) = vrcp.f32 v9;
	_ =	sdelay $0x7  }
0x2a8: {  	v8 =	vpop (erf)  }
0x2a9: {  	v38 =	vpop (erf)  }
0x2aa: {  	v11 =	vmul.f32 v38, v10;
	_ =	sdelay $0x1  }
0x2ab: {  	v9 =	vadd.f32 v11, v9;
	_ =	sdelay $0x1  }
0x2ac: {  	v9 =	vmul.f32 $5.000000000e-01, v9;
	_ =	sdelay $0x1  }
0x2ad: {  	(erf) = vrcp.f32 v9;
	_ =	sdelay $0x8  }
0x2ae: {  	v39 =	vpop (erf)  }
0x2af: {  	v11 =	vmul.f32 v39, v10;
	_ =	sdelay $0x1  }
0x2b0: {  	v9 =	vadd.f32 v11, v9;
	_ =	sdelay $0x1  }
0x2b1: {  	v9 =	vmul.f32 $5.000000000e-01, v9;
	_ =	sdelay $0x1  }
0x2b2: {  	(erf) = vrcp.f32 v9;
	_ =	sdelay $0x8  }
0x2b3: {  	v40 =	vpop (erf)  }
0x2b4: {  	v11 =	vmul.f32 v40, v10;
	_ =	sdelay $0x1  }
0x2b5: {  	v9 =	vadd.f32 v11, v9;
	_ =	sdelay $0x1  }
0x2b6: {  	v9 =	vmul.f32 $5.000000000e-01, v9;
	_ =	sdelay $0x1  }
0x2b7: {  	(erf) = vrcp.f32 v9;
	_ =	sdelay $0x8  }
0x2b8: {  	v41 =	vpop (erf)  }
0x2b9: {  	v11 =	vmul.f32 v41, v10;
	_ =	sdelay $0x1  }
0x2ba: {  	v9 =	vadd.f32 v11, v9;
	_ =	sdelay $0x1  }
0x2bb: {  	v9 =	vmul.f32 $5.000000000e-01, v9;
	_ =	sdelay $0x1  }
0x2bc: {  	(erf) = vrcp.f32 v9;
	_ =	sdelay $0x8  }
0x2bd: {  	v42 =	vpop (erf)  }
0x2be: {  	v11 =	vmul.f32 v42, v10;
	_ =	sdelay $0x1  }
0x2bf: {  	v9 =	vadd.f32 v11, v9;
	_ =	sdelay $0x1  }
0x2c0: {  	v9 =	vmul.f32 $5.000000000e-01, v9;
	_ =	sdelay $0x1  }
0x2c1: {  	(erf) = vrcp.f32 v9;
	_ =	sdelay $0x5  }
0x2c2: {  	v43 =	vld [tilespmem:$0x10FA0];
	_ =	sdelay $0x2  }
0x2c3: {  	v44 =	vpop (erf)  }
0x2c4: {  	v10 =	vmul.f32 v44, v10  }
0x2c5: {  	v11 =	vadd.f32 $9.999999740e-06, v43  }
0x2c6: {  	v9 =	vadd.f32 v10, v9  }
0x2c7: {  	v45 =	vmul.f32 $0.0e+00, v11  }
0x2c8: {  	v9 =	vmul.f32 $5.000000000e-01, v9  }
0x2c9: {  	v10 =	vadd.f32 $1.000000000e+00, v45  }
0x2ca: {  	(erf) = vrcp.f32 v9  }
0x2cb: {  	(erf) = vrcp.f32 v10;
	_ =	sdelay $0x7  }
0x2cc: {  	v9 =	vpop (erf)  }
0x2cd: {  	v46 =	vpop (erf)  }
0x2ce: {  	v12 =	vmul.f32 v46, v11;
	_ =	sdelay $0x1  }
0x2cf: {  	v10 =	vadd.f32 v12, v10;
	_ =	sdelay $0x1  }
0x2d0: {  	v10 =	vmul.f32 $5.000000000e-01, v10;
	_ =	sdelay $0x1  }
0x2d1: {  	(erf) = vrcp.f32 v10;
	_ =	sdelay $0x8  }
0x2d2: {  	v47 =	vpop (erf)  }
0x2d3: {  	v12 =	vmul.f32 v47, v11;
	_ =	sdelay $0x1  }
0x2d4: {  	v10 =	vadd.f32 v12, v10;
	_ =	sdelay $0x1  }
0x2d5: {  	v10 =	vmul.f32 $5.000000000e-01, v10;
	_ =	sdelay $0x1  }
0x2d6: {  	(erf) = vrcp.f32 v10;
	_ =	sdelay $0x8  }
0x2d7: {  	v48 =	vpop (erf)  }
0x2d8: {  	v12 =	vmul.f32 v48, v11;
	_ =	sdelay $0x1  }
0x2d9: {  	v10 =	vadd.f32 v12, v10;
	_ =	sdelay $0x1  }
0x2da: {  	v10 =	vmul.f32 $5.000000000e-01, v10;
	_ =	sdelay $0x1  }
0x2db: {  	(erf) = vrcp.f32 v10;
	_ =	sdelay $0x8  }
0x2dc: {  	v49 =	vpop (erf)  }
0x2dd: {  	v12 =	vmul.f32 v49, v11;
	_ =	sdelay $0x1  }
0x2de: {  	v10 =	vadd.f32 v12, v10;
	_ =	sdelay $0x1  }
0x2df: {  	v10 =	vmul.f32 $5.000000000e-01, v10;
	_ =	sdelay $0x1  }
0x2e0: {  	(erf) = vrcp.f32 v10;
	_ =	sdelay $0x8  }
0x2e1: {  	v50 =	vpop (erf)  }
0x2e2: {  	v12 =	vmul.f32 v50, v11;
	_ =	sdelay $0x1  }
0x2e3: {  	v10 =	vadd.f32 v12, v10;
	_ =	sdelay $0x1  }
0x2e4: {  	v10 =	vmul.f32 $5.000000000e-01, v10;
	_ =	sdelay $0x1  }
0x2e5: {  	(erf) = vrcp.f32 v10;
	_ =	sdelay $0x5  }
0x2e6: {  	v51 =	vld [tilespmem:$0x10FB0];
	_ =	sdelay $0x2  }
0x2e7: {  	v52 =	vpop (erf)  }
0x2e8: {  	v11 =	vmul.f32 v52, v11  }
0x2e9: {  	v12 =	vadd.f32 $9.999999740e-06, v51  }
0x2ea: {  	v10 =	vadd.f32 v11, v10  }
0x2eb: {  	v53 =	vmul.f32 $0.0e+00, v12  }
0x2ec: {  	v10 =	vmul.f32 $5.000000000e-01, v10  }
0x2ed: {  	v11 =	vadd.f32 $1.000000000e+00, v53  }
0x2ee: {  	(erf) = vrcp.f32 v10  }
0x2ef: {  	(erf) = vrcp.f32 v11;
	_ =	sdelay $0x7  }
0x2f0: {  	v10 =	vpop (erf)  }
0x2f1: {  	v54 =	vpop (erf)  }
0x2f2: {  	v13 =	vmul.f32 v54, v12;
	_ =	sdelay $0x1  }
0x2f3: {  	v11 =	vadd.f32 v13, v11;
	_ =	sdelay $0x1  }
0x2f4: {  	v11 =	vmul.f32 $5.000000000e-01, v11;
	_ =	sdelay $0x1  }
0x2f5: {  	(erf) = vrcp.f32 v11;
	_ =	sdelay $0x8  }
0x2f6: {  	v55 =	vpop (erf)  }
0x2f7: {  	v13 =	vmul.f32 v55, v12;
	_ =	sdelay $0x1  }
0x2f8: {  	v11 =	vadd.f32 v13, v11;
	_ =	sdelay $0x1  }
0x2f9: {  	v11 =	vmul.f32 $5.000000000e-01, v11;
	_ =	sdelay $0x1  }
0x2fa: {  	(erf) = vrcp.f32 v11;
	_ =	sdelay $0x8  }
0x2fb: {  	v56 =	vpop (erf)  }
0x2fc: {  	v13 =	vmul.f32 v56, v12;
	_ =	sdelay $0x1  }
0x2fd: {  	v11 =	vadd.f32 v13, v11;
	_ =	sdelay $0x1  }
0x2fe: {  	v11 =	vmul.f32 $5.000000000e-01, v11;
	_ =	sdelay $0x1  }
0x2ff: {  	(erf) = vrcp.f32 v11;
	_ =	sdelay $0x8  }
0x300: {  	v57 =	vpop (erf)  }
0x301: {  	v13 =	vmul.f32 v57, v12;
	_ =	sdelay $0x1  }
0x302: {  	v11 =	vadd.f32 v13, v11;
	_ =	sdelay $0x1  }
0x303: {  	v11 =	vmul.f32 $5.000000000e-01, v11;
	_ =	sdelay $0x1  }
0x304: {  	(erf) = vrcp.f32 v11;
	_ =	sdelay $0x8  }
0x305: {  	v58 =	vpop (erf)  }
0x306: {  	v13 =	vmul.f32 v58, v12;
	_ =	sdelay $0x1  }
0x307: {  	v11 =	vadd.f32 v13, v11;
	_ =	sdelay $0x1  }
0x308: {  	v11 =	vmul.f32 $5.000000000e-01, v11;
	_ =	sdelay $0x1  }
0x309: {  	(erf) = vrcp.f32 v11;
	_ =	sdelay $0x5  }
0x30a: {  	v59 =	vld [tilespmem:$0x10FC0];
	_ =	sdelay $0x2  }
0x30b: {  	v60 =	vpop (erf)  }
0x30c: {  	v12 =	vmul.f32 v60, v12  }
0x30d: {  	v13 =	vadd.f32 $9.999999740e-06, v59  }
0x30e: {  	v11 =	vadd.f32 v12, v11  }
0x30f: {  	v61 =	vmul.f32 $0.0e+00, v13  }
0x310: {  	v11 =	vmul.f32 $5.000000000e-01, v11  }
0x311: {  	v12 =	vadd.f32 $1.000000000e+00, v61  }
0x312: {  	(erf) = vrcp.f32 v11  }
0x313: {  	(erf) = vrcp.f32 v12;
	_ =	sdelay $0x7  }
0x314: {  	v11 =	vpop (erf)  }
0x315: {  	v62 =	vpop (erf)  }
0x316: {  	v14 =	vmul.f32 v62, v13;
	_ =	sdelay $0x1  }
0x317: {  	v12 =	vadd.f32 v14, v12;
	_ =	sdelay $0x1  }
0x318: {  	v12 =	vmul.f32 $5.000000000e-01, v12;
	_ =	sdelay $0x1  }
0x319: {  	(erf) = vrcp.f32 v12;
	_ =	sdelay $0x8  }
0x31a: {  	v63 =	vpop (erf)  }
0x31b: {  	v14 =	vmul.f32 v63, v13;
	_ =	sdelay $0x1  }
0x31c: {  	v12 =	vadd.f32 v14, v12;
	_ =	sdelay $0x1  }
0x31d: {  	v12 =	vmul.f32 $5.000000000e-01, v12;
	_ =	sdelay $0x1  }
0x31e: {  	(erf) = vrcp.f32 v12;
	_ =	sdelay $0x8  }
0x31f: {  	v16 =	vpop (erf)  }
0x320: {  	v14 =	vmul.f32 v16, v13;
	_ =	sdelay $0x1  }
0x321: {  	v12 =	vadd.f32 v14, v12;
	_ =	sdelay $0x1  }
0x322: {  	v12 =	vmul.f32 $5.000000000e-01, v12;
	_ =	sdelay $0x1  }
0x323: {  	(erf) = vrcp.f32 v12;
	_ =	sdelay $0x8  }
0x324: {  	v17 =	vpop (erf)  }
0x325: {  	v14 =	vmul.f32 v17, v13;
	_ =	sdelay $0x1  }
0x326: {  	v12 =	vadd.f32 v14, v12;
	_ =	sdelay $0x1  }
0x327: {  	v12 =	vmul.f32 $5.000000000e-01, v12;
	_ =	sdelay $0x1  }
0x328: {  	(erf) = vrcp.f32 v12;
	_ =	sdelay $0x8  }
0x329: {  	v18 =	vpop (erf)  }
0x32a: {  	v14 =	vmul.f32 v18, v13;
	_ =	sdelay $0x1  }
0x32b: {  	v12 =	vadd.f32 v14, v12;
	_ =	sdelay $0x1  }
0x32c: {  	v12 =	vmul.f32 $5.000000000e-01, v12;
	_ =	sdelay $0x1  }
0x32d: {  	(erf) = vrcp.f32 v12;
	_ =	sdelay $0x5  }
0x32e: {  	v19 =	vld [tilespmem:$0x10FD0];
	_ =	sdelay $0x2  }
0x32f: {  	v20 =	vpop (erf)  }
0x330: {  	v13 =	vmul.f32 v20, v13  }
0x331: {  	v14 =	vadd.f32 $9.999999740e-06, v19  }
0x332: {  	v12 =	vadd.f32 v13, v12  }
0x333: {  	v21 =	vmul.f32 $0.0e+00, v14  }
0x334: {  	v12 =	vmul.f32 $5.000000000e-01, v12  }
0x335: {  	v13 =	vadd.f32 $1.000000000e+00, v21  }
0x336: {  	(erf) = vrcp.f32 v12  }
0x337: {  	(erf) = vrcp.f32 v13;
	_ =	sdelay $0x7  }
0x338: {  	v12 =	vpop (erf)  }
0x339: {  	v22 =	vpop (erf)  }
0x33a: {  	v15 =	vmul.f32 v22, v14;
	_ =	sdelay $0x1  }
0x33b: {  	v13 =	vadd.f32 v15, v13;
	_ =	sdelay $0x1  }
0x33c: {  	v13 =	vmul.f32 $5.000000000e-01, v13;
	_ =	sdelay $0x1  }
0x33d: {  	(erf) = vrcp.f32 v13;
	_ =	sdelay $0x8  }
0x33e: {  	v23 =	vpop (erf)  }
0x33f: {  	v15 =	vmul.f32 v23, v14;
	_ =	sdelay $0x1  }
0x340: {  	v13 =	vadd.f32 v15, v13;
	_ =	sdelay $0x1  }
0x341: {  	v13 =	vmul.f32 $5.000000000e-01, v13;
	_ =	sdelay $0x1  }
0x342: {  	(erf) = vrcp.f32 v13;
	_ =	sdelay $0x8  }
0x343: {  	v24 =	vpop (erf)  }
0x344: {  	v15 =	vmul.f32 v24, v14;
	_ =	sdelay $0x1  }
0x345: {  	v13 =	vadd.f32 v15, v13;
	_ =	sdelay $0x1  }
0x346: {  	v13 =	vmul.f32 $5.000000000e-01, v13;
	_ =	sdelay $0x1  }
0x347: {  	(erf) = vrcp.f32 v13;
	_ =	sdelay $0x8  }
0x348: {  	v25 =	vpop (erf)  }
0x349: {  	v15 =	vmul.f32 v25, v14;
	_ =	sdelay $0x1  }
0x34a: {  	v13 =	vadd.f32 v15, v13;
	_ =	sdelay $0x1  }
0x34b: {  	v13 =	vmul.f32 $5.000000000e-01, v13;
	_ =	sdelay $0x1  }
0x34c: {  	(erf) = vrcp.f32 v13;
	_ =	sdelay $0x8  }
0x34d: {  	v26 =	vpop (erf)  }
0x34e: {  	v15 =	vmul.f32 v26, v14;
	_ =	sdelay $0x1  }
0x34f: {  	v13 =	vadd.f32 v15, v13;
	_ =	sdelay $0x1  }
0x350: {  	v13 =	vmul.f32 $5.000000000e-01, v13;
	_ =	sdelay $0x1  }
0x351: {  	(erf) = vrcp.f32 v13;
	_ =	sdelay $0x5  }
0x352: {  	v27 =	vld [tilespmem:$0x10FE0];
	_ =	sdelay $0x2  }
0x353: {  	v28 =	vpop (erf)  }
0x354: {  	v14 =	vmul.f32 v28, v14  }
0x355: {  	v15 =	vadd.f32 $9.999999740e-06, v27  }
0x356: {  	v13 =	vadd.f32 v14, v13  }
0x357: {  	v29 =	vmul.f32 $0.0e+00, v15  }
0x358: {  	v13 =	vmul.f32 $5.000000000e-01, v13  }
0x359: {  	v14 =	vadd.f32 $1.000000000e+00, v29  }
0x35a: {  	(erf) = vrcp.f32 v13  }
0x35b: {  	(erf) = vrcp.f32 v14;
	_ =	sdelay $0x7  }
0x35c: {  	v13 =	vpop (erf)  }
0x35d: {  	v30 =	vpop (erf)  }
0x35e: {  	v16 =	vmul.f32 v30, v15;
	_ =	sdelay $0x1  }
0x35f: {  	v14 =	vadd.f32 v16, v14;
	_ =	sdelay $0x1  }
0x360: {  	v14 =	vmul.f32 $5.000000000e-01, v14;
	_ =	sdelay $0x1  }
0x361: {  	(erf) = vrcp.f32 v14;
	_ =	sdelay $0x8  }
0x362: {  	v31 =	vpop (erf)  }
0x363: {  	v16 =	vmul.f32 v31, v15;
	_ =	sdelay $0x1  }
0x364: {  	v14 =	vadd.f32 v16, v14;
	_ =	sdelay $0x1  }
0x365: {  	v14 =	vmul.f32 $5.000000000e-01, v14;
	_ =	sdelay $0x1  }
0x366: {  	(erf) = vrcp.f32 v14;
	_ =	sdelay $0x8  }
0x367: {  	v32 =	vpop (erf)  }
0x368: {  	v16 =	vmul.f32 v32, v15;
	_ =	sdelay $0x1  }
0x369: {  	v14 =	vadd.f32 v16, v14;
	_ =	sdelay $0x1  }
0x36a: {  	v14 =	vmul.f32 $5.000000000e-01, v14;
	_ =	sdelay $0x1  }
0x36b: {  	(erf) = vrcp.f32 v14;
	_ =	sdelay $0x8  }
0x36c: {  	v33 =	vpop (erf)  }
0x36d: {  	v16 =	vmul.f32 v33, v15;
	_ =	sdelay $0x1  }
0x36e: {  	v14 =	vadd.f32 v16, v14;
	_ =	sdelay $0x1  }
0x36f: {  	v14 =	vmul.f32 $5.000000000e-01, v14;
	_ =	sdelay $0x1  }
0x370: {  	(erf) = vrcp.f32 v14;
	_ =	sdelay $0x8  }
0x371: {  	v34 =	vpop (erf)  }
0x372: {  	v16 =	vmul.f32 v34, v15;
	_ =	sdelay $0x1  }
0x373: {  	v14 =	vadd.f32 v16, v14;
	_ =	sdelay $0x1  }
0x374: {  	v14 =	vmul.f32 $5.000000000e-01, v14;
	_ =	sdelay $0x1  }
0x375: {  	(erf) = vrcp.f32 v14;
	_ =	sdelay $0x5  }
0x376: {  	v35 =	vld [tilespmem:$0x10FF0];
	_ =	sdelay $0x2  }
0x377: {  	v36 =	vpop (erf)  }
0x378: {  	v15 =	vmul.f32 v36, v15  }
0x379: {  	v16 =	vadd.f32 $9.999999740e-06, v35  }
0x37a: {  	v14 =	vadd.f32 v15, v14  }
0x37b: {  	v37 =	vmul.f32 $0.0e+00, v16  }
0x37c: {  	v14 =	vmul.f32 $5.000000000e-01, v14  }
0x37d: {  	v15 =	vadd.f32 $1.000000000e+00, v37  }
0x37e: {  	(erf) = vrcp.f32 v14  }
0x37f: {  	(erf) = vrcp.f32 v15;
	_ =	sdelay $0x7  }
0x380: {  	v14 =	vpop (erf)  }
0x381: {  	v38 =	vpop (erf)  }
0x382: {  	v17 =	vmul.f32 v38, v16;
	_ =	sdelay $0x1  }
0x383: {  	v15 =	vadd.f32 v17, v15;
	_ =	sdelay $0x1  }
0x384: {  	v15 =	vmul.f32 $5.000000000e-01, v15;
	_ =	sdelay $0x1  }
0x385: {  	(erf) = vrcp.f32 v15;
	_ =	sdelay $0x8  }
0x386: {  	v39 =	vpop (erf)  }
0x387: {  	v17 =	vmul.f32 v39, v16;
	_ =	sdelay $0x1  }
0x388: {  	v15 =	vadd.f32 v17, v15;
	_ =	sdelay $0x1  }
0x389: {  	v15 =	vmul.f32 $5.000000000e-01, v15;
	_ =	sdelay $0x1  }
0x38a: {  	(erf) = vrcp.f32 v15;
	_ =	sdelay $0x8  }
0x38b: {  	v40 =	vpop (erf)  }
0x38c: {  	v17 =	vmul.f32 v40, v16;
	_ =	sdelay $0x1  }
0x38d: {  	v15 =	vadd.f32 v17, v15;
	_ =	sdelay $0x1  }
0x38e: {  	v15 =	vmul.f32 $5.000000000e-01, v15;
	_ =	sdelay $0x1  }
0x38f: {  	(erf) = vrcp.f32 v15;
	_ =	sdelay $0x8  }
0x390: {  	v41 =	vpop (erf)  }
0x391: {  	v17 =	vmul.f32 v41, v16;
	_ =	sdelay $0x1  }
0x392: {  	v15 =	vadd.f32 v17, v15;
	_ =	sdelay $0x1  }
0x393: {  	v15 =	vmul.f32 $5.000000000e-01, v15;
	_ =	sdelay $0x1  }
0x394: {  	(erf) = vrcp.f32 v15;
	_ =	sdelay $0x8  }
0x395: {  	v42 =	vpop (erf)  }
0x396: {  	v17 =	vmul.f32 v42, v16;
	_ =	sdelay $0x1  }
0x397: {  	v15 =	vadd.f32 v17, v15;
	_ =	sdelay $0x1  }
0x398: {  	v15 =	vmul.f32 $5.000000000e-01, v15;
	_ =	sdelay $0x1  }
0x399: {  	(erf) = vrcp.f32 v15;
	_ =	sdelay $0x5  }
0x39a: {  	v43 =	vld [tilespmem:$0x11000];
	_ =	sdelay $0x2  }
0x39b: {  	v44 =	vpop (erf)  }
0x39c: {  	v16 =	vmul.f32 v44, v16  }
0x39d: {  	v17 =	vadd.f32 $9.999999740e-06, v43  }
0x39e: {  	v15 =	vadd.f32 v16, v15  }
0x39f: {  	v45 =	vmul.f32 $0.0e+00, v17  }
0x3a0: {  	v15 =	vmul.f32 $5.000000000e-01, v15  }
0x3a1: {  	v16 =	vadd.f32 $1.000000000e+00, v45  }
0x3a2: {  	(erf) = vrcp.f32 v15  }
0x3a3: {  	(erf) = vrcp.f32 v16;
	_ =	sdelay $0x7  }
0x3a4: {  	v15 =	vpop (erf)  }
0x3a5: {  	v46 =	vpop (erf)  }
0x3a6: {  	v18 =	vmul.f32 v46, v17;
	_ =	sdelay $0x1  }
0x3a7: {  	v16 =	vadd.f32 v18, v16;
	_ =	sdelay $0x1  }
0x3a8: {  	v16 =	vmul.f32 $5.000000000e-01, v16;
	_ =	sdelay $0x1  }
0x3a9: {  	(erf) = vrcp.f32 v16;
	_ =	sdelay $0x8  }
0x3aa: {  	v47 =	vpop (erf)  }
0x3ab: {  	v18 =	vmul.f32 v47, v17;
	_ =	sdelay $0x1  }
0x3ac: {  	v16 =	vadd.f32 v18, v16;
	_ =	sdelay $0x1  }
0x3ad: {  	v16 =	vmul.f32 $5.000000000e-01, v16;
	_ =	sdelay $0x1  }
0x3ae: {  	(erf) = vrcp.f32 v16;
	_ =	sdelay $0x8  }
0x3af: {  	v48 =	vpop (erf)  }
0x3b0: {  	v18 =	vmul.f32 v48, v17;
	_ =	sdelay $0x1  }
0x3b1: {  	v16 =	vadd.f32 v18, v16;
	_ =	sdelay $0x1  }
0x3b2: {  	v16 =	vmul.f32 $5.000000000e-01, v16;
	_ =	sdelay $0x1  }
0x3b3: {  	(erf) = vrcp.f32 v16;
	_ =	sdelay $0x8  }
0x3b4: {  	v49 =	vpop (erf)  }
0x3b5: {  	v18 =	vmul.f32 v49, v17;
	_ =	sdelay $0x1  }
0x3b6: {  	v16 =	vadd.f32 v18, v16;
	_ =	sdelay $0x1  }
0x3b7: {  	v16 =	vmul.f32 $5.000000000e-01, v16;
	_ =	sdelay $0x1  }
0x3b8: {  	(erf) = vrcp.f32 v16;
	_ =	sdelay $0x8  }
0x3b9: {  	v50 =	vpop (erf)  }
0x3ba: {  	v18 =	vmul.f32 v50, v17;
	_ =	sdelay $0x1  }
0x3bb: {  	v16 =	vadd.f32 v18, v16;
	_ =	sdelay $0x1  }
0x3bc: {  	v16 =	vmul.f32 $5.000000000e-01, v16;
	_ =	sdelay $0x1  }
0x3bd: {  	(erf) = vrcp.f32 v16;
	_ =	sdelay $0x5  }
0x3be: {  	v51 =	vld [tilespmem:$0x11010];
	_ =	sdelay $0x2  }
0x3bf: {  	v52 =	vpop (erf)  }
0x3c0: {  	v17 =	vmul.f32 v52, v17  }
0x3c1: {  	v18 =	vadd.f32 $9.999999740e-06, v51  }
0x3c2: {  	v16 =	vadd.f32 v17, v16  }
0x3c3: {  	v53 =	vmul.f32 $0.0e+00, v18  }
0x3c4: {  	v16 =	vmul.f32 $5.000000000e-01, v16  }
0x3c5: {  	v17 =	vadd.f32 $1.000000000e+00, v53  }
0x3c6: {  	(erf) = vrcp.f32 v16  }
0x3c7: {  	(erf) = vrcp.f32 v17;
	_ =	sdelay $0x7  }
0x3c8: {  	v16 =	vpop (erf)  }
0x3c9: {  	v54 =	vpop (erf)  }
0x3ca: {  	v19 =	vmul.f32 v54, v18;
	_ =	sdelay $0x1  }
0x3cb: {  	v17 =	vadd.f32 v19, v17;
	_ =	sdelay $0x1  }
0x3cc: {  	v17 =	vmul.f32 $5.000000000e-01, v17;
	_ =	sdelay $0x1  }
0x3cd: {  	(erf) = vrcp.f32 v17;
	_ =	sdelay $0x8  }
0x3ce: {  	v55 =	vpop (erf)  }
0x3cf: {  	v19 =	vmul.f32 v55, v18;
	_ =	sdelay $0x1  }
0x3d0: {  	v17 =	vadd.f32 v19, v17;
	_ =	sdelay $0x1  }
0x3d1: {  	v17 =	vmul.f32 $5.000000000e-01, v17;
	_ =	sdelay $0x1  }
0x3d2: {  	(erf) = vrcp.f32 v17;
	_ =	sdelay $0x8  }
0x3d3: {  	v56 =	vpop (erf)  }
0x3d4: {  	v19 =	vmul.f32 v56, v18;
	_ =	sdelay $0x1  }
0x3d5: {  	v17 =	vadd.f32 v19, v17;
	_ =	sdelay $0x1  }
0x3d6: {  	v17 =	vmul.f32 $5.000000000e-01, v17;
	_ =	sdelay $0x1  }
0x3d7: {  	(erf) = vrcp.f32 v17;
	_ =	sdelay $0x8  }
0x3d8: {  	v57 =	vpop (erf)  }
0x3d9: {  	v19 =	vmul.f32 v57, v18;
	_ =	sdelay $0x1  }
0x3da: {  	v17 =	vadd.f32 v19, v17;
	_ =	sdelay $0x1  }
0x3db: {  	v17 =	vmul.f32 $5.000000000e-01, v17;
	_ =	sdelay $0x1  }
0x3dc: {  	(erf) = vrcp.f32 v17;
	_ =	sdelay $0x8  }
0x3dd: {  	v58 =	vpop (erf)  }
0x3de: {  	v19 =	vmul.f32 v58, v18;
	_ =	sdelay $0x1  }
0x3df: {  	v17 =	vadd.f32 v19, v17;
	_ =	sdelay $0x1  }
0x3e0: {  	v17 =	vmul.f32 $5.000000000e-01, v17;
	_ =	sdelay $0x1  }
0x3e1: {  	(erf) = vrcp.f32 v17;
	_ =	sdelay $0x5  }
0x3e2: {  	v59 =	vld [tilespmem:$0x11020];
	_ =	sdelay $0x2  }
0x3e3: {  	v60 =	vpop (erf)  }
0x3e4: {  	v18 =	vmul.f32 v60, v18  }
0x3e5: {  	v19 =	vadd.f32 $9.999999740e-06, v59  }
0x3e6: {  	v17 =	vadd.f32 v18, v17  }
0x3e7: {  	v61 =	vmul.f32 $0.0e+00, v19  }
0x3e8: {  	v17 =	vmul.f32 $5.000000000e-01, v17  }
0x3e9: {  	v18 =	vadd.f32 $1.000000000e+00, v61  }
0x3ea: {  	(erf) = vrcp.f32 v17  }
0x3eb: {  	(erf) = vrcp.f32 v18;
	_ =	sdelay $0x7  }
0x3ec: {  	v17 =	vpop (erf)  }
0x3ed: {  	v62 =	vpop (erf)  }
0x3ee: {  	v20 =	vmul.f32 v62, v19;
	_ =	sdelay $0x1  }
0x3ef: {  	v18 =	vadd.f32 v20, v18;
	_ =	sdelay $0x1  }
0x3f0: {  	v18 =	vmul.f32 $5.000000000e-01, v18;
	_ =	sdelay $0x1  }
0x3f1: {  	(erf) = vrcp.f32 v18;
	_ =	sdelay $0x8  }
0x3f2: {  	v63 =	vpop (erf)  }
0x3f3: {  	v20 =	vmul.f32 v63, v19;
	_ =	sdelay $0x1  }
0x3f4: {  	v18 =	vadd.f32 v20, v18;
	_ =	sdelay $0x1  }
0x3f5: {  	v18 =	vmul.f32 $5.000000000e-01, v18;
	_ =	sdelay $0x1  }
0x3f6: {  	(erf) = vrcp.f32 v18;
	_ =	sdelay $0x8  }
0x3f7: {  	v24 =	vpop (erf)  }
0x3f8: {  	v20 =	vmul.f32 v24, v19;
	_ =	sdelay $0x1  }
0x3f9: {  	v18 =	vadd.f32 v20, v18;
	_ =	sdelay $0x1  }
0x3fa: {  	v18 =	vmul.f32 $5.000000000e-01, v18;
	_ =	sdelay $0x1  }
0x3fb: {  	(erf) = vrcp.f32 v18;
	_ =	sdelay $0x8  }
0x3fc: {  	v25 =	vpop (erf)  }
0x3fd: {  	v20 =	vmul.f32 v25, v19;
	_ =	sdelay $0x1  }
0x3fe: {  	v18 =	vadd.f32 v20, v18;
	_ =	sdelay $0x1  }
0x3ff: {  	v18 =	vmul.f32 $5.000000000e-01, v18;
	_ =	sdelay $0x1  }
0x400: {  	(erf) = vrcp.f32 v18;
	_ =	sdelay $0x8  }
0x401: {  	v26 =	vpop (erf)  }
0x402: {  	v20 =	vmul.f32 v26, v19;
	_ =	sdelay $0x1  }
0x403: {  	v18 =	vadd.f32 v20, v18;
	_ =	sdelay $0x1  }
0x404: {  	v18 =	vmul.f32 $5.000000000e-01, v18;
	_ =	sdelay $0x1  }
0x405: {  	(erf) = vrcp.f32 v18;
	_ =	sdelay $0x5  }
0x406: {  	v27 =	vld [tilespmem:$0x11030];
	_ =	sdelay $0x2  }
0x407: {  	v28 =	vpop (erf)  }
0x408: {  	v19 =	vmul.f32 v28, v19  }
0x409: {  	v20 =	vadd.f32 $9.999999740e-06, v27  }
0x40a: {  	v18 =	vadd.f32 v19, v18  }
0x40b: {  	v29 =	vmul.f32 $0.0e+00, v20  }
0x40c: {  	v18 =	vmul.f32 $5.000000000e-01, v18  }
0x40d: {  	v19 =	vadd.f32 $1.000000000e+00, v29  }
0x40e: {  	(erf) = vrcp.f32 v18  }
0x40f: {  	(erf) = vrcp.f32 v19;
	_ =	sdelay $0x7  }
0x410: {  	v18 =	vpop (erf)  }
0x411: {  	v30 =	vpop (erf)  }
0x412: {  	v21 =	vmul.f32 v30, v20;
	_ =	sdelay $0x1  }
0x413: {  	v19 =	vadd.f32 v21, v19;
	_ =	sdelay $0x1  }
0x414: {  	v19 =	vmul.f32 $5.000000000e-01, v19;
	_ =	sdelay $0x1  }
0x415: {  	(erf) = vrcp.f32 v19;
	_ =	sdelay $0x8  }
0x416: {  	v31 =	vpop (erf)  }
0x417: {  	v21 =	vmul.f32 v31, v20;
	_ =	sdelay $0x1  }
0x418: {  	v19 =	vadd.f32 v21, v19;
	_ =	sdelay $0x1  }
0x419: {  	v19 =	vmul.f32 $5.000000000e-01, v19;
	_ =	sdelay $0x1  }
0x41a: {  	(erf) = vrcp.f32 v19;
	_ =	sdelay $0x8  }
0x41b: {  	v32 =	vpop (erf)  }
0x41c: {  	v21 =	vmul.f32 v32, v20;
	_ =	sdelay $0x1  }
0x41d: {  	v19 =	vadd.f32 v21, v19;
	_ =	sdelay $0x1  }
0x41e: {  	v19 =	vmul.f32 $5.000000000e-01, v19;
	_ =	sdelay $0x1  }
0x41f: {  	(erf) = vrcp.f32 v19;
	_ =	sdelay $0x8  }
0x420: {  	v33 =	vpop (erf)  }
0x421: {  	v21 =	vmul.f32 v33, v20;
	_ =	sdelay $0x1  }
0x422: {  	v19 =	vadd.f32 v21, v19;
	_ =	sdelay $0x1  }
0x423: {  	v19 =	vmul.f32 $5.000000000e-01, v19;
	_ =	sdelay $0x1  }
0x424: {  	(erf) = vrcp.f32 v19;
	_ =	sdelay $0x8  }
0x425: {  	v34 =	vpop (erf)  }
0x426: {  	v21 =	vmul.f32 v34, v20;
	_ =	sdelay $0x1  }
0x427: {  	v19 =	vadd.f32 v21, v19;
	_ =	sdelay $0x1  }
0x428: {  	v19 =	vmul.f32 $5.000000000e-01, v19;
	_ =	sdelay $0x1  }
0x429: {  	(erf) = vrcp.f32 v19;
	_ =	sdelay $0x5  }
0x42a: {  	v35 =	vld [tilespmem:$0x11040];
	_ =	sdelay $0x2  }
0x42b: {  	v22 =	vpop (erf)  }
0x42c: {  	v20 =	vmul.f32 v22, v20  }
0x42d: {  	v21 =	vadd.f32 $9.999999740e-06, v35  }
0x42e: {  	v19 =	vadd.f32 v20, v19  }
0x42f: {  	v36 =	vmul.f32 $0.0e+00, v21  }
0x430: {  	v19 =	vmul.f32 $5.000000000e-01, v19  }
0x431: {  	v20 =	vadd.f32 $1.000000000e+00, v36  }
0x432: {  	(erf) = vrcp.f32 v19  }
0x433: {  	(erf) = vrcp.f32 v20;
	_ =	sdelay $0x7  }
0x434: {  	v19 =	vpop (erf)  }
0x435: {  	v37 =	vpop (erf)  }
0x436: {  	v22 =	vmul.f32 v37, v21;
	_ =	sdelay $0x1  }
0x437: {  	v20 =	vadd.f32 v22, v20;
	_ =	sdelay $0x1  }
0x438: {  	v20 =	vmul.f32 $5.000000000e-01, v20;
	_ =	sdelay $0x1  }
0x439: {  	(erf) = vrcp.f32 v20;
	_ =	sdelay $0x8  }
0x43a: {  	v38 =	vpop (erf)  }
0x43b: {  	v22 =	vmul.f32 v38, v21;
	_ =	sdelay $0x1  }
0x43c: {  	v20 =	vadd.f32 v22, v20;
	_ =	sdelay $0x1  }
0x43d: {  	v20 =	vmul.f32 $5.000000000e-01, v20;
	_ =	sdelay $0x1  }
0x43e: {  	(erf) = vrcp.f32 v20;
	_ =	sdelay $0x8  }
0x43f: {  	v39 =	vpop (erf)  }
0x440: {  	v22 =	vmul.f32 v39, v21;
	_ =	sdelay $0x1  }
0x441: {  	v20 =	vadd.f32 v22, v20;
	_ =	sdelay $0x1  }
0x442: {  	v20 =	vmul.f32 $5.000000000e-01, v20;
	_ =	sdelay $0x1  }
0x443: {  	(erf) = vrcp.f32 v20;
	_ =	sdelay $0x8  }
0x444: {  	v40 =	vpop (erf)  }
0x445: {  	v22 =	vmul.f32 v40, v21;
	_ =	sdelay $0x1  }
0x446: {  	v20 =	vadd.f32 v22, v20;
	_ =	sdelay $0x1  }
0x447: {  	v20 =	vmul.f32 $5.000000000e-01, v20;
	_ =	sdelay $0x1  }
0x448: {  	(erf) = vrcp.f32 v20;
	_ =	sdelay $0x8  }
0x449: {  	v41 =	vpop (erf)  }
0x44a: {  	v22 =	vmul.f32 v41, v21;
	_ =	sdelay $0x1  }
0x44b: {  	v20 =	vadd.f32 v22, v20;
	_ =	sdelay $0x1  }
0x44c: {  	v20 =	vmul.f32 $5.000000000e-01, v20;
	_ =	sdelay $0x1  }
0x44d: {  	(erf) = vrcp.f32 v20;
	_ =	sdelay $0x5  }
0x44e: {  	v42 =	vld [tilespmem:$0x11050];
	_ =	sdelay $0x2  }
0x44f: {  	v23 =	vpop (erf)  }
0x450: {  	v21 =	vmul.f32 v23, v21  }
0x451: {  	v22 =	vadd.f32 $9.999999740e-06, v42  }
0x452: {  	v20 =	vadd.f32 v21, v20  }
0x453: {  	v43 =	vmul.f32 $0.0e+00, v22  }
0x454: {  	v20 =	vmul.f32 $5.000000000e-01, v20  }
0x455: {  	v21 =	vadd.f32 $1.000000000e+00, v43  }
0x456: {  	(erf) = vrcp.f32 v20  }
0x457: {  	(erf) = vrcp.f32 v21;
	_ =	sdelay $0x7  }
0x458: {  	v20 =	vpop (erf)  }
0x459: {  	v44 =	vpop (erf)  }
0x45a: {  	v23 =	vmul.f32 v44, v22;
	_ =	sdelay $0x1  }
0x45b: {  	v21 =	vadd.f32 v23, v21;
	_ =	sdelay $0x1  }
0x45c: {  	v21 =	vmul.f32 $5.000000000e-01, v21;
	_ =	sdelay $0x1  }
0x45d: {  	(erf) = vrcp.f32 v21;
	_ =	sdelay $0x8  }
0x45e: {  	v45 =	vpop (erf)  }
0x45f: {  	v23 =	vmul.f32 v45, v22;
	_ =	sdelay $0x1  }
0x460: {  	v21 =	vadd.f32 v23, v21;
	_ =	sdelay $0x1  }
0x461: {  	v21 =	vmul.f32 $5.000000000e-01, v21;
	_ =	sdelay $0x1  }
0x462: {  	(erf) = vrcp.f32 v21;
	_ =	sdelay $0x8  }
0x463: {  	v46 =	vpop (erf)  }
0x464: {  	v23 =	vmul.f32 v46, v22;
	_ =	sdelay $0x1  }
0x465: {  	v21 =	vadd.f32 v23, v21;
	_ =	sdelay $0x1  }
0x466: {  	v21 =	vmul.f32 $5.000000000e-01, v21;
	_ =	sdelay $0x1  }
0x467: {  	(erf) = vrcp.f32 v21;
	_ =	sdelay $0x8  }
0x468: {  	v47 =	vpop (erf)  }
0x469: {  	v23 =	vmul.f32 v47, v22;
	_ =	sdelay $0x1  }
0x46a: {  	v21 =	vadd.f32 v23, v21;
	_ =	sdelay $0x1  }
0x46b: {  	v21 =	vmul.f32 $5.000000000e-01, v21;
	_ =	sdelay $0x1  }
0x46c: {  	(erf) = vrcp.f32 v21;
	_ =	sdelay $0x8  }
0x46d: {  	v48 =	vpop (erf)  }
0x46e: {  	v23 =	vmul.f32 v48, v22;
	_ =	sdelay $0x1  }
0x46f: {  	v21 =	vadd.f32 v23, v21;
	_ =	sdelay $0x1  }
0x470: {  	v21 =	vmul.f32 $5.000000000e-01, v21;
	_ =	sdelay $0x1  }
0x471: {  	(erf) = vrcp.f32 v21;
	_ =	sdelay $0x5  }
0x472: {  	v49 =	vld [tilespmem:$0x11060];
	_ =	sdelay $0x2  }
0x473: {  	v24 =	vpop (erf)  }
0x474: {  	v22 =	vmul.f32 v24, v22  }
0x475: {  	v23 =	vadd.f32 $9.999999740e-06, v49  }
0x476: {  	v21 =	vadd.f32 v22, v21  }
0x477: {  	v50 =	vmul.f32 $0.0e+00, v23  }
0x478: {  	v21 =	vmul.f32 $5.000000000e-01, v21  }
0x479: {  	v22 =	vadd.f32 $1.000000000e+00, v50  }
0x47a: {  	(erf) = vrcp.f32 v21  }
0x47b: {  	(erf) = vrcp.f32 v22;
	_ =	sdelay $0x7  }
0x47c: {  	v21 =	vpop (erf)  }
0x47d: {  	v51 =	vpop (erf)  }
0x47e: {  	v24 =	vmul.f32 v51, v23;
	_ =	sdelay $0x1  }
0x47f: {  	v22 =	vadd.f32 v24, v22;
	_ =	sdelay $0x1  }
0x480: {  	v22 =	vmul.f32 $5.000000000e-01, v22;
	_ =	sdelay $0x1  }
0x481: {  	(erf) = vrcp.f32 v22;
	_ =	sdelay $0x8  }
0x482: {  	v52 =	vpop (erf)  }
0x483: {  	v24 =	vmul.f32 v52, v23;
	_ =	sdelay $0x1  }
0x484: {  	v22 =	vadd.f32 v24, v22;
	_ =	sdelay $0x1  }
0x485: {  	v22 =	vmul.f32 $5.000000000e-01, v22;
	_ =	sdelay $0x1  }
0x486: {  	(erf) = vrcp.f32 v22;
	_ =	sdelay $0x8  }
0x487: {  	v53 =	vpop (erf)  }
0x488: {  	v24 =	vmul.f32 v53, v23;
	_ =	sdelay $0x1  }
0x489: {  	v22 =	vadd.f32 v24, v22;
	_ =	sdelay $0x1  }
0x48a: {  	v22 =	vmul.f32 $5.000000000e-01, v22;
	_ =	sdelay $0x1  }
0x48b: {  	(erf) = vrcp.f32 v22;
	_ =	sdelay $0x8  }
0x48c: {  	v54 =	vpop (erf)  }
0x48d: {  	v24 =	vmul.f32 v54, v23;
	_ =	sdelay $0x1  }
0x48e: {  	v22 =	vadd.f32 v24, v22;
	_ =	sdelay $0x1  }
0x48f: {  	v22 =	vmul.f32 $5.000000000e-01, v22;
	_ =	sdelay $0x1  }
0x490: {  	(erf) = vrcp.f32 v22;
	_ =	sdelay $0x8  }
0x491: {  	v55 =	vpop (erf)  }
0x492: {  	v24 =	vmul.f32 v55, v23;
	_ =	sdelay $0x1  }
0x493: {  	v22 =	vadd.f32 v24, v22;
	_ =	sdelay $0x1  }
0x494: {  	v22 =	vmul.f32 $5.000000000e-01, v22;
	_ =	sdelay $0x1  }
0x495: {  	(erf) = vrcp.f32 v22;
	_ =	sdelay $0x5  }
0x496: {  	v56 =	vld [tilespmem:$0x11070];
	_ =	sdelay $0x2  }
0x497: {  	v25 =	vpop (erf)  }
0x498: {  	v25 =	vmul.f32 v25, v23  }
0x499: {  	v23 =	vadd.f32 $9.999999740e-06, v56  }
0x49a: {  	v22 =	vadd.f32 v25, v22  }
0x49b: {  	v24 =	vmul.f32 $0.0e+00, v23  }
0x49c: {  	v22 =	vmul.f32 $5.000000000e-01, v22  }
0x49d: {  	v24 =	vadd.f32 $1.000000000e+00, v24  }
0x49e: {  	(erf) = vrcp.f32 v22  }
0x49f: {  	(erf) = vrcp.f32 v24;
	_ =	sdelay $0x7  }
0x4a0: {  	v22 =	vpop (erf)  }
0x4a1: {  	v57 =	vpop (erf)  }
0x4a2: {  	v25 =	vmul.f32 v57, v23;
	_ =	sdelay $0x1  }
0x4a3: {  	v24 =	vadd.f32 v25, v24;
	_ =	sdelay $0x1  }
0x4a4: {  	v24 =	vmul.f32 $5.000000000e-01, v24;
	_ =	sdelay $0x1  }
0x4a5: {  	(erf) = vrcp.f32 v24;
	_ =	sdelay $0x8  }
0x4a6: {  	v58 =	vpop (erf)  }
0x4a7: {  	v25 =	vmul.f32 v58, v23;
	_ =	sdelay $0x1  }
0x4a8: {  	v24 =	vadd.f32 v25, v24;
	_ =	sdelay $0x1  }
0x4a9: {  	v24 =	vmul.f32 $5.000000000e-01, v24;
	_ =	sdelay $0x1  }
0x4aa: {  	v59 =	vld [tilespmem:$0x10900];
	(erf) = vrcp.f32 v24  }
0x4ab: {  	v61 =	vld [tilespmem:$0x10990];
	_ =	sdelay $0x1  }
0x4ac: {  	v27 =	vld [tilespmem:$0x10D00]  }
0x4ad: {  	v60 =	vld [tilespmem:$0x10940]  }
0x4ae: {  	v26 =	vld [tilespmem:$0x10B00]  }
0x4af: {  	v0 =	vmul.f32 v0, v59;
	v59 =	vmul.f32 v9, v61;
	v9 =	vld [tilespmem:$0x10DE0]  }
0x4b0: {  	v28 =	vld [tilespmem:$0x10910]  }
0x4b1: {  	[tilespmem:$0x11100] =	vst v0;
	v27 =	vmul.f32 v0, v27;
	v0 =	vld [tilespmem:$0x10DA0]  }
0x4b2: {  	v30 =	vld [tilespmem:$0x10D10];
	v34 =	vpop (erf)  }
0x4b3: {  	v26 =	vsub.f32 v26, v27;
	v27 =	vld [tilespmem:$0x10BA0];
	v34 =	vmul.f32 v34, v23  }
0x4b4: {  	v29 =	vld [tilespmem:$0x10B10]  }
0x4b5: {  	[tilespmem:$0x11300] =	vst v26;
	v26 =	vld [tilespmem:$0x10A30];
	v1 =	vmul.f32 v1, v28;
	v24 =	vadd.f32 v34, v24  }
0x4b6: {  	v28 =	vld [tilespmem:$0x10B90]  }
0x4b7: {  	v30 =	vmul.f32 v1, v30;
	v31 =	vld [tilespmem:$0x10920];
	v24 =	vmul.f32 $5.000000000e-01, v24  }
0x4b8: {  	[tilespmem:$0x11110] =	vst v1;
	v1 =	vld [tilespmem:$0x10BB0]  }
0x4b9: {  	v62 =	vsub.f32 v29, v30;
	v33 =	vld [tilespmem:$0x10D20];
	(erf) = vrcp.f32 v24  }
0x4ba: {  	v30 =	vld [tilespmem:$0x109B0]  }
0x4bb: {  	[tilespmem:$0x11310] =	vst v62;
	v62 =	vld [tilespmem:$0x109F0]  }
0x4bc: {  	v2 =	vmul.f32 v2, v31;
	v31 =	vld [tilespmem:$0x10DB0]  }
0x4bd: {  	v32 =	vld [tilespmem:$0x10B20]  }
0x4be: {  	[tilespmem:$0x11120] =	vst v2;
	v63 =	vmul.f32 v2, v33;
	v2 =	vld [tilespmem:$0x109C0]  }
0x4bf: {  	v35 =	vld [tilespmem:$0x10930]  }
0x4c0: {  	v37 =	vld [tilespmem:$0x10D30]  }
0x4c1: {  	v39 =	vld [tilespmem:$0x10D40]  }
0x4c2: {  	v38 =	vld [tilespmem:$0x10B40];
	v50 =	vpop (erf)  }
0x4c3: {  	v33 =	vsub.f32 v32, v63;
	v40 =	vld [tilespmem:$0x10950];
	v50 =	vmul.f32 v50, v23  }
0x4c4: {  	v4 =	vmul.f32 v4, v60;
	v32 =	vld [tilespmem:$0x10BC0];
	v3 =	vmul.f32 v3, v35  }
0x4c5: {  	[tilespmem:$0x11320] =	vst v33;
	v33 =	vld [tilespmem:$0x109D0];
	v24 =	vadd.f32 v50, v24  }
0x4c6: {  	v36 =	vld [tilespmem:$0x10B30];
	v35 =	vmul.f32 v3, v37;
	v37 =	vmul.f32 v4, v39  }
0x4c7: {  	v43 =	vld [tilespmem:$0x10960];
	v24 =	vmul.f32 $5.000000000e-01, v24  }
0x4c8: {  	v5 =	vmul.f32 v5, v40;
	v40 =	vsub.f32 v38, v37;
	v42 =	vld [tilespmem:$0x10D50]  }
0x4c9: {  	v37 =	vld [tilespmem:$0x10E40];
	(erf) = vrcp.f32 v24  }
0x4ca: {  	[tilespmem:$0x11340] =	vst v40;
	v40 =	vld [tilespmem:$0x10BF0]  }
0x4cb: {  	v41 =	vld [tilespmem:$0x10B50]  }
0x4cc: {  	v39 =	vmul.f32 v6, v43;
	v6 =	vld [tilespmem:$0x10DC0]  }
0x4cd: {  	[tilespmem:$0x11150] =	vst v5;
	v43 =	vmul.f32 v5, v42;
	v5 =	vld [tilespmem:$0x109E0]  }
0x4ce: {  	v42 =	vld [tilespmem:$0x10DF0]  }
0x4cf: {  	v46 =	vld [tilespmem:$0x10970]  }
0x4d0: {  	v47 =	vld [tilespmem:$0x10B70]  }
0x4d1: {  	v48 =	vld [tilespmem:$0x10D70]  }
0x4d2: {  	[tilespmem:$0x11140] =	vst v4;
	v2 =	vmul.f32 v12, v2;
	v53 =	vld [tilespmem:$0x109A0];
	v55 =	vpop (erf)  }
0x4d3: {  	[tilespmem:$0x11190] =	vst v59;
	v36 =	vsub.f32 v36, v35;
	v49 =	vld [tilespmem:$0x10980];
	v35 =	vmul.f32 v55, v23  }
0x4d4: {  	[tilespmem:$0x111C0] =	vst v2;
	v44 =	vld [tilespmem:$0x10B60];
	v7 =	vmul.f32 v7, v46  }
0x4d5: {  	[tilespmem:$0x11130] =	vst v3;
	v45 =	vld [tilespmem:$0x10D60];
	v24 =	vadd.f32 v35, v24  }
0x4d6: {  	[tilespmem:$0x11330] =	vst v36;
	v5 =	vmul.f32 v14, v5;
	v56 =	vsub.f32 v41, v43;
	v43 =	vld [tilespmem:$0x10A00];
	v58 =	vmul.f32 v7, v48  }
0x4d7: {  	[tilespmem:$0x11160] =	vst v39;
	v52 =	vld [tilespmem:$0x10D80];
	v10 =	vmul.f32 v10, v53;
	v24 =	vmul.f32 $5.000000000e-01, v24  }
0x4d8: {  	[tilespmem:$0x111E0] =	vst v5;
	v8 =	vmul.f32 v8, v49;
	v60 =	vsub.f32 v47, v58;
	v47 =	vld [tilespmem:$0x10E00]  }
0x4d9: {  	v46 =	vld [tilespmem:$0x10C00];
	[tilespmem:$0x11170] =	vst v7;
	v0 =	vmul.f32 v10, v0;
	(erf) = vrcp.f32 v24  }
0x4da: {  	[tilespmem:$0x11180] =	vst v8;
	v51 =	vld [tilespmem:$0x10B80];
	v53 =	vmul.f32 v13, v33  }
0x4db: {  	v49 =	vld [tilespmem:$0x10A10];
	[tilespmem:$0x111A0] =	vst v10;
	v0 =	vsub.f32 v27, v0;
	v54 =	vmul.f32 v39, v45;
	v27 =	vmul.f32 v16, v43  }
0x4dc: {  	[tilespmem:$0x111D0] =	vst v53;
	v45 =	vmul.f32 v11, v30;
	v57 =	vld [tilespmem:$0x10DD0]  }
0x4dd: {  	v61 =	vmul.f32 v8, v52;
	[tilespmem:$0x113A0] =	vst v0;
	v4 =	vsub.f32 v44, v54;
	v3 =	vmul.f32 v27, v47;
	v50 =	vld [tilespmem:$0x10D90]  }
0x4de: {  	v52 =	vmul.f32 v2, v6;
	v54 =	vld [tilespmem:$0x10E10];
	[tilespmem:$0x111B0] =	vst v45  }
0x4df: {  	[tilespmem:$0x11360] =	vst v4;
	v41 =	vsub.f32 v51, v61;
	v38 =	vsub.f32 v46, v3;
	v46 =	vld [tilespmem:$0x10A60]  }
0x4e0: {  	[tilespmem:$0x11350] =	vst v56;
	v56 =	vsub.f32 v32, v52;
	v32 =	vld [tilespmem:$0x10A40]  }
0x4e1: {  	[tilespmem:$0x11380] =	vst v41;
	v48 =	vmul.f32 v45, v31;
	v34 =	vld [tilespmem:$0x10BD0]  }
0x4e2: {  	v41 =	vld [tilespmem:$0x10C50];
	[tilespmem:$0x113C0] =	vst v56;
	v57 =	vmul.f32 v53, v57;
	v63 =	vmul.f32 v59, v50;
	v61 =	vpop (erf)  }
0x4e3: {  	[tilespmem:$0x11200] =	vst v27;
	v53 =	vld [tilespmem:$0x10C60];
	v51 =	vsub.f32 v1, v48;
	v59 =	vmul.f32 v15, v62;
	v23 =	vmul.f32 v61, v23  }
0x4e4: {  	v31 =	vld [tilespmem:$0x10E30];
	[tilespmem:$0x11370] =	vst v60;
	v1 =	vmul.f32 v22, v46;
	v44 =	vsub.f32 v28, v63  }
0x4e5: {  	v45 =	vld [tilespmem:$0x10E50];
	[tilespmem:$0x113B0] =	vst v51;
	v63 =	vmul.f32 v5, v9;
	v30 =	vmul.f32 v59, v42;
	v9 =	vadd.f32 v23, v24  }
0x4e6: {  	[tilespmem:$0x11400] =	vst v38;
	v50 =	vld [tilespmem:$0x10C10];
	v62 =	vsub.f32 v34, v57  }
0x4e7: {  	[tilespmem:$0x11260] =	vst v1;
	v33 =	vsub.f32 v40, v30;
	v40 =	vld [tilespmem:$0x10A50];
	v9 =	vmul.f32 $5.000000000e-01, v9  }
0x4e8: {  	v28 =	vld [tilespmem:$0x10C30];
	[tilespmem:$0x113D0] =	vst v62  }
0x4e9: {  	v34 =	vmul.f32 v17, v49;
	[tilespmem:$0x111F0] =	vst v59;
	v55 =	vld [tilespmem:$0x10A20];
	(erf) = vrcp.f32 v9  }
0x4ea: {  	v5 =	vmul.f32 v20, v32;
	[tilespmem:$0x11390] =	vst v44;
	v44 =	vmul.f32 v19, v26;
	v35 =	vld [tilespmem:$0x10BE0]  }
0x4eb: {  	v60 =	vld [tilespmem:$0x10E20];
	v39 =	vmul.f32 v34, v54;
	[tilespmem:$0x11210] =	vst v34  }
0x4ec: {  	v58 =	vld [tilespmem:$0x10C20];
	[tilespmem:$0x11240] =	vst v5;
	v48 =	vmul.f32 v44, v31;
	v6 =	vmul.f32 v21, v40  }
0x4ed: {  	v49 =	vld [tilespmem:$0x10E60];
	v42 =	vsub.f32 v50, v39;
	[tilespmem:$0x113F0] =	vst v33  }
0x4ee: {  	v50 =	vld [tilespmem:$0x10A70];
	[tilespmem:$0x11230] =	vst v44;
	v51 =	vsub.f32 v28, v48;
	v56 =	vmul.f32 v6, v45;
	v36 =	vmul.f32 v18, v55  }
0x4ef: {  	[tilespmem:$0x11410] =	vst v42;
	v29 =	vsub.f32 v35, v63;
	v35 =	vld [tilespmem:$0x10C40]  }
0x4f0: {  	v54 =	vld [tilespmem:$0x10E70];
	[tilespmem:$0x11430] =	vst v51;
	v59 =	vsub.f32 v41, v56;
	v43 =	vmul.f32 v36, v60  }
0x4f1: {  	[tilespmem:$0x11250] =	vst v6  }
0x4f2: {  	v52 =	vmul.f32 v5, v37;
	[tilespmem:$0x11450] =	vst v59;
	v47 =	vsub.f32 v58, v43;
	v58 =	vld [tilespmem:$0x10C70];
	v57 =	vpop (erf)  }
0x4f3: {  	[tilespmem:$0x11220] =	vst v36;
	v60 =	vmul.f32 v1, v49;
	v2 =	vmul.f32 v57, v50  }
0x4f4: {  	[tilespmem:$0x113E0] =	vst v29;
	v55 =	vsub.f32 v35, v52  }
0x4f5: {  	[tilespmem:$0x11420] =	vst v47;
	v61 =	vsub.f32 v53, v60;
	v62 =	vmul.f32 v2, v54  }
0x4f6: {  	[tilespmem:$0x11440] =	vst v55  }
0x4f7: {  	[tilespmem:$0x11460] =	vst v61;
	v63 =	vsub.f32 v58, v62  }
0x4f8: {  	[tilespmem:$0x11270] =	vst v2  }
0x4f9: {  	[tilespmem:$0x11470] =	vst v63  }
0x4fa: {  	[tilespmem:s6], [sflag:$0x1] =	stream.linear.gather [hbm4b:s8+s6], $0x8000, $0x38;
	[tilespmem:$0x11480] =	vst v63  }
0x4fb: {  	_ =	swait.ge [sflag:s25], $0x8000  }
0x4fc: {  	[sflag:s25] =	ssyncset.done $0x0  }
0x4fd: {  	[sflag:s25] =	ssyncadd.s32 $0xFFFF8000  }
0x4fe: {  	[tilespmem:s26], [sflag:$0x2] =	stream.linear.gather [hbm4b:s12+s6], $0x8000, $0x38;
	[tilespmem:$0x11480] =	vst v63  }
0x4ff: {  	_ = 	snop  }
0x500: {  	[hbm4b:s9+s6] =	stream.linear.scatter [tilespmem:s6], [sflag:$0x3], $0x8000, $0x38;
	[tilespmem:$0x11480] =	vst v63  }
0x501: {  	_ =	swait.ge [sflag:s28], $0x8000  }
0x502: {  	[sflag:s28] =	ssyncset.done $0x0  }
0x503: {  	[sflag:s28] =	ssyncadd.s32 $0xFFFF8000  }
0x504: {  	_ =	swait.ge [sflag:s29], $0x8000  }
0x505: {  	[sflag:s29] =	ssyncset.done $0x0  }
0x506: {  	[sflag:s29] =	ssyncadd.s32 $0xFFFF8000  }
0x507: {  	[tilespmem:s6], [sflag:$0x1] =	stream.linear.gather [hbm4b:s10+s6], $0x8000, $0x38;
	[tilespmem:$0x11480] =	vst v63  }
0x508: {  	_ = 	snop  }
0x509: {  	[hbm4b:s13+s6] =	stream.linear.scatter [tilespmem:s26], [sflag:$0x4], $0x8000, $0x38;
	[tilespmem:$0x11480] =	vst v63  }
0x50a: {  	_ =	swait.ge [sflag:s25], $0x8000  }
0x50b: {  	[sflag:s25] =	ssyncset.done $0x0  }
0x50c: {  	[sflag:s25] =	ssyncadd.s32 $0xFFFF8000  }
0x50d: {  	_ =	swait.ge [sflag:s30], $0x8000  }
0x50e: {  	s0 =	sadd.s32 $0x0, s18;
	[sflag:s30] =	ssyncset.done $0x0  }
0x50f: {  	s4 =	sadd.s32 $0x3000, s0;
	s1 =	sadd.s32 $0x0, s17;
	[sflag:s30] =	ssyncadd.s32 $0xFFFF8000  }
0x510: {  	[tilespmem:s26], [sflag:$0x2] =	stream.linear.gather [hbm4b:s4+s6], $0x8000, $0x38;
	[tilespmem:$0x11480] =	vst v63  }
0x511: {  	s2 =	sadd.s32 $0x2000, s1  }
0x512: {  	[hbm4b:s2+s6] =	stream.linear.scatter [tilespmem:s6], [sflag:$0x3], $0x8000, $0x38;
	[tilespmem:$0x11480] =	vst v63  }
0x513: {  	_ =	swait.ge [sflag:s28], $0x8000  }
0x514: {  	[sflag:s28] =	ssyncset.done $0x0  }
0x515: {  	[sflag:s28] =	ssyncadd.s32 $0xFFFF8000  }
0x516: {  	_ =	swait.ge [sflag:s29], $0x8000  }
0x517: {  	[sflag:s29] =	ssyncset.done $0x0  }
0x518: {  	s0 =	sadd.s32 $0x4000, s0;
	[sflag:s29] =	ssyncadd.s32 $0xFFFF8000  }
0x519: {  	[tilespmem:s6], [sflag:$0x1] =	stream.linear.gather [hbm4b:s0+s6], $0x8000, $0x38;
	[tilespmem:$0x11480] =	vst v63  }
0x51a: {  	s4 =	sadd.s32 $0x3000, s1;
	s0 =	simm.s32 $0x2000  }
.LBB2_2:
0x51b: {  	[hbm4b:s4+s6] =	stream.linear.scatter [tilespmem:s26], [sflag:$0x4], $0x8000, $0x38;
	[tilespmem:$0x11480] =	vst v63  }
0x51c: {  	s1 =	smov.u32 s0  }
0x51d: {  	p0 =	sne.s32 s0, $0x1A000;
	s0 =	sadd.s32 $0x2000, s0;
	_ =	swait.ge [sflag:s25], $0x8000  }
0x51e: {  	[sflag:s25] =	ssyncset.done $0x0  }
0x51f: {  	[sflag:s25] =	ssyncadd.s32 $0xFFFF8000  }
0x520: {  	_ =	swait.ge [sflag:s30], $0x8000  }
0x521: {  	s4 =	sadd.s32 s1, s18;
	[sflag:s30] =	ssyncset.done $0x0  }
0x522: {  	s1 =	sadd.s32 s1, s17;
	s2 =	sadd.s32 $0x3000, s4;
	[sflag:s30] =	ssyncadd.s32 $0xFFFF8000  }
0x523: {  	[tilespmem:s26], [sflag:$0x2] =	stream.linear.gather [hbm4b:s2+s6], $0x8000, $0x38;
	[tilespmem:$0x11480] =	vst v63  }
0x524: {  	s2 =	sadd.s32 $0x2000, s1  }
0x525: {  	[hbm4b:s2+s6] =	stream.linear.scatter [tilespmem:s6], [sflag:$0x3], $0x8000, $0x38;
	[tilespmem:$0x11480] =	vst v63  }
0x526: {  	_ =	swait.ge [sflag:s28], $0x8000  }
0x527: {  	[sflag:s28] =	ssyncset.done $0x0  }
0x528: {  	[sflag:s28] =	ssyncadd.s32 $0xFFFF8000  }
.Ltmp0:
0x529: {  	_ =	swait.ge [sflag:s29], $0x8000;
	(pc) =	sbr.rel @p0 .LBB2_2-.Ltmp0, $4  }
0x52a: {  	[sflag:s29] =	ssyncset.done $0x0  }
0x52b: {  	s2 =	sadd.s32 $0x4000, s4;
	[sflag:s29] =	ssyncadd.s32 $0xFFFF8000  }
0x52c: {  	[tilespmem:s6], [sflag:$0x1] =	stream.linear.gather [hbm4b:s2+s6], $0x8000, $0x38;
	[tilespmem:$0x11480] =	vst v63  }
0x52d: {  	s4 =	sadd.s32 $0x3000, s1  }
0x52e: {  	[hbm4b:s4+s6] =	stream.linear.scatter [tilespmem:s26], [sflag:$0x4], $0x8000, $0x38;
	[tilespmem:$0x11480] =	vst v63  }
0x52f: {  	_ =	swait.ge [sflag:s25], $0x8000  }
0x530: {  	[sflag:s25] =	ssyncset.done $0x0  }
0x531: {  	[sflag:s25] =	ssyncadd.s32 $0xFFFF8000  }
0x532: {  	_ =	swait.ge [sflag:s30], $0x8000  }
0x533: {  	[sflag:s30] =	ssyncset.done $0x0  }
0x534: {  	[sflag:s30] =	ssyncadd.s32 $0xFFFF8000  }
0x535: {  	[tilespmem:s26], [sflag:$0x2] =	stream.linear.gather [hbm4b:s14+s6], $0x8000, $0x38;
	[tilespmem:$0x11480] =	vst v63  }
0x536: {  	_ = 	snop  }
0x537: {  	[hbm4b:s15+s6] =	stream.linear.scatter [tilespmem:s6], [sflag:$0x3], $0x8000, $0x38;
	[tilespmem:$0x11480] =	vst v63  }
0x538: {  	_ =	swait.ge [sflag:s28], $0x8000  }
0x539: {  	[sflag:s28] =	ssyncset.done $0x0  }
0x53a: {  	[sflag:s28] =	ssyncadd.s32 $0xFFFF8000  }
0x53b: {  	s31 =	sadd.s32 $0x1, s31;
	_ =	swait.ge [sflag:s29], $0x8000  }
0x53c: {  	p0 =	sne.s32 s31, s11;
	[sflag:s29] =	ssyncset.done $0x0  }
.Ltmp1:
0x53d: {  	[sflag:s29] =	ssyncadd.s32 $0xFFFF8000;
	(pc) =	sbr.rel @p0 .LBB2_1-.Ltmp1, $4  }
0x53e: {  	[hbm4b:s16+s6] =	stream.linear.scatter [tilespmem:s26], [sflag:$0x4], $0x8000, $0x38;
	[tilespmem:$0x11480] =	vst v63  }
0x53f: {  	_ =	swait.ge [sflag:s30], $0x8000  }
0x540: {  	[sflag:s30] =	ssyncset.done $0x0  }
0x541: {  	[sflag:s30] =	ssyncadd.s32 $0xFFFF8000  }
0x542: {  	_ =	sfence.sel $0x180000  }
0x543: {  	[bflag:$0x0] =	sbarrier.arrive $0xFFFF  }
0x544: {  	_ =	strace $0x90000047  }
0x545: {  	s0 =	stileid.u32;
	[bflag:$0x2] =	sbarrier.arrive $0xFFFF  }
0x546: {  	p0 =	sne.s32 s0, $0x0;
	s0 =	rddreg [dreg:$0x7]  }
0x547: {  	s0 =	sadd.s32 @!p0 $0x100000, s0  }
0x548: {  	[sflag:s0] =	ssyncadd.tile.s32 @!p0 $0x1;
	_ =	shalt  }
.Lfunc_end2:
_tile_overlayer_lowered:
.L_overlay_start_2:
0x549: {  	(tag) =	ssettag $0x2  }
0x54a: {  	s0 =	rddreg [dreg:$0x0];
	s2 =	stileid.u32  }
0x54b: {  	s1 =	rddreg [dreg:$0x1];
	p0 =	sne.s32 s2, $0x0  }
0x54c: {  	s3 =	rddreg [dreg:$0x2];
	[bflag:$0x3] =	sbarrier.arrive $0xFFFF;
	s2 =	simm.s32 @!p0 $0x1C05  }
0x54d: {  	[timem:s3], [sflag:s2] =	dma.local @!p0 [hbm:s0], s1  }
0x54e: {  	s0 =	simm.s32 @!p0 $0x5  }
0x54f: {  	_ =	swait.ge @!p0 [sflag:s0], s1  }
0x550: {  	s1 =	ssub.s32 @!p0 $0x0, s1;
	[sflag:s0] =	ssyncset.done @!p0 $0x0  }
0x551: {  	[sflag:s0] =	ssyncadd.s32 @!p0 s1  }
0x552: {  	[bflag:$0x3] =	sbarrier.arrive $0xFFFF  }
0x553: {  	_ =	shalt  }

</sc_bundles>
